<compile_context>
chip_gen: v7x
topology: tpu7x:2x2x1
jax: 0.10.2.dev20260603
libtpu: 0.0.44.dev20260713+nightly
codegen_flags: <defaults>
</compile_context>

<pallas_src>
import functools

import jax
import jax.numpy as jnp
from jax import lax
from jax.experimental import pallas as pl
from jax.experimental.pallas import tpu as pltpu
from jax.experimental.pallas import tpu_sc as plsc

_IMAGE_TOKEN_ID = 1

_N = 16384
_D = 2048
_NC = 2
_NS = 16
_NW = _NC * _NS
_CHUNK = _N // _NW
_L = 16
_GS = 3
_G = 1 << _GS
_NG = _CHUNK // _G
_K = 6
_PS = max(_G, 8)
_PSH = _PS.bit_length() - 1
_GTAB = (_CHUNK // _G) * _PS
_STAB = ((_CHUNK + _L) // _G) * _PS


def _mixer_body(ids_hbm, emb_hbm, src_hbm, out_hbm, ids_v, gidx, sidx,
                *rest):
    bufs = rest[:_K]
    gsems = rest[_K:2 * _K]
    ssems = rest[2 * _K:]
    wid = lax.axis_index("s") * _NC + lax.axis_index("c")
    base_tok = wid * _CHUNK
    lanes = lax.iota(jnp.int32, _L)

    pltpu.sync_copy(ids_hbm, ids_v)

    def pre_body(j, acc):
        v = ids_v[pl.ds(j * _L, _L)]
        return acc + (v == _IMAGE_TOKEN_ID).astype(jnp.int32)

    acc = lax.fori_loop(0, wid * (_CHUNK // _L), pre_body,
                        jnp.zeros((_L,), jnp.int32))
    base_m = jnp.sum(acc)

    def scan1(j, carry):
        cnt, lmp, lup = carry
        v = ids_v[pl.ds(base_tok + j * _L, _L)]
        mi = (v == _IMAGE_TOKEN_ID).astype(jnp.int32)
        gpos = base_tok + j * _L + lanes
        lmp = jnp.maximum(lmp, jnp.max(jnp.where(mi == 1, gpos, -1)))
        lup = jnp.maximum(lup, jnp.max(jnp.where(mi == 1, -1, gpos)))
        return cnt + jnp.sum(mi), lmp, lup

    cnt_m, lmp, lup = lax.fori_loop(
        0, _CHUNK // _L, scan1,
        (jnp.int32(0), jnp.int32(-1), jnp.int32(-1)))
    cnt_u = _CHUNK - cnt_m
    tm = (cnt_m + _G - 1) >> _GS
    tu = (cnt_u + _G - 1) >> _GS

    def fill(j, _):
        pos = j * _L + lanes
        k = ((pos >> _PSH) << _GS) + (pos & (_G - 1))
        sidx[pl.ds(j * _L, _L)] = jnp.where(pos < tm * _PS, lmp, lup)
        @pl.when(j * _L < _GTAB)
        def _():
            gidx[pl.ds(j * _L, _L)] = base_m + jnp.minimum(k, cnt_m - 1)
        return 0

    lax.fori_loop(0, _STAB // _L, fill, 0)

    def scan2(j, c):
        v = ids_v[pl.ds(base_tok + j * _L, _L)]
        mi = (v == _IMAGE_TOKEN_ID).astype(jnp.int32)
        csum = plsc.cumsum(mi)
        gpos = base_tok + j * _L + lanes
        lr = jnp.clip(c + csum - 1, 0, jnp.maximum(cnt_m - 1, 0))
        ur = jnp.clip(j * _L + lanes - (c + csum), 0,
                      jnp.maximum(cnt_u - 1, 0))
        lrp = ((lr >> _GS) * _PS) + (lr & (_G - 1))
        urp = tm * _PS + ((ur >> _GS) * _PS) + (ur & (_G - 1))
        plsc.store_scatter(sidx, [lrp], gpos, mask=(mi == 1))
        plsc.store_scatter(sidx, [urp], gpos, mask=(mi == 0))
        return c + jnp.max(csum)

    lax.fori_loop(0, _CHUNK // _L, scan2, jnp.int32(0))

    trips = tm + tu

    def drain_s(b):
        pltpu.make_async_copy(bufs[b], out_hbm.at[pl.ds(0, _G)],
                              ssems[b]).wait()

    def drain_g(b):
        pltpu.make_async_copy(src_hbm.at[pl.ds(0, _G)], bufs[b],
                              gsems[b]).wait()

    def gather(g, b):
        @pl.when(g < tm)
        def _():
            pltpu.async_copy(src_hbm.at[gidx.at[pl.ds(g * _PS, _G)]],
                             bufs[b], gsems[b])

        @pl.when(g >= tm)
        def _():
            pltpu.async_copy(emb_hbm.at[sidx.at[pl.ds(g * _PS, _G)]],
                             bufs[b], gsems[b])

    def scatter(g, b):
        drain_g(b)
        pltpu.async_copy(bufs[b], out_hbm.at[sidx.at[pl.ds(g * _PS, _G)]],
                         ssems[b])

    def slot(g, b, bpp):
        @pl.when(g < trips)
        def _():
            @pl.when(g >= _K)
            def _():
                drain_s(b)

            gather(g, b)

            @pl.when(g >= 2)
            def _():
                scatter(g - 2, bpp)

    def kslots(t, _):
        g = t * _K
        for i in range(_K):
            slot(g + i, i, (i - 2) % _K)
        return 0

    lax.fori_loop(0, (trips + _K - 1) // _K, kslots, 0)

    last = trips - 1
    for r in range(_K):
        @pl.when((trips >= 2) & ((last - 1) % _K == r))
        def _():
            scatter(last - 1, r)

    for r in range(_K):
        @pl.when((trips >= 1) & (last % _K == r))
        def _():
            scatter(last, r)

    for r in range(_K):
        @pl.when(trips >= r + 1)
        def _():
            drain_s(r)


@functools.cache
def _mixer():
    return pl.kernel(
        _mixer_body,
        out_type=jax.ShapeDtypeStruct((_N, _D), jnp.float32),
        mesh=plsc.VectorSubcoreMesh(core_axis_name="c", subcore_axis_name="s",
                                    num_cores=_NC, num_subcores=_NS),
        scratch_types=[
            pltpu.VMEM((_N,), jnp.int32),
            pltpu.VMEM((_GTAB,), jnp.int32),
            pltpu.VMEM((_STAB,), jnp.int32),
        ] + [pltpu.VMEM((_G, _D), jnp.float32)] * _K
          + [pltpu.SemaphoreType.DMA] * (2 * _K),
        compiler_params=pltpu.CompilerParams(needs_layout_passes=False),
    )


def kernel(input_ids, inputs_embeds, image_features):
    B, S, D = inputs_embeds.shape
    ids = input_ids.reshape(B * S).astype(jnp.int32)
    emb = inputs_embeds.reshape(B * S, D)
    src = image_features.reshape(B * S, D)
    out = _mixer()(ids, emb, src)
    return out.reshape(B, S, D)

# --- scband reference (transcript-rebuilt; emitter-appended) ---
"""Pipeline reference for scband-gemma3-multi-modal-mixer-84404697301157 (READ-ONLY COPY).

The authoritative reference and input builder live on the scoring server;
editing this copy changes nothing except your own understanding.
"""

import jax, jax.numpy as jnp
import numpy as np

IMAGE_TOKEN_ID = 1


def setup_inputs(seed: int = 0) -> dict:
    key = jax.random.key(seed)
    B, S, D = 4, 4096, 2048
    k1, k2, k3 = jax.random.split(key, 3)
    input_ids = jax.random.randint(k1, (B, S), 0, 2)
    inputs_embeds = jax.random.normal(k2, (B, S, D), dtype=jnp.float32)
    image_features = jax.random.normal(k3, (B * S, D), dtype=jnp.float32)
    return {
        "input_ids": input_ids,
        "inputs_embeds": inputs_embeds,
        "image_features": image_features,
    }


def reference(input_ids, inputs_embeds, image_features):
    # torch masked_scatter semantics: positions where mask is True are filled,
    # in row-major order, with consecutive elements from the flattened source.
    B, S, D = inputs_embeds.shape
    mask = (input_ids == IMAGE_TOKEN_ID).reshape(-1)  # [B*S]
    # Because the mask is expanded uniformly over the last (embedding) dim,
    # the i-th True token consumes the i-th row of image_features (viewed as [-1, D]).
    src = image_features.reshape(-1, D)
    idx = jnp.cumsum(mask.astype(jnp.int32)) - 1  # source row index for each True position
    idx = jnp.clip(idx, 0, src.shape[0] - 1)
    gathered = jnp.take(src, idx, axis=0)  # [B*S, D]
    flat = inputs_embeds.reshape(-1, D)
    out = jnp.where(mask[:, None], gathered, flat)
    return out.reshape(B, S, D)

if __name__ == "__main__":
    import jax
    _d = setup_inputs()
    print(jax.jit(kernel)(*tuple(_d.values())))

</pallas_src>

<mosaic_0001>
#map = affine_map<(d0, d1) -> (0)>
#map1 = affine_map<(d0, d1) -> (0, 0)>
module attributes {stable_mosaic.version = 14 : i64} {
  func.func @_mixer_body(%arg0: i32, %arg1: i32, %arg2: memref<16384xi32, #tpu.memory_space<hbm>>, %arg3: memref<16384x2048xf32, #tpu.memory_space<hbm>>, %arg4: memref<16384x2048xf32, #tpu.memory_space<hbm>>, %arg5: memref<16384x2048xf32, #tpu.memory_space<hbm>>, %arg6: memref<16384xi32, #tpu.memory_space<vmem>>, %arg7: memref<512xi32, #tpu.memory_space<vmem>>, %arg8: memref<528xi32, #tpu.memory_space<vmem>>, %arg9: memref<8x2048xf32, #tpu.memory_space<vmem>>, %arg10: memref<8x2048xf32, #tpu.memory_space<vmem>>, %arg11: memref<8x2048xf32, #tpu.memory_space<vmem>>, %arg12: memref<8x2048xf32, #tpu.memory_space<vmem>>, %arg13: memref<8x2048xf32, #tpu.memory_space<vmem>>, %arg14: memref<8x2048xf32, #tpu.memory_space<vmem>>, %arg15: memref<!tpu.dma_semaphore, #tpu.memory_space<semaphore_mem>>, %arg16: memref<!tpu.dma_semaphore, #tpu.memory_space<semaphore_mem>>, %arg17: memref<!tpu.dma_semaphore, #tpu.memory_space<semaphore_mem>>, %arg18: memref<!tpu.dma_semaphore, #tpu.memory_space<semaphore_mem>>, %arg19: memref<!tpu.dma_semaphore, #tpu.memory_space<semaphore_mem>>, %arg20: memref<!tpu.dma_semaphore, #tpu.memory_space<semaphore_mem>>, %arg21: memref<!tpu.dma_semaphore, #tpu.memory_space<semaphore_mem>>, %arg22: memref<!tpu.dma_semaphore, #tpu.memory_space<semaphore_mem>>, %arg23: memref<!tpu.dma_semaphore, #tpu.memory_space<semaphore_mem>>, %arg24: memref<!tpu.dma_semaphore, #tpu.memory_space<semaphore_mem>>, %arg25: memref<!tpu.dma_semaphore, #tpu.memory_space<semaphore_mem>>, %arg26: memref<!tpu.dma_semaphore, #tpu.memory_space<semaphore_mem>>) attributes {dimension_semantics = [#tpu.dimension_semantics<core_parallel>, #tpu.dimension_semantics<subcore_parallel>], iteration_bounds = array<i64: 2, 16>, scalar_prefetch = 0 : i64, scratch_operands = 21 : i64, tpu.core_type = #tpu.core_type<sc_vector_subcore>, window_params = [{transform_indices = #map}, {transform_indices = #map1}, {transform_indices = #map1}, {transform_indices = #map1}]} {
    %mul3A = arith.constant 2 : i32
    %mul3A_0 = arith.muli %arg1, %mul3A : i32
    %add3A = arith.addi %mul3A_0, %arg0 : i32
    %mul3A_1 = arith.constant 512 : i32
    %mul3A_2 = arith.muli %add3A, %mul3A_1 : i32
    %iota3A = tpu.iota {dimensions = array<i32: 0>} : vector<16xi32>
    "tpu.region"() ({
      %run_scoped3A = tpu.sem_alloc : memref<!tpu.dma_semaphore, #tpu.memory_space<semaphore_mem>>
      tpu.enqueue_dma source(%arg2 : memref<16384xi32, #tpu.memory_space<hbm>>) target(%arg6 : memref<16384xi32, #tpu.memory_space<vmem>>) target_semaphore(%run_scoped3A : memref<!tpu.dma_semaphore, #tpu.memory_space<semaphore_mem>>)
      tpu.wait_dma2 semaphore(%run_scoped3A : memref<!tpu.dma_semaphore, #tpu.memory_space<semaphore_mem>>) src(%arg2 : memref<16384xi32, #tpu.memory_space<hbm>>) dst(%arg6 : memref<16384xi32, #tpu.memory_space<vmem>>)
      tpu.yield
    }) : () -> ()
    %mul3A_3 = arith.constant 32 : i32
    %mul3A_4 = arith.muli %add3A, %mul3A_3 : i32
    %broadcast_in_dim3A = arith.constant 0 : i32
    %broadcast_in_dim3A_5 = vector.broadcast %broadcast_in_dim3A : i32 to vector<16xi32>
    %while3A = arith.constant 0 : i32
    %while3A_6 = arith.subi %mul3A_4, %while3A : i32
    %while3A_7 = arith.addi %while3A, %while3A_6 : i32
    %while3A_8 = arith.constant 1 : i32
    %while3A_9 = arith.divsi %while3A_6, %while3A_8 : i32
    %while3A_10 = arith.muli %while3A_9, %while3A_8 : i32
    %while3A_11 = arith.addi %while3A, %while3A_10 : i32
    %while3A_12 = arith.constant 1 : i32
    %while3A_13 = scf.for %while3A_414 = %while3A to %while3A_11 step %while3A_12 iter_args(%while3A_415 = %broadcast_in_dim3A_5) -> (vector<16xi32>)  : i32 {
      %mul3A_416 = arith.constant 16 : i32
      %mul3A_417 = arith.muli %while3A_414, %mul3A_416 : i32
      %get3A = arith.index_cast %mul3A_417 : i32 to index
      %get3A_418 = tpu.vector_load %arg6[%get3A] {strides = array<i32>} : memref<16384xi32, #tpu.memory_space<vmem>>, vector<16xi32>,
      %eq3A_419 = arith.constant 1 : i32
      %eq3A_420 = vector.broadcast %eq3A_419 : i32 to vector<16xi32>
      %eq3A_421 = arith.cmpi eq, %get3A_418, %eq3A_420 : vector<16xi32>
      %convert_element_type3A_422 = arith.extui %eq3A_421 : vector<16xi1> to vector<16xi32>
      %add3A_423 = arith.addi %while3A_415, %convert_element_type3A_422 : vector<16xi32>
      scf.yield %add3A_423 : vector<16xi32>
    }
    %while3A_14 = arith.constant 1 : i32
    %while3A_15 = scf.for %while3A_414 = %while3A_11 to %while3A_7 step %while3A_14 iter_args(%while3A_415 = %while3A_13) -> (vector<16xi32>)  : i32 {
      %mul3A_416 = arith.constant 16 : i32
      %mul3A_417 = arith.muli %while3A_414, %mul3A_416 : i32
      %get3A = arith.index_cast %mul3A_417 : i32 to index
      %get3A_418 = tpu.vector_load %arg6[%get3A] {strides = array<i32>} : memref<16384xi32, #tpu.memory_space<vmem>>, vector<16xi32>,
      %eq3A_419 = arith.constant 1 : i32
      %eq3A_420 = vector.broadcast %eq3A_419 : i32 to vector<16xi32>
      %eq3A_421 = arith.cmpi eq, %get3A_418, %eq3A_420 : vector<16xi32>
      %convert_element_type3A_422 = arith.extui %eq3A_421 : vector<16xi1> to vector<16xi32>
      %add3A_423 = arith.addi %while3A_415, %convert_element_type3A_422 : vector<16xi32>
      scf.yield %add3A_423 : vector<16xi32>
    }
    %reduce_sum3A = arith.constant true
    %reduce_sum3A_16 = vector.broadcast %reduce_sum3A : i1 to vector<16xi1>
    %reduce_sum3A_17 = tpu.scan <sum>, %while3A_15 masked %reduce_sum3A_16 : vector<16xi32>, vector<16xi1> -> vector<16xi32>
    %reduce_sum3A_18 = vector.extract %reduce_sum3A_17[15] : i32 from vector<16xi32>
    %scan3A = arith.constant 0 : i32
    %scan3A_19 = arith.constant -1 : i32
    %scan3A_20 = arith.constant -1 : i32
    %scan3A_21 = arith.constant 0 : i32
    %scan3A_22 = arith.constant 32 : i32
    %scan3A_23 = arith.addi %scan3A_21, %scan3A_22 : i32
    %scan3A_24 = arith.constant 1 : i32
    %scan3A_25:3 = scf.for %scan3A_414 = %scan3A_21 to %scan3A_23 step %scan3A_24 iter_args(%scan3A_415 = %scan3A, %scan3A_416 = %scan3A_19, %scan3A_417 = %scan3A_20) -> (i32, i32, i32)  : i32 {
      %mul3A_418 = arith.constant 16 : i32
      %mul3A_419 = arith.muli %scan3A_414, %mul3A_418 : i32
      %add3A_420 = arith.addi %mul3A_2, %mul3A_419 : i32
      %get3A = arith.index_cast %add3A_420 : i32 to index
      %get3A_421 = tpu.vector_load %arg6[%get3A] {strides = array<i32>} : memref<16384xi32, #tpu.memory_space<vmem>>, vector<16xi32>,
      %eq3A_422 = arith.constant 1 : i32
      %eq3A_423 = vector.broadcast %eq3A_422 : i32 to vector<16xi32>
      %eq3A_424 = arith.cmpi eq, %get3A_421, %eq3A_423 : vector<16xi32>
      %convert_element_type3A_425 = arith.extui %eq3A_424 : vector<16xi1> to vector<16xi32>
      %mul3A_426 = arith.constant 16 : i32
      %mul3A_427 = arith.muli %scan3A_414, %mul3A_426 : i32
      %add3A_428 = arith.addi %mul3A_2, %mul3A_427 : i32
      %add3A_429 = vector.broadcast %add3A_428 : i32 to vector<16xi32>
      %add3A_430 = arith.addi %add3A_429, %iota3A : vector<16xi32>
      %eq3A_431 = arith.constant 1 : i32
      %eq3A_432 = vector.broadcast %eq3A_431 : i32 to vector<16xi32>
      %eq3A_433 = arith.cmpi eq, %convert_element_type3A_425, %eq3A_432 : vector<16xi32>
      %jit3A_434 = arith.constant -1 : i32
      %broadcast_in_dim3A_435 = vector.broadcast %jit3A_434 : i32 to vector<16xi32>
      %select_n3A_436 = arith.select %eq3A_433, %add3A_430, %broadcast_in_dim3A_435 : vector<16xi1>, vector<16xi32>
      %reduce_max3A = arith.constant true
      %reduce_max3A_437 = vector.broadcast %reduce_max3A : i1 to vector<16xi1>
      %reduce_max3A_438 = arith.constant -2147483648 : i32
      %reduce_max3A_439 = vector.broadcast %reduce_max3A_438 : i32 to vector<16xi32>
      %reduce_max3A_440 = arith.xori %select_n3A_436, %reduce_max3A_439 : vector<16xi32>
      %reduce_max3A_441 = tpu.scan <max>, %reduce_max3A_440 masked %reduce_max3A_437 : vector<16xi32>, vector<16xi1> -> vector<16xi32>
      %reduce_max3A_442 = arith.xori %reduce_max3A_441, %reduce_max3A_439 : vector<16xi32>
      %reduce_max3A_443 = vector.extract %reduce_max3A_442[15] : i32 from vector<16xi32>
      %max3A = arith.maxsi %scan3A_416, %reduce_max3A_443 : i32
      %eq3A_444 = arith.constant 1 : i32
      %eq3A_445 = vector.broadcast %eq3A_444 : i32 to vector<16xi32>
      %eq3A_446 = arith.cmpi eq, %convert_element_type3A_425, %eq3A_445 : vector<16xi32>
      %jit3A_447 = arith.constant -1 : i32
      %broadcast_in_dim3A_448 = vector.broadcast %jit3A_447 : i32 to vector<16xi32>
      %select_n3A_449 = arith.select %eq3A_446, %broadcast_in_dim3A_448, %add3A_430 : vector<16xi1>, vector<16xi32>
      %reduce_max3A_450 = arith.constant true
      %reduce_max3A_451 = vector.broadcast %reduce_max3A_450 : i1 to vector<16xi1>
      %reduce_max3A_452 = arith.constant -2147483648 : i32
      %reduce_max3A_453 = vector.broadcast %reduce_max3A_452 : i32 to vector<16xi32>
      %reduce_max3A_454 = arith.xori %select_n3A_449, %reduce_max3A_453 : vector<16xi32>
      %reduce_max3A_455 = tpu.scan <max>, %reduce_max3A_454 masked %reduce_max3A_451 : vector<16xi32>, vector<16xi1> -> vector<16xi32>
      %reduce_max3A_456 = arith.xori %reduce_max3A_455, %reduce_max3A_453 : vector<16xi32>
      %reduce_max3A_457 = vector.extract %reduce_max3A_456[15] : i32 from vector<16xi32>
      %max3A_458 = arith.maxsi %scan3A_417, %reduce_max3A_457 : i32
      %reduce_sum3A_459 = arith.constant true
      %reduce_sum3A_460 = vector.broadcast %reduce_sum3A_459 : i1 to vector<16xi1>
      %reduce_sum3A_461 = tpu.scan <sum>, %convert_element_type3A_425 masked %reduce_sum3A_460 : vector<16xi32>, vector<16xi1> -> vector<16xi32>
      %reduce_sum3A_462 = vector.extract %reduce_sum3A_461[15] : i32 from vector<16xi32>
      %add3A_463 = arith.addi %scan3A_415, %reduce_sum3A_462 : i32
      scf.yield %add3A_463, %max3A, %max3A_458 : i32, i32, i32
    }
    %scan3A_26 = arith.constant 32 : i32
    %sub3A = arith.constant 512 : i32
    %sub3A_27 = arith.subi %sub3A, %scan3A_25#0 : i32
    %add3A_28 = arith.constant 8 : i32
    %add3A_29 = arith.addi %scan3A_25#0, %add3A_28 : i32
    %sub3A_30 = arith.constant 1 : i32
    %sub3A_31 = arith.subi %add3A_29, %sub3A_30 : i32
    %shift_right_arithmetic3A = arith.constant 3 : i32
    %shift_right_arithmetic3A_32 = arith.shrsi %sub3A_31, %shift_right_arithmetic3A : i32
    %add3A_33 = arith.constant 8 : i32
    %add3A_34 = arith.addi %sub3A_27, %add3A_33 : i32
    %sub3A_35 = arith.constant 1 : i32
    %sub3A_36 = arith.subi %add3A_34, %sub3A_35 : i32
    %shift_right_arithmetic3A_37 = arith.constant 3 : i32
    %shift_right_arithmetic3A_38 = arith.shrsi %sub3A_36, %shift_right_arithmetic3A_37 : i32
    %scan3A_39 = arith.constant 0 : i32
    %scan3A_40 = arith.constant 0 : i32
    %scan3A_41 = arith.constant 33 : i32
    %scan3A_42 = arith.addi %scan3A_40, %scan3A_41 : i32
    %scan3A_43 = arith.constant 1 : i32
    %scan3A_44 = scf.for %scan3A_414 = %scan3A_40 to %scan3A_42 step %scan3A_43 iter_args(%scan3A_415 = %scan3A_39) -> (i32)  : i32 {
      %mul3A_416 = arith.constant 16 : i32
      %mul3A_417 = arith.muli %scan3A_414, %mul3A_416 : i32
      %add3A_418 = vector.broadcast %mul3A_417 : i32 to vector<16xi32>
      %add3A_419 = arith.addi %add3A_418, %iota3A : vector<16xi32>
      %shift_right_arithmetic3A_420 = arith.constant 3 : i32
      %shift_right_arithmetic3A_421 = vector.broadcast %shift_right_arithmetic3A_420 : i32 to vector<16xi32>
      %shift_right_arithmetic3A_422 = arith.shrsi %add3A_419, %shift_right_arithmetic3A_421 : vector<16xi32>
      %shift_left3A = arith.constant 3 : i32
      %shift_left3A_423 = vector.broadcast %shift_left3A : i32 to vector<16xi32>
      %shift_left3A_424 = arith.shli %shift_right_arithmetic3A_422, %shift_left3A_423 : vector<16xi32>
      %and3A_425 = arith.constant 7 : i32
      %and3A_426 = vector.broadcast %and3A_425 : i32 to vector<16xi32>
      %and3A_427 = arith.andi %add3A_419, %and3A_426 : vector<16xi32>
      %add3A_428 = arith.addi %shift_left3A_424, %and3A_427 : vector<16xi32>
      %mul3A_429 = arith.constant 8 : i32
      %mul3A_430 = arith.muli %shift_right_arithmetic3A_32, %mul3A_429 : i32
      %lt3A_431 = vector.broadcast %mul3A_430 : i32 to vector<16xi32>
      %lt3A_432 = arith.cmpi slt, %add3A_419, %lt3A_431 : vector<16xi32>
      %broadcast_in_dim3A_433 = vector.broadcast %scan3A_25#1 : i32 to vector<16xi32>
      %broadcast_in_dim3A_434 = vector.broadcast %scan3A_25#2 : i32 to vector<16xi32>
      %select_n3A_435 = arith.select %lt3A_432, %broadcast_in_dim3A_433, %broadcast_in_dim3A_434 : vector<16xi1>, vector<16xi32>
      %mul3A_436 = arith.constant 16 : i32
      %mul3A_437 = arith.muli %scan3A_414, %mul3A_436 : i32
      %swap3A = arith.index_cast %mul3A_437 : i32 to index
      %swap3A_438 = tpu.vector_load %arg8[%swap3A] {strides = array<i32>} : memref<528xi32, #tpu.memory_space<vmem>>, vector<16xi32>,
      tpu.vector_store %arg8[%swap3A], %select_n3A_435 {strides = array<i32>} : memref<528xi32, #tpu.memory_space<vmem>>, vector<16xi32>,
      %mul3A_439 = arith.constant 16 : i32
      %mul3A_440 = arith.muli %scan3A_414, %mul3A_439 : i32
      %lt3A_441 = arith.constant 512 : i32
      %lt3A_442 = arith.cmpi slt, %mul3A_440, %lt3A_441 : i32
      %convert_element_type3A_443 = arith.extui %lt3A_442 : i1 to i32
      %cond3A_444 = arith.constant 0 : i32
      %cond3A_445 = arith.cmpi ne, %convert_element_type3A_443, %cond3A_444 : i32
      scf.if %cond3A_445 {
        %sub3A_447 = arith.constant 1 : i32
        %sub3A_448 = arith.subi %scan3A_25#0, %sub3A_447 : i32
        %min3A = vector.broadcast %sub3A_448 : i32 to vector<16xi32>
        %min3A_449 = arith.minsi %add3A_428, %min3A : vector<16xi32>
        %add3A_450 = vector.broadcast %reduce_sum3A_18 : i32 to vector<16xi32>
        %add3A_451 = arith.addi %add3A_450, %min3A_449 : vector<16xi32>
        %mul3A_452 = arith.constant 16 : i32
        %mul3A_453 = arith.muli %scan3A_414, %mul3A_452 : i32
        %swap3A_454 = arith.index_cast %mul3A_453 : i32 to index
        %swap3A_455 = tpu.vector_load %arg7[%swap3A_454] {strides = array<i32>} : memref<512xi32, #tpu.memory_space<vmem>>, vector<16xi32>,
        tpu.vector_store %arg7[%swap3A_454], %add3A_451 {strides = array<i32>} : memref<512xi32, #tpu.memory_space<vmem>>, vector<16xi32>,
      } else {
      }
      %scan3A_446 = arith.constant 0 : i32
      scf.yield %scan3A_446 : i32
    }
    %scan3A_45 = arith.constant 33 : i32
    %scan3A_46 = arith.constant 0 : i32
    %scan3A_47 = arith.constant 0 : i32
    %scan3A_48 = arith.constant 32 : i32
    %scan3A_49 = arith.addi %scan3A_47, %scan3A_48 : i32
    %scan3A_50 = arith.constant 1 : i32
    %scan3A_51 = scf.for %scan3A_414 = %scan3A_47 to %scan3A_49 step %scan3A_50 iter_args(%scan3A_415 = %scan3A_46) -> (i32)  : i32 {
      %mul3A_416 = arith.constant 16 : i32
      %mul3A_417 = arith.muli %scan3A_414, %mul3A_416 : i32
      %add3A_418 = arith.addi %mul3A_2, %mul3A_417 : i32
      %get3A = arith.index_cast %add3A_418 : i32 to index
      %get3A_419 = tpu.vector_load %arg6[%get3A] {strides = array<i32>} : memref<16384xi32, #tpu.memory_space<vmem>>, vector<16xi32>,
      %eq3A_420 = arith.constant 1 : i32
      %eq3A_421 = vector.broadcast %eq3A_420 : i32 to vector<16xi32>
      %eq3A_422 = arith.cmpi eq, %get3A_419, %eq3A_421 : vector<16xi32>
      %convert_element_type3A_423 = arith.extui %eq3A_422 : vector<16xi1> to vector<16xi32>
      %broadcast_in_dim3A_424 = arith.constant true
      %broadcast_in_dim3A_425 = vector.broadcast %broadcast_in_dim3A_424 : i1 to vector<16xi1>
      %masked_cumsum3A = tpu.scan <sum>, %convert_element_type3A_423 masked %broadcast_in_dim3A_425 : vector<16xi32>, vector<16xi1> -> vector<16xi32>
      %mul3A_426 = arith.constant 16 : i32
      %mul3A_427 = arith.muli %scan3A_414, %mul3A_426 : i32
      %add3A_428 = arith.addi %mul3A_2, %mul3A_427 : i32
      %add3A_429 = vector.broadcast %add3A_428 : i32 to vector<16xi32>
      %add3A_430 = arith.addi %add3A_429, %iota3A : vector<16xi32>
      %add3A_431 = vector.broadcast %scan3A_415 : i32 to vector<16xi32>
      %add3A_432 = arith.addi %add3A_431, %masked_cumsum3A : vector<16xi32>
      %sub3A_433 = arith.constant 1 : i32
      %sub3A_434 = vector.broadcast %sub3A_433 : i32 to vector<16xi32>
      %sub3A_435 = arith.subi %add3A_432, %sub3A_434 : vector<16xi32>
      %sub3A_436 = arith.constant 1 : i32
      %sub3A_437 = arith.subi %scan3A_25#0, %sub3A_436 : i32
      %max3A = arith.constant 0 : i32
      %max3A_438 = arith.maxsi %sub3A_437, %max3A : i32
      %jit3A_439 = arith.constant 0 : i32
      %max3A_440 = vector.broadcast %jit3A_439 : i32 to vector<16xi32>
      %max3A_441 = arith.maxsi %max3A_440, %sub3A_435 : vector<16xi32>
      %min3A = vector.broadcast %max3A_438 : i32 to vector<16xi32>
      %min3A_442 = arith.minsi %min3A, %max3A_441 : vector<16xi32>
      %mul3A_443 = arith.constant 16 : i32
      %mul3A_444 = arith.muli %scan3A_414, %mul3A_443 : i32
      %add3A_445 = vector.broadcast %mul3A_444 : i32 to vector<16xi32>
      %add3A_446 = arith.addi %add3A_445, %iota3A : vector<16xi32>
      %add3A_447 = vector.broadcast %scan3A_415 : i32 to vector<16xi32>
      %add3A_448 = arith.addi %add3A_447, %masked_cumsum3A : vector<16xi32>
      %sub3A_449 = arith.subi %add3A_446, %add3A_448 : vector<16xi32>
      %sub3A_450 = arith.constant 1 : i32
      %sub3A_451 = arith.subi %sub3A_27, %sub3A_450 : i32
      %max3A_452 = arith.constant 0 : i32
      %max3A_453 = arith.maxsi %sub3A_451, %max3A_452 : i32
      %jit3A_454 = arith.constant 0 : i32
      %max3A_455 = vector.broadcast %jit3A_454 : i32 to vector<16xi32>
      %max3A_456 = arith.maxsi %max3A_455, %sub3A_449 : vector<16xi32>
      %min3A_457 = vector.broadcast %max3A_453 : i32 to vector<16xi32>
      %min3A_458 = arith.minsi %min3A_457, %max3A_456 : vector<16xi32>
      %shift_right_arithmetic3A_459 = arith.constant 3 : i32
      %shift_right_arithmetic3A_460 = vector.broadcast %shift_right_arithmetic3A_459 : i32 to vector<16xi32>
      %shift_right_arithmetic3A_461 = arith.shrsi %min3A_442, %shift_right_arithmetic3A_460 : vector<16xi32>
      %mul3A_462 = arith.constant 8 : i32
      %mul3A_463 = vector.broadcast %mul3A_462 : i32 to vector<16xi32>
      %mul3A_464 = arith.muli %shift_right_arithmetic3A_461, %mul3A_463 : vector<16xi32>
      %and3A_465 = arith.constant 7 : i32
      %and3A_466 = vector.broadcast %and3A_465 : i32 to vector<16xi32>
      %and3A_467 = arith.andi %min3A_442, %and3A_466 : vector<16xi32>
      %add3A_468 = arith.addi %mul3A_464, %and3A_467 : vector<16xi32>
      %mul3A_469 = arith.constant 8 : i32
      %mul3A_470 = arith.muli %shift_right_arithmetic3A_32, %mul3A_469 : i32
      %shift_right_arithmetic3A_471 = arith.constant 3 : i32
      %shift_right_arithmetic3A_472 = vector.broadcast %shift_right_arithmetic3A_471 : i32 to vector<16xi32>
      %shift_right_arithmetic3A_473 = arith.shrsi %min3A_458, %shift_right_arithmetic3A_472 : vector<16xi32>
      %mul3A_474 = arith.constant 8 : i32
      %mul3A_475 = vector.broadcast %mul3A_474 : i32 to vector<16xi32>
      %mul3A_476 = arith.muli %shift_right_arithmetic3A_473, %mul3A_475 : vector<16xi32>
      %add3A_477 = vector.broadcast %mul3A_470 : i32 to vector<16xi32>
      %add3A_478 = arith.addi %add3A_477, %mul3A_476 : vector<16xi32>
      %and3A_479 = arith.constant 7 : i32
      %and3A_480 = vector.broadcast %and3A_479 : i32 to vector<16xi32>
      %and3A_481 = arith.andi %min3A_458, %and3A_480 : vector<16xi32>
      %add3A_482 = arith.addi %add3A_478, %and3A_481 : vector<16xi32>
      %eq3A_483 = arith.constant 1 : i32
      %eq3A_484 = vector.broadcast %eq3A_483 : i32 to vector<16xi32>
      %eq3A_485 = arith.cmpi eq, %convert_element_type3A_423, %eq3A_484 : vector<16xi32>
      tpu.vector_store_idx %arg8[%add3A_468], %add3A_430 masked %eq3A_485 : memref<528xi32, #tpu.memory_space<vmem>>[vector<16xi32>], vector<16xi32>, vector<16xi1>
      %eq3A_486 = arith.constant 0 : i32
      %eq3A_487 = vector.broadcast %eq3A_486 : i32 to vector<16xi32>
      %eq3A_488 = arith.cmpi eq, %convert_element_type3A_423, %eq3A_487 : vector<16xi32>
      tpu.vector_store_idx %arg8[%add3A_482], %add3A_430 masked %eq3A_488 : memref<528xi32, #tpu.memory_space<vmem>>[vector<16xi32>], vector<16xi32>, vector<16xi1>
      %reduce_max3A = arith.constant true
      %reduce_max3A_489 = vector.broadcast %reduce_max3A : i1 to vector<16xi1>
      %reduce_max3A_490 = arith.constant -2147483648 : i32
      %reduce_max3A_491 = vector.broadcast %reduce_max3A_490 : i32 to vector<16xi32>
      %reduce_max3A_492 = arith.xori %masked_cumsum3A, %reduce_max3A_491 : vector<16xi32>
      %reduce_max3A_493 = tpu.scan <max>, %reduce_max3A_492 masked %reduce_max3A_489 : vector<16xi32>, vector<16xi1> -> vector<16xi32>
      %reduce_max3A_494 = arith.xori %reduce_max3A_493, %reduce_max3A_491 : vector<16xi32>
      %reduce_max3A_495 = vector.extract %reduce_max3A_494[15] : i32 from vector<16xi32>
      %add3A_496 = arith.addi %scan3A_415, %reduce_max3A_495 : i32
      scf.yield %add3A_496 : i32
    }
    %scan3A_52 = arith.constant 32 : i32
    %add3A_53 = arith.addi %shift_right_arithmetic3A_32, %shift_right_arithmetic3A_38 : i32
    %add3A_54 = arith.constant 6 : i32
    %add3A_55 = arith.addi %add3A_53, %add3A_54 : i32
    %sub3A_56 = arith.constant 1 : i32
    %sub3A_57 = arith.subi %add3A_55, %sub3A_56 : i32
    %jit3A = arith.constant 6 : i32
    %div3A = arith.divsi %sub3A_57, %jit3A : i32
    %sign3A = arith.constant 0 : i32
    %sign3A_58 = arith.cmpi sgt, %sub3A_57, %sign3A : i32
    %sign3A_59 = arith.extui %sign3A_58 : i1 to i32
    %sign3A_60 = arith.constant 0 : i32
    %sign3A_61 = arith.cmpi slt, %sub3A_57, %sign3A_60 : i32
    %sign3A_62 = arith.extui %sign3A_61 : i1 to i32
    %sign3A_63 = arith.subi %sign3A_59, %sign3A_62 : i32
    %sign3A_64 = arith.constant 0 : i32
    %sign3A_65 = arith.cmpi sgt, %jit3A, %sign3A_64 : i32
    %sign3A_66 = arith.extui %sign3A_65 : i1 to i32
    %sign3A_67 = arith.constant 0 : i32
    %sign3A_68 = arith.cmpi slt, %jit3A, %sign3A_67 : i32
    %sign3A_69 = arith.extui %sign3A_68 : i1 to i32
    %sign3A_70 = arith.subi %sign3A_66, %sign3A_69 : i32
    %ne3A = arith.cmpi ne, %sign3A_63, %sign3A_70 : i32
    %rem3A = arith.remsi %sub3A_57, %jit3A : i32
    %ne3A_71 = arith.constant 0 : i32
    %ne3A_72 = arith.cmpi ne, %rem3A, %ne3A_71 : i32
    %and3A = arith.andi %ne3A, %ne3A_72 : i1
    %sub3A_73 = arith.constant 1 : i32
    %sub3A_74 = arith.subi %div3A, %sub3A_73 : i32
    %select_n3A = arith.select %and3A, %sub3A_74, %div3A : i32
    %while3A_75 = arith.constant 0 : i32
    %while3A_76 = arith.constant 0 : i32
    %while3A_77 = arith.subi %select_n3A, %while3A_75 : i32
    %while3A_78 = arith.addi %while3A_75, %while3A_77 : i32
    %while3A_79 = arith.constant 1 : i32
    %while3A_80 = arith.divsi %while3A_77, %while3A_79 : i32
    %while3A_81 = arith.muli %while3A_80, %while3A_79 : i32
    %while3A_82 = arith.addi %while3A_75, %while3A_81 : i32
    %while3A_83 = arith.constant 1 : i32
    %while3A_84 = scf.for %while3A_414 = %while3A_75 to %while3A_82 step %while3A_83 iter_args(%while3A_415 = %while3A_76) -> (i32)  : i32 {
      %mul3A_416 = arith.constant 6 : i32
      %mul3A_417 = arith.muli %while3A_414, %mul3A_416 : i32
      %add3A_418 = arith.constant 0 : i32
      %add3A_419 = arith.addi %mul3A_417, %add3A_418 : i32
      %lt3A_420 = arith.cmpi slt, %add3A_419, %add3A_53 : i32
      %convert_element_type3A_421 = arith.extui %lt3A_420 : i1 to i32
      %cond3A_422 = arith.constant 0 : i32
      %cond3A_423 = arith.cmpi ne, %convert_element_type3A_421, %cond3A_422 : i32
      scf.if %cond3A_423 {
        %ge3A_455 = arith.constant 6 : i32
        %ge3A_456 = arith.cmpi sge, %add3A_419, %ge3A_455 : i32
        %convert_element_type3A_457 = arith.extui %ge3A_456 : i1 to i32
        %cond3A_458 = arith.constant 0 : i32
        %cond3A_459 = arith.cmpi ne, %convert_element_type3A_457, %cond3A_458 : i32
        scf.if %cond3A_459 {
          %dma_wait3A = arith.constant 0 : i32
          %dma_wait3A_473 = arith.constant 0 : i32
          %dma_wait3A_474 = tpu.memref_slice %arg5[%dma_wait3A, %dma_wait3A_473] : memref<16384x2048xf32, #tpu.memory_space<hbm>> -> memref<8x2048xf32, #tpu.memory_space<hbm>>
          %dma_wait3A_475 = arith.constant 0 : i32
          %dma_wait3A_476 = arith.constant 0 : i32
          %dma_wait3A_477 = tpu.memref_slice %arg5[%dma_wait3A_475, %dma_wait3A_476] : memref<16384x2048xf32, #tpu.memory_space<hbm>> -> memref<8x2048xf32, #tpu.memory_space<hbm>>
          tpu.wait_dma2 semaphore(%arg21 : memref<!tpu.dma_semaphore, #tpu.memory_space<semaphore_mem>>) src(%arg9 : memref<8x2048xf32, #tpu.memory_space<vmem>>) dst(%dma_wait3A_477 : memref<8x2048xf32, #tpu.memory_space<hbm>>)
        } else {
        }
        %lt3A_460 = arith.cmpi slt, %add3A_419, %shift_right_arithmetic3A_32 : i32
        %convert_element_type3A_461 = arith.extui %lt3A_460 : i1 to i32
        %cond3A_462 = arith.constant 0 : i32
        %cond3A_463 = arith.cmpi ne, %convert_element_type3A_461, %cond3A_462 : i32
        scf.if %cond3A_463 {
          %mul3A_473 = arith.constant 8 : i32
          %mul3A_474 = arith.muli %add3A_419, %mul3A_473 : i32
          %dma_start3A = tpu.memref_slice %arg7[%mul3A_474] : memref<512xi32, #tpu.memory_space<vmem>> -> memref<8xi32, #tpu.memory_space<vmem>>
          %dma_start3A_475 = arith.constant 0 : i32
          %dma_start3A_476 = arith.constant 0 : i32
          %dma_start3A_477 = tpu.memref_slice %arg4[%dma_start3A_475, %dma_start3A_476] : memref<16384x2048xf32, #tpu.memory_space<hbm>> -> memref<16384x2048xf32, #tpu.memory_space<hbm>>
          tpu.enqueue_indirect_dma source(%dma_start3A_477 : memref<16384x2048xf32, #tpu.memory_space<hbm>>) target(%arg9 : memref<8x2048xf32, #tpu.memory_space<vmem>>) offsets(%dma_start3A : memref<8xi32, #tpu.memory_space<vmem>>) semaphore(%arg15 : memref<!tpu.dma_semaphore, #tpu.memory_space<semaphore_mem>>)
        } else {
        }
        %ge3A_464 = arith.cmpi sge, %add3A_419, %shift_right_arithmetic3A_32 : i32
        %convert_element_type3A_465 = arith.extui %ge3A_464 : i1 to i32
        %cond3A_466 = arith.constant 0 : i32
        %cond3A_467 = arith.cmpi ne, %convert_element_type3A_465, %cond3A_466 : i32
        scf.if %cond3A_467 {
          %mul3A_473 = arith.constant 8 : i32
          %mul3A_474 = arith.muli %add3A_419, %mul3A_473 : i32
          %dma_start3A = tpu.memref_slice %arg8[%mul3A_474] : memref<528xi32, #tpu.memory_space<vmem>> -> memref<8xi32, #tpu.memory_space<vmem>>
          %dma_start3A_475 = arith.constant 0 : i32
          %dma_start3A_476 = arith.constant 0 : i32
          %dma_start3A_477 = tpu.memref_slice %arg3[%dma_start3A_475, %dma_start3A_476] : memref<16384x2048xf32, #tpu.memory_space<hbm>> -> memref<16384x2048xf32, #tpu.memory_space<hbm>>
          tpu.enqueue_indirect_dma source(%dma_start3A_477 : memref<16384x2048xf32, #tpu.memory_space<hbm>>) target(%arg9 : memref<8x2048xf32, #tpu.memory_space<vmem>>) offsets(%dma_start3A : memref<8xi32, #tpu.memory_space<vmem>>) semaphore(%arg15 : memref<!tpu.dma_semaphore, #tpu.memory_space<semaphore_mem>>)
        } else {
        }
        %ge3A_468 = arith.constant 2 : i32
        %ge3A_469 = arith.cmpi sge, %add3A_419, %ge3A_468 : i32
        %convert_element_type3A_470 = arith.extui %ge3A_469 : i1 to i32
        %cond3A_471 = arith.constant 0 : i32
        %cond3A_472 = arith.cmpi ne, %convert_element_type3A_470, %cond3A_471 : i32
        scf.if %cond3A_472 {
          %sub3A_473 = arith.constant 2 : i32
          %sub3A_474 = arith.subi %add3A_419, %sub3A_473 : i32
          %dma_wait3A = arith.constant 0 : i32
          %dma_wait3A_475 = arith.constant 0 : i32
          %dma_wait3A_476 = tpu.memref_slice %arg4[%dma_wait3A, %dma_wait3A_475] : memref<16384x2048xf32, #tpu.memory_space<hbm>> -> memref<8x2048xf32, #tpu.memory_space<hbm>>
          %dma_wait3A_477 = arith.constant 0 : i32
          %dma_wait3A_478 = arith.constant 0 : i32
          %dma_wait3A_479 = tpu.memref_slice %arg4[%dma_wait3A_477, %dma_wait3A_478] : memref<16384x2048xf32, #tpu.memory_space<hbm>> -> memref<8x2048xf32, #tpu.memory_space<hbm>>
          tpu.wait_dma2 semaphore(%arg19 : memref<!tpu.dma_semaphore, #tpu.memory_space<semaphore_mem>>) src(%dma_wait3A_479 : memref<8x2048xf32, #tpu.memory_space<hbm>>) dst(%arg13 : memref<8x2048xf32, #tpu.memory_space<vmem>>)
          %mul3A_480 = arith.constant 8 : i32
          %mul3A_481 = arith.muli %sub3A_474, %mul3A_480 : i32
          %dma_start3A = tpu.memref_slice %arg8[%mul3A_481] : memref<528xi32, #tpu.memory_space<vmem>> -> memref<8xi32, #tpu.memory_space<vmem>>
          %dma_start3A_482 = arith.constant 0 : i32
          %dma_start3A_483 = arith.constant 0 : i32
          %dma_start3A_484 = tpu.memref_slice %arg5[%dma_start3A_482, %dma_start3A_483] : memref<16384x2048xf32, #tpu.memory_space<hbm>> -> memref<16384x2048xf32, #tpu.memory_space<hbm>>
          tpu.enqueue_indirect_dma source(%arg13 : memref<8x2048xf32, #tpu.memory_space<vmem>>) target(%dma_start3A_484 : memref<16384x2048xf32, #tpu.memory_space<hbm>>) offsets(%dma_start3A : memref<8xi32, #tpu.memory_space<vmem>>) semaphore(%arg25 : memref<!tpu.dma_semaphore, #tpu.memory_space<semaphore_mem>>)
        } else {
        }
      } else {
      }
      %add3A_424 = arith.constant 1 : i32
      %add3A_425 = arith.addi %mul3A_417, %add3A_424 : i32
      %lt3A_426 = arith.cmpi slt, %add3A_425, %add3A_53 : i32
      %convert_element_type3A_427 = arith.extui %lt3A_426 : i1 to i32
      %cond3A_428 = arith.constant 0 : i32
      %cond3A_429 = arith.cmpi ne, %convert_element_type3A_427, %cond3A_428 : i32
      scf.if %cond3A_429 {
        %ge3A_455 = arith.constant 6 : i32
        %ge3A_456 = arith.cmpi sge, %add3A_425, %ge3A_455 : i32
        %convert_element_type3A_457 = arith.extui %ge3A_456 : i1 to i32
        %cond3A_458 = arith.constant 0 : i32
        %cond3A_459 = arith.cmpi ne, %convert_element_type3A_457, %cond3A_458 : i32
        scf.if %cond3A_459 {
          %dma_wait3A = arith.constant 0 : i32
          %dma_wait3A_473 = arith.constant 0 : i32
          %dma_wait3A_474 = tpu.memref_slice %arg5[%dma_wait3A, %dma_wait3A_473] : memref<16384x2048xf32, #tpu.memory_space<hbm>> -> memref<8x2048xf32, #tpu.memory_space<hbm>>
          %dma_wait3A_475 = arith.constant 0 : i32
          %dma_wait3A_476 = arith.constant 0 : i32
          %dma_wait3A_477 = tpu.memref_slice %arg5[%dma_wait3A_475, %dma_wait3A_476] : memref<16384x2048xf32, #tpu.memory_space<hbm>> -> memref<8x2048xf32, #tpu.memory_space<hbm>>
          tpu.wait_dma2 semaphore(%arg22 : memref<!tpu.dma_semaphore, #tpu.memory_space<semaphore_mem>>) src(%arg10 : memref<8x2048xf32, #tpu.memory_space<vmem>>) dst(%dma_wait3A_477 : memref<8x2048xf32, #tpu.memory_space<hbm>>)
        } else {
        }
        %lt3A_460 = arith.cmpi slt, %add3A_425, %shift_right_arithmetic3A_32 : i32
        %convert_element_type3A_461 = arith.extui %lt3A_460 : i1 to i32
        %cond3A_462 = arith.constant 0 : i32
        %cond3A_463 = arith.cmpi ne, %convert_element_type3A_461, %cond3A_462 : i32
        scf.if %cond3A_463 {
          %mul3A_473 = arith.constant 8 : i32
          %mul3A_474 = arith.muli %add3A_425, %mul3A_473 : i32
          %dma_start3A = tpu.memref_slice %arg7[%mul3A_474] : memref<512xi32, #tpu.memory_space<vmem>> -> memref<8xi32, #tpu.memory_space<vmem>>
          %dma_start3A_475 = arith.constant 0 : i32
          %dma_start3A_476 = arith.constant 0 : i32
          %dma_start3A_477 = tpu.memref_slice %arg4[%dma_start3A_475, %dma_start3A_476] : memref<16384x2048xf32, #tpu.memory_space<hbm>> -> memref<16384x2048xf32, #tpu.memory_space<hbm>>
          tpu.enqueue_indirect_dma source(%dma_start3A_477 : memref<16384x2048xf32, #tpu.memory_space<hbm>>) target(%arg10 : memref<8x2048xf32, #tpu.memory_space<vmem>>) offsets(%dma_start3A : memref<8xi32, #tpu.memory_space<vmem>>) semaphore(%arg16 : memref<!tpu.dma_semaphore, #tpu.memory_space<semaphore_mem>>)
        } else {
        }
        %ge3A_464 = arith.cmpi sge, %add3A_425, %shift_right_arithmetic3A_32 : i32
        %convert_element_type3A_465 = arith.extui %ge3A_464 : i1 to i32
        %cond3A_466 = arith.constant 0 : i32
        %cond3A_467 = arith.cmpi ne, %convert_element_type3A_465, %cond3A_466 : i32
        scf.if %cond3A_467 {
          %mul3A_473 = arith.constant 8 : i32
          %mul3A_474 = arith.muli %add3A_425, %mul3A_473 : i32
          %dma_start3A = tpu.memref_slice %arg8[%mul3A_474] : memref<528xi32, #tpu.memory_space<vmem>> -> memref<8xi32, #tpu.memory_space<vmem>>
          %dma_start3A_475 = arith.constant 0 : i32
          %dma_start3A_476 = arith.constant 0 : i32
          %dma_start3A_477 = tpu.memref_slice %arg3[%dma_start3A_475, %dma_start3A_476] : memref<16384x2048xf32, #tpu.memory_space<hbm>> -> memref<16384x2048xf32, #tpu.memory_space<hbm>>
          tpu.enqueue_indirect_dma source(%dma_start3A_477 : memref<16384x2048xf32, #tpu.memory_space<hbm>>) target(%arg10 : memref<8x2048xf32, #tpu.memory_space<vmem>>) offsets(%dma_start3A : memref<8xi32, #tpu.memory_space<vmem>>) semaphore(%arg16 : memref<!tpu.dma_semaphore, #tpu.memory_space<semaphore_mem>>)
        } else {
        }
        %ge3A_468 = arith.constant 2 : i32
        %ge3A_469 = arith.cmpi sge, %add3A_425, %ge3A_468 : i32
        %convert_element_type3A_470 = arith.extui %ge3A_469 : i1 to i32
        %cond3A_471 = arith.constant 0 : i32
        %cond3A_472 = arith.cmpi ne, %convert_element_type3A_470, %cond3A_471 : i32
        scf.if %cond3A_472 {
          %sub3A_473 = arith.constant 2 : i32
          %sub3A_474 = arith.subi %add3A_425, %sub3A_473 : i32
          %dma_wait3A = arith.constant 0 : i32
          %dma_wait3A_475 = arith.constant 0 : i32
          %dma_wait3A_476 = tpu.memref_slice %arg4[%dma_wait3A, %dma_wait3A_475] : memref<16384x2048xf32, #tpu.memory_space<hbm>> -> memref<8x2048xf32, #tpu.memory_space<hbm>>
          %dma_wait3A_477 = arith.constant 0 : i32
          %dma_wait3A_478 = arith.constant 0 : i32
          %dma_wait3A_479 = tpu.memref_slice %arg4[%dma_wait3A_477, %dma_wait3A_478] : memref<16384x2048xf32, #tpu.memory_space<hbm>> -> memref<8x2048xf32, #tpu.memory_space<hbm>>
          tpu.wait_dma2 semaphore(%arg20 : memref<!tpu.dma_semaphore, #tpu.memory_space<semaphore_mem>>) src(%dma_wait3A_479 : memref<8x2048xf32, #tpu.memory_space<hbm>>) dst(%arg14 : memref<8x2048xf32, #tpu.memory_space<vmem>>)
          %mul3A_480 = arith.constant 8 : i32
          %mul3A_481 = arith.muli %sub3A_474, %mul3A_480 : i32
          %dma_start3A = tpu.memref_slice %arg8[%mul3A_481] : memref<528xi32, #tpu.memory_space<vmem>> -> memref<8xi32, #tpu.memory_space<vmem>>
          %dma_start3A_482 = arith.constant 0 : i32
          %dma_start3A_483 = arith.constant 0 : i32
          %dma_start3A_484 = tpu.memref_slice %arg5[%dma_start3A_482, %dma_start3A_483] : memref<16384x2048xf32, #tpu.memory_space<hbm>> -> memref<16384x2048xf32, #tpu.memory_space<hbm>>
          tpu.enqueue_indirect_dma source(%arg14 : memref<8x2048xf32, #tpu.memory_space<vmem>>) target(%dma_start3A_484 : memref<16384x2048xf32, #tpu.memory_space<hbm>>) offsets(%dma_start3A : memref<8xi32, #tpu.memory_space<vmem>>) semaphore(%arg26 : memref<!tpu.dma_semaphore, #tpu.memory_space<semaphore_mem>>)
        } else {
        }
      } else {
      }
      %add3A_430 = arith.constant 2 : i32
      %add3A_431 = arith.addi %mul3A_417, %add3A_430 : i32
      %lt3A_432 = arith.cmpi slt, %add3A_431, %add3A_53 : i32
      %convert_element_type3A_433 = arith.extui %lt3A_432 : i1 to i32
      %cond3A_434 = arith.constant 0 : i32
      %cond3A_435 = arith.cmpi ne, %convert_element_type3A_433, %cond3A_434 : i32
      scf.if %cond3A_435 {
        %ge3A_455 = arith.constant 6 : i32
        %ge3A_456 = arith.cmpi sge, %add3A_431, %ge3A_455 : i32
        %convert_element_type3A_457 = arith.extui %ge3A_456 : i1 to i32
        %cond3A_458 = arith.constant 0 : i32
        %cond3A_459 = arith.cmpi ne, %convert_element_type3A_457, %cond3A_458 : i32
        scf.if %cond3A_459 {
          %dma_wait3A = arith.constant 0 : i32
          %dma_wait3A_473 = arith.constant 0 : i32
          %dma_wait3A_474 = tpu.memref_slice %arg5[%dma_wait3A, %dma_wait3A_473] : memref<16384x2048xf32, #tpu.memory_space<hbm>> -> memref<8x2048xf32, #tpu.memory_space<hbm>>
          %dma_wait3A_475 = arith.constant 0 : i32
          %dma_wait3A_476 = arith.constant 0 : i32
          %dma_wait3A_477 = tpu.memref_slice %arg5[%dma_wait3A_475, %dma_wait3A_476] : memref<16384x2048xf32, #tpu.memory_space<hbm>> -> memref<8x2048xf32, #tpu.memory_space<hbm>>
          tpu.wait_dma2 semaphore(%arg23 : memref<!tpu.dma_semaphore, #tpu.memory_space<semaphore_mem>>) src(%arg11 : memref<8x2048xf32, #tpu.memory_space<vmem>>) dst(%dma_wait3A_477 : memref<8x2048xf32, #tpu.memory_space<hbm>>)
        } else {
        }
        %lt3A_460 = arith.cmpi slt, %add3A_431, %shift_right_arithmetic3A_32 : i32
        %convert_element_type3A_461 = arith.extui %lt3A_460 : i1 to i32
        %cond3A_462 = arith.constant 0 : i32
        %cond3A_463 = arith.cmpi ne, %convert_element_type3A_461, %cond3A_462 : i32
        scf.if %cond3A_463 {
          %mul3A_473 = arith.constant 8 : i32
          %mul3A_474 = arith.muli %add3A_431, %mul3A_473 : i32
          %dma_start3A = tpu.memref_slice %arg7[%mul3A_474] : memref<512xi32, #tpu.memory_space<vmem>> -> memref<8xi32, #tpu.memory_space<vmem>>
          %dma_start3A_475 = arith.constant 0 : i32
          %dma_start3A_476 = arith.constant 0 : i32
          %dma_start3A_477 = tpu.memref_slice %arg4[%dma_start3A_475, %dma_start3A_476] : memref<16384x2048xf32, #tpu.memory_space<hbm>> -> memref<16384x2048xf32, #tpu.memory_space<hbm>>
          tpu.enqueue_indirect_dma source(%dma_start3A_477 : memref<16384x2048xf32, #tpu.memory_space<hbm>>) target(%arg11 : memref<8x2048xf32, #tpu.memory_space<vmem>>) offsets(%dma_start3A : memref<8xi32, #tpu.memory_space<vmem>>) semaphore(%arg17 : memref<!tpu.dma_semaphore, #tpu.memory_space<semaphore_mem>>)
        } else {
        }
        %ge3A_464 = arith.cmpi sge, %add3A_431, %shift_right_arithmetic3A_32 : i32
        %convert_element_type3A_465 = arith.extui %ge3A_464 : i1 to i32
        %cond3A_466 = arith.constant 0 : i32
        %cond3A_467 = arith.cmpi ne, %convert_element_type3A_465, %cond3A_466 : i32
        scf.if %cond3A_467 {
          %mul3A_473 = arith.constant 8 : i32
          %mul3A_474 = arith.muli %add3A_431, %mul3A_473 : i32
          %dma_start3A = tpu.memref_slice %arg8[%mul3A_474] : memref<528xi32, #tpu.memory_space<vmem>> -> memref<8xi32, #tpu.memory_space<vmem>>
          %dma_start3A_475 = arith.constant 0 : i32
          %dma_start3A_476 = arith.constant 0 : i32
          %dma_start3A_477 = tpu.memref_slice %arg3[%dma_start3A_475, %dma_start3A_476] : memref<16384x2048xf32, #tpu.memory_space<hbm>> -> memref<16384x2048xf32, #tpu.memory_space<hbm>>
          tpu.enqueue_indirect_dma source(%dma_start3A_477 : memref<16384x2048xf32, #tpu.memory_space<hbm>>) target(%arg11 : memref<8x2048xf32, #tpu.memory_space<vmem>>) offsets(%dma_start3A : memref<8xi32, #tpu.memory_space<vmem>>) semaphore(%arg17 : memref<!tpu.dma_semaphore, #tpu.memory_space<semaphore_mem>>)
        } else {
        }
        %ge3A_468 = arith.constant 2 : i32
        %ge3A_469 = arith.cmpi sge, %add3A_431, %ge3A_468 : i32
        %convert_element_type3A_470 = arith.extui %ge3A_469 : i1 to i32
        %cond3A_471 = arith.constant 0 : i32
        %cond3A_472 = arith.cmpi ne, %convert_element_type3A_470, %cond3A_471 : i32
        scf.if %cond3A_472 {
          %sub3A_473 = arith.constant 2 : i32
          %sub3A_474 = arith.subi %add3A_431, %sub3A_473 : i32
          %dma_wait3A = arith.constant 0 : i32
          %dma_wait3A_475 = arith.constant 0 : i32
          %dma_wait3A_476 = tpu.memref_slice %arg4[%dma_wait3A, %dma_wait3A_475] : memref<16384x2048xf32, #tpu.memory_space<hbm>> -> memref<8x2048xf32, #tpu.memory_space<hbm>>
          %dma_wait3A_477 = arith.constant 0 : i32
          %dma_wait3A_478 = arith.constant 0 : i32
          %dma_wait3A_479 = tpu.memref_slice %arg4[%dma_wait3A_477, %dma_wait3A_478] : memref<16384x2048xf32, #tpu.memory_space<hbm>> -> memref<8x2048xf32, #tpu.memory_space<hbm>>
          tpu.wait_dma2 semaphore(%arg15 : memref<!tpu.dma_semaphore, #tpu.memory_space<semaphore_mem>>) src(%dma_wait3A_479 : memref<8x2048xf32, #tpu.memory_space<hbm>>) dst(%arg9 : memref<8x2048xf32, #tpu.memory_space<vmem>>)
          %mul3A_480 = arith.constant 8 : i32
          %mul3A_481 = arith.muli %sub3A_474, %mul3A_480 : i32
          %dma_start3A = tpu.memref_slice %arg8[%mul3A_481] : memref<528xi32, #tpu.memory_space<vmem>> -> memref<8xi32, #tpu.memory_space<vmem>>
          %dma_start3A_482 = arith.constant 0 : i32
          %dma_start3A_483 = arith.constant 0 : i32
          %dma_start3A_484 = tpu.memref_slice %arg5[%dma_start3A_482, %dma_start3A_483] : memref<16384x2048xf32, #tpu.memory_space<hbm>> -> memref<16384x2048xf32, #tpu.memory_space<hbm>>
          tpu.enqueue_indirect_dma source(%arg9 : memref<8x2048xf32, #tpu.memory_space<vmem>>) target(%dma_start3A_484 : memref<16384x2048xf32, #tpu.memory_space<hbm>>) offsets(%dma_start3A : memref<8xi32, #tpu.memory_space<vmem>>) semaphore(%arg21 : memref<!tpu.dma_semaphore, #tpu.memory_space<semaphore_mem>>)
        } else {
        }
      } else {
      }
      %add3A_436 = arith.constant 3 : i32
      %add3A_437 = arith.addi %mul3A_417, %add3A_436 : i32
      %lt3A_438 = arith.cmpi slt, %add3A_437, %add3A_53 : i32
      %convert_element_type3A_439 = arith.extui %lt3A_438 : i1 to i32
      %cond3A_440 = arith.constant 0 : i32
      %cond3A_441 = arith.cmpi ne, %convert_element_type3A_439, %cond3A_440 : i32
      scf.if %cond3A_441 {
        %ge3A_455 = arith.constant 6 : i32
        %ge3A_456 = arith.cmpi sge, %add3A_437, %ge3A_455 : i32
        %convert_element_type3A_457 = arith.extui %ge3A_456 : i1 to i32
        %cond3A_458 = arith.constant 0 : i32
        %cond3A_459 = arith.cmpi ne, %convert_element_type3A_457, %cond3A_458 : i32
        scf.if %cond3A_459 {
          %dma_wait3A = arith.constant 0 : i32
          %dma_wait3A_473 = arith.constant 0 : i32
          %dma_wait3A_474 = tpu.memref_slice %arg5[%dma_wait3A, %dma_wait3A_473] : memref<16384x2048xf32, #tpu.memory_space<hbm>> -> memref<8x2048xf32, #tpu.memory_space<hbm>>
          %dma_wait3A_475 = arith.constant 0 : i32
          %dma_wait3A_476 = arith.constant 0 : i32
          %dma_wait3A_477 = tpu.memref_slice %arg5[%dma_wait3A_475, %dma_wait3A_476] : memref<16384x2048xf32, #tpu.memory_space<hbm>> -> memref<8x2048xf32, #tpu.memory_space<hbm>>
          tpu.wait_dma2 semaphore(%arg24 : memref<!tpu.dma_semaphore, #tpu.memory_space<semaphore_mem>>) src(%arg12 : memref<8x2048xf32, #tpu.memory_space<vmem>>) dst(%dma_wait3A_477 : memref<8x2048xf32, #tpu.memory_space<hbm>>)
        } else {
        }
        %lt3A_460 = arith.cmpi slt, %add3A_437, %shift_right_arithmetic3A_32 : i32
        %convert_element_type3A_461 = arith.extui %lt3A_460 : i1 to i32
        %cond3A_462 = arith.constant 0 : i32
        %cond3A_463 = arith.cmpi ne, %convert_element_type3A_461, %cond3A_462 : i32
        scf.if %cond3A_463 {
          %mul3A_473 = arith.constant 8 : i32
          %mul3A_474 = arith.muli %add3A_437, %mul3A_473 : i32
          %dma_start3A = tpu.memref_slice %arg7[%mul3A_474] : memref<512xi32, #tpu.memory_space<vmem>> -> memref<8xi32, #tpu.memory_space<vmem>>
          %dma_start3A_475 = arith.constant 0 : i32
          %dma_start3A_476 = arith.constant 0 : i32
          %dma_start3A_477 = tpu.memref_slice %arg4[%dma_start3A_475, %dma_start3A_476] : memref<16384x2048xf32, #tpu.memory_space<hbm>> -> memref<16384x2048xf32, #tpu.memory_space<hbm>>
          tpu.enqueue_indirect_dma source(%dma_start3A_477 : memref<16384x2048xf32, #tpu.memory_space<hbm>>) target(%arg12 : memref<8x2048xf32, #tpu.memory_space<vmem>>) offsets(%dma_start3A : memref<8xi32, #tpu.memory_space<vmem>>) semaphore(%arg18 : memref<!tpu.dma_semaphore, #tpu.memory_space<semaphore_mem>>)
        } else {
        }
        %ge3A_464 = arith.cmpi sge, %add3A_437, %shift_right_arithmetic3A_32 : i32
        %convert_element_type3A_465 = arith.extui %ge3A_464 : i1 to i32
        %cond3A_466 = arith.constant 0 : i32
        %cond3A_467 = arith.cmpi ne, %convert_element_type3A_465, %cond3A_466 : i32
        scf.if %cond3A_467 {
          %mul3A_473 = arith.constant 8 : i32
          %mul3A_474 = arith.muli %add3A_437, %mul3A_473 : i32
          %dma_start3A = tpu.memref_slice %arg8[%mul3A_474] : memref<528xi32, #tpu.memory_space<vmem>> -> memref<8xi32, #tpu.memory_space<vmem>>
          %dma_start3A_475 = arith.constant 0 : i32
          %dma_start3A_476 = arith.constant 0 : i32
          %dma_start3A_477 = tpu.memref_slice %arg3[%dma_start3A_475, %dma_start3A_476] : memref<16384x2048xf32, #tpu.memory_space<hbm>> -> memref<16384x2048xf32, #tpu.memory_space<hbm>>
          tpu.enqueue_indirect_dma source(%dma_start3A_477 : memref<16384x2048xf32, #tpu.memory_space<hbm>>) target(%arg12 : memref<8x2048xf32, #tpu.memory_space<vmem>>) offsets(%dma_start3A : memref<8xi32, #tpu.memory_space<vmem>>) semaphore(%arg18 : memref<!tpu.dma_semaphore, #tpu.memory_space<semaphore_mem>>)
        } else {
        }
        %ge3A_468 = arith.constant 2 : i32
        %ge3A_469 = arith.cmpi sge, %add3A_437, %ge3A_468 : i32
        %convert_element_type3A_470 = arith.extui %ge3A_469 : i1 to i32
        %cond3A_471 = arith.constant 0 : i32
        %cond3A_472 = arith.cmpi ne, %convert_element_type3A_470, %cond3A_471 : i32
        scf.if %cond3A_472 {
          %sub3A_473 = arith.constant 2 : i32
          %sub3A_474 = arith.subi %add3A_437, %sub3A_473 : i32
          %dma_wait3A = arith.constant 0 : i32
          %dma_wait3A_475 = arith.constant 0 : i32
          %dma_wait3A_476 = tpu.memref_slice %arg4[%dma_wait3A, %dma_wait3A_475] : memref<16384x2048xf32, #tpu.memory_space<hbm>> -> memref<8x2048xf32, #tpu.memory_space<hbm>>
          %dma_wait3A_477 = arith.constant 0 : i32
          %dma_wait3A_478 = arith.constant 0 : i32
          %dma_wait3A_479 = tpu.memref_slice %arg4[%dma_wait3A_477, %dma_wait3A_478] : memref<16384x2048xf32, #tpu.memory_space<hbm>> -> memref<8x2048xf32, #tpu.memory_space<hbm>>
          tpu.wait_dma2 semaphore(%arg16 : memref<!tpu.dma_semaphore, #tpu.memory_space<semaphore_mem>>) src(%dma_wait3A_479 : memref<8x2048xf32, #tpu.memory_space<hbm>>) dst(%arg10 : memref<8x2048xf32, #tpu.memory_space<vmem>>)
          %mul3A_480 = arith.constant 8 : i32
          %mul3A_481 = arith.muli %sub3A_474, %mul3A_480 : i32
          %dma_start3A = tpu.memref_slice %arg8[%mul3A_481] : memref<528xi32, #tpu.memory_space<vmem>> -> memref<8xi32, #tpu.memory_space<vmem>>
          %dma_start3A_482 = arith.constant 0 : i32
          %dma_start3A_483 = arith.constant 0 : i32
          %dma_start3A_484 = tpu.memref_slice %arg5[%dma_start3A_482, %dma_start3A_483] : memref<16384x2048xf32, #tpu.memory_space<hbm>> -> memref<16384x2048xf32, #tpu.memory_space<hbm>>
          tpu.enqueue_indirect_dma source(%arg10 : memref<8x2048xf32, #tpu.memory_space<vmem>>) target(%dma_start3A_484 : memref<16384x2048xf32, #tpu.memory_space<hbm>>) offsets(%dma_start3A : memref<8xi32, #tpu.memory_space<vmem>>) semaphore(%arg22 : memref<!tpu.dma_semaphore, #tpu.memory_space<semaphore_mem>>)
        } else {
        }
      } else {
      }
      %add3A_442 = arith.constant 4 : i32
      %add3A_443 = arith.addi %mul3A_417, %add3A_442 : i32
      %lt3A_444 = arith.cmpi slt, %add3A_443, %add3A_53 : i32
      %convert_element_type3A_445 = arith.extui %lt3A_444 : i1 to i32
      %cond3A_446 = arith.constant 0 : i32
      %cond3A_447 = arith.cmpi ne, %convert_element_type3A_445, %cond3A_446 : i32
      scf.if %cond3A_447 {
        %ge3A_455 = arith.constant 6 : i32
        %ge3A_456 = arith.cmpi sge, %add3A_443, %ge3A_455 : i32
        %convert_element_type3A_457 = arith.extui %ge3A_456 : i1 to i32
        %cond3A_458 = arith.constant 0 : i32
        %cond3A_459 = arith.cmpi ne, %convert_element_type3A_457, %cond3A_458 : i32
        scf.if %cond3A_459 {
          %dma_wait3A = arith.constant 0 : i32
          %dma_wait3A_473 = arith.constant 0 : i32
          %dma_wait3A_474 = tpu.memref_slice %arg5[%dma_wait3A, %dma_wait3A_473] : memref<16384x2048xf32, #tpu.memory_space<hbm>> -> memref<8x2048xf32, #tpu.memory_space<hbm>>
          %dma_wait3A_475 = arith.constant 0 : i32
          %dma_wait3A_476 = arith.constant 0 : i32
          %dma_wait3A_477 = tpu.memref_slice %arg5[%dma_wait3A_475, %dma_wait3A_476] : memref<16384x2048xf32, #tpu.memory_space<hbm>> -> memref<8x2048xf32, #tpu.memory_space<hbm>>
          tpu.wait_dma2 semaphore(%arg25 : memref<!tpu.dma_semaphore, #tpu.memory_space<semaphore_mem>>) src(%arg13 : memref<8x2048xf32, #tpu.memory_space<vmem>>) dst(%dma_wait3A_477 : memref<8x2048xf32, #tpu.memory_space<hbm>>)
        } else {
        }
        %lt3A_460 = arith.cmpi slt, %add3A_443, %shift_right_arithmetic3A_32 : i32
        %convert_element_type3A_461 = arith.extui %lt3A_460 : i1 to i32
        %cond3A_462 = arith.constant 0 : i32
        %cond3A_463 = arith.cmpi ne, %convert_element_type3A_461, %cond3A_462 : i32
        scf.if %cond3A_463 {
          %mul3A_473 = arith.constant 8 : i32
          %mul3A_474 = arith.muli %add3A_443, %mul3A_473 : i32
          %dma_start3A = tpu.memref_slice %arg7[%mul3A_474] : memref<512xi32, #tpu.memory_space<vmem>> -> memref<8xi32, #tpu.memory_space<vmem>>
          %dma_start3A_475 = arith.constant 0 : i32
          %dma_start3A_476 = arith.constant 0 : i32
          %dma_start3A_477 = tpu.memref_slice %arg4[%dma_start3A_475, %dma_start3A_476] : memref<16384x2048xf32, #tpu.memory_space<hbm>> -> memref<16384x2048xf32, #tpu.memory_space<hbm>>
          tpu.enqueue_indirect_dma source(%dma_start3A_477 : memref<16384x2048xf32, #tpu.memory_space<hbm>>) target(%arg13 : memref<8x2048xf32, #tpu.memory_space<vmem>>) offsets(%dma_start3A : memref<8xi32, #tpu.memory_space<vmem>>) semaphore(%arg19 : memref<!tpu.dma_semaphore, #tpu.memory_space<semaphore_mem>>)
        } else {
        }
        %ge3A_464 = arith.cmpi sge, %add3A_443, %shift_right_arithmetic3A_32 : i32
        %convert_element_type3A_465 = arith.extui %ge3A_464 : i1 to i32
        %cond3A_466 = arith.constant 0 : i32
        %cond3A_467 = arith.cmpi ne, %convert_element_type3A_465, %cond3A_466 : i32
        scf.if %cond3A_467 {
          %mul3A_473 = arith.constant 8 : i32
          %mul3A_474 = arith.muli %add3A_443, %mul3A_473 : i32
          %dma_start3A = tpu.memref_slice %arg8[%mul3A_474] : memref<528xi32, #tpu.memory_space<vmem>> -> memref<8xi32, #tpu.memory_space<vmem>>
          %dma_start3A_475 = arith.constant 0 : i32
          %dma_start3A_476 = arith.constant 0 : i32
          %dma_start3A_477 = tpu.memref_slice %arg3[%dma_start3A_475, %dma_start3A_476] : memref<16384x2048xf32, #tpu.memory_space<hbm>> -> memref<16384x2048xf32, #tpu.memory_space<hbm>>
          tpu.enqueue_indirect_dma source(%dma_start3A_477 : memref<16384x2048xf32, #tpu.memory_space<hbm>>) target(%arg13 : memref<8x2048xf32, #tpu.memory_space<vmem>>) offsets(%dma_start3A : memref<8xi32, #tpu.memory_space<vmem>>) semaphore(%arg19 : memref<!tpu.dma_semaphore, #tpu.memory_space<semaphore_mem>>)
        } else {
        }
        %ge3A_468 = arith.constant 2 : i32
        %ge3A_469 = arith.cmpi sge, %add3A_443, %ge3A_468 : i32
        %convert_element_type3A_470 = arith.extui %ge3A_469 : i1 to i32
        %cond3A_471 = arith.constant 0 : i32
        %cond3A_472 = arith.cmpi ne, %convert_element_type3A_470, %cond3A_471 : i32
        scf.if %cond3A_472 {
          %sub3A_473 = arith.constant 2 : i32
          %sub3A_474 = arith.subi %add3A_443, %sub3A_473 : i32
          %dma_wait3A = arith.constant 0 : i32
          %dma_wait3A_475 = arith.constant 0 : i32
          %dma_wait3A_476 = tpu.memref_slice %arg4[%dma_wait3A, %dma_wait3A_475] : memref<16384x2048xf32, #tpu.memory_space<hbm>> -> memref<8x2048xf32, #tpu.memory_space<hbm>>
          %dma_wait3A_477 = arith.constant 0 : i32
          %dma_wait3A_478 = arith.constant 0 : i32
          %dma_wait3A_479 = tpu.memref_slice %arg4[%dma_wait3A_477, %dma_wait3A_478] : memref<16384x2048xf32, #tpu.memory_space<hbm>> -> memref<8x2048xf32, #tpu.memory_space<hbm>>
          tpu.wait_dma2 semaphore(%arg17 : memref<!tpu.dma_semaphore, #tpu.memory_space<semaphore_mem>>) src(%dma_wait3A_479 : memref<8x2048xf32, #tpu.memory_space<hbm>>) dst(%arg11 : memref<8x2048xf32, #tpu.memory_space<vmem>>)
          %mul3A_480 = arith.constant 8 : i32
          %mul3A_481 = arith.muli %sub3A_474, %mul3A_480 : i32
          %dma_start3A = tpu.memref_slice %arg8[%mul3A_481] : memref<528xi32, #tpu.memory_space<vmem>> -> memref<8xi32, #tpu.memory_space<vmem>>
          %dma_start3A_482 = arith.constant 0 : i32
          %dma_start3A_483 = arith.constant 0 : i32
          %dma_start3A_484 = tpu.memref_slice %arg5[%dma_start3A_482, %dma_start3A_483] : memref<16384x2048xf32, #tpu.memory_space<hbm>> -> memref<16384x2048xf32, #tpu.memory_space<hbm>>
          tpu.enqueue_indirect_dma source(%arg11 : memref<8x2048xf32, #tpu.memory_space<vmem>>) target(%dma_start3A_484 : memref<16384x2048xf32, #tpu.memory_space<hbm>>) offsets(%dma_start3A : memref<8xi32, #tpu.memory_space<vmem>>) semaphore(%arg23 : memref<!tpu.dma_semaphore, #tpu.memory_space<semaphore_mem>>)
        } else {
        }
      } else {
      }
      %add3A_448 = arith.constant 5 : i32
      %add3A_449 = arith.addi %mul3A_417, %add3A_448 : i32
      %lt3A_450 = arith.cmpi slt, %add3A_449, %add3A_53 : i32
      %convert_element_type3A_451 = arith.extui %lt3A_450 : i1 to i32
      %cond3A_452 = arith.constant 0 : i32
      %cond3A_453 = arith.cmpi ne, %convert_element_type3A_451, %cond3A_452 : i32
      scf.if %cond3A_453 {
        %ge3A_455 = arith.constant 6 : i32
        %ge3A_456 = arith.cmpi sge, %add3A_449, %ge3A_455 : i32
        %convert_element_type3A_457 = arith.extui %ge3A_456 : i1 to i32
        %cond3A_458 = arith.constant 0 : i32
        %cond3A_459 = arith.cmpi ne, %convert_element_type3A_457, %cond3A_458 : i32
        scf.if %cond3A_459 {
          %dma_wait3A = arith.constant 0 : i32
          %dma_wait3A_473 = arith.constant 0 : i32
          %dma_wait3A_474 = tpu.memref_slice %arg5[%dma_wait3A, %dma_wait3A_473] : memref<16384x2048xf32, #tpu.memory_space<hbm>> -> memref<8x2048xf32, #tpu.memory_space<hbm>>
          %dma_wait3A_475 = arith.constant 0 : i32
          %dma_wait3A_476 = arith.constant 0 : i32
          %dma_wait3A_477 = tpu.memref_slice %arg5[%dma_wait3A_475, %dma_wait3A_476] : memref<16384x2048xf32, #tpu.memory_space<hbm>> -> memref<8x2048xf32, #tpu.memory_space<hbm>>
          tpu.wait_dma2 semaphore(%arg26 : memref<!tpu.dma_semaphore, #tpu.memory_space<semaphore_mem>>) src(%arg14 : memref<8x2048xf32, #tpu.memory_space<vmem>>) dst(%dma_wait3A_477 : memref<8x2048xf32, #tpu.memory_space<hbm>>)
        } else {
        }
        %lt3A_460 = arith.cmpi slt, %add3A_449, %shift_right_arithmetic3A_32 : i32
        %convert_element_type3A_461 = arith.extui %lt3A_460 : i1 to i32
        %cond3A_462 = arith.constant 0 : i32
        %cond3A_463 = arith.cmpi ne, %convert_element_type3A_461, %cond3A_462 : i32
        scf.if %cond3A_463 {
          %mul3A_473 = arith.constant 8 : i32
          %mul3A_474 = arith.muli %add3A_449, %mul3A_473 : i32
          %dma_start3A = tpu.memref_slice %arg7[%mul3A_474] : memref<512xi32, #tpu.memory_space<vmem>> -> memref<8xi32, #tpu.memory_space<vmem>>
          %dma_start3A_475 = arith.constant 0 : i32
          %dma_start3A_476 = arith.constant 0 : i32
          %dma_start3A_477 = tpu.memref_slice %arg4[%dma_start3A_475, %dma_start3A_476] : memref<16384x2048xf32, #tpu.memory_space<hbm>> -> memref<16384x2048xf32, #tpu.memory_space<hbm>>
          tpu.enqueue_indirect_dma source(%dma_start3A_477 : memref<16384x2048xf32, #tpu.memory_space<hbm>>) target(%arg14 : memref<8x2048xf32, #tpu.memory_space<vmem>>) offsets(%dma_start3A : memref<8xi32, #tpu.memory_space<vmem>>) semaphore(%arg20 : memref<!tpu.dma_semaphore, #tpu.memory_space<semaphore_mem>>)
        } else {
        }
        %ge3A_464 = arith.cmpi sge, %add3A_449, %shift_right_arithmetic3A_32 : i32
        %convert_element_type3A_465 = arith.extui %ge3A_464 : i1 to i32
        %cond3A_466 = arith.constant 0 : i32
        %cond3A_467 = arith.cmpi ne, %convert_element_type3A_465, %cond3A_466 : i32
        scf.if %cond3A_467 {
          %mul3A_473 = arith.constant 8 : i32
          %mul3A_474 = arith.muli %add3A_449, %mul3A_473 : i32
          %dma_start3A = tpu.memref_slice %arg8[%mul3A_474] : memref<528xi32, #tpu.memory_space<vmem>> -> memref<8xi32, #tpu.memory_space<vmem>>
          %dma_start3A_475 = arith.constant 0 : i32
          %dma_start3A_476 = arith.constant 0 : i32
          %dma_start3A_477 = tpu.memref_slice %arg3[%dma_start3A_475, %dma_start3A_476] : memref<16384x2048xf32, #tpu.memory_space<hbm>> -> memref<16384x2048xf32, #tpu.memory_space<hbm>>
          tpu.enqueue_indirect_dma source(%dma_start3A_477 : memref<16384x2048xf32, #tpu.memory_space<hbm>>) target(%arg14 : memref<8x2048xf32, #tpu.memory_space<vmem>>) offsets(%dma_start3A : memref<8xi32, #tpu.memory_space<vmem>>) semaphore(%arg20 : memref<!tpu.dma_semaphore, #tpu.memory_space<semaphore_mem>>)
        } else {
        }
        %ge3A_468 = arith.constant 2 : i32
        %ge3A_469 = arith.cmpi sge, %add3A_449, %ge3A_468 : i32
        %convert_element_type3A_470 = arith.extui %ge3A_469 : i1 to i32
        %cond3A_471 = arith.constant 0 : i32
        %cond3A_472 = arith.cmpi ne, %convert_element_type3A_470, %cond3A_471 : i32
        scf.if %cond3A_472 {
          %sub3A_473 = arith.constant 2 : i32
          %sub3A_474 = arith.subi %add3A_449, %sub3A_473 : i32
          %dma_wait3A = arith.constant 0 : i32
          %dma_wait3A_475 = arith.constant 0 : i32
          %dma_wait3A_476 = tpu.memref_slice %arg4[%dma_wait3A, %dma_wait3A_475] : memref<16384x2048xf32, #tpu.memory_space<hbm>> -> memref<8x2048xf32, #tpu.memory_space<hbm>>
          %dma_wait3A_477 = arith.constant 0 : i32
          %dma_wait3A_478 = arith.constant 0 : i32
          %dma_wait3A_479 = tpu.memref_slice %arg4[%dma_wait3A_477, %dma_wait3A_478] : memref<16384x2048xf32, #tpu.memory_space<hbm>> -> memref<8x2048xf32, #tpu.memory_space<hbm>>
          tpu.wait_dma2 semaphore(%arg18 : memref<!tpu.dma_semaphore, #tpu.memory_space<semaphore_mem>>) src(%dma_wait3A_479 : memref<8x2048xf32, #tpu.memory_space<hbm>>) dst(%arg12 : memref<8x2048xf32, #tpu.memory_space<vmem>>)
          %mul3A_480 = arith.constant 8 : i32
          %mul3A_481 = arith.muli %sub3A_474, %mul3A_480 : i32
          %dma_start3A = tpu.memref_slice %arg8[%mul3A_481] : memref<528xi32, #tpu.memory_space<vmem>> -> memref<8xi32, #tpu.memory_space<vmem>>
          %dma_start3A_482 = arith.constant 0 : i32
          %dma_start3A_483 = arith.constant 0 : i32
          %dma_start3A_484 = tpu.memref_slice %arg5[%dma_start3A_482, %dma_start3A_483] : memref<16384x2048xf32, #tpu.memory_space<hbm>> -> memref<16384x2048xf32, #tpu.memory_space<hbm>>
          tpu.enqueue_indirect_dma source(%arg12 : memref<8x2048xf32, #tpu.memory_space<vmem>>) target(%dma_start3A_484 : memref<16384x2048xf32, #tpu.memory_space<hbm>>) offsets(%dma_start3A : memref<8xi32, #tpu.memory_space<vmem>>) semaphore(%arg24 : memref<!tpu.dma_semaphore, #tpu.memory_space<semaphore_mem>>)
        } else {
        }
      } else {
      }
      %while3A_454 = arith.constant 0 : i32
      scf.yield %while3A_454 : i32
    }
    %while3A_85 = arith.constant 1 : i32
    %while3A_86 = scf.for %while3A_414 = %while3A_82 to %while3A_78 step %while3A_85 iter_args(%while3A_415 = %while3A_84) -> (i32)  : i32 {
      %mul3A_416 = arith.constant 6 : i32
      %mul3A_417 = arith.muli %while3A_414, %mul3A_416 : i32
      %add3A_418 = arith.constant 0 : i32
      %add3A_419 = arith.addi %mul3A_417, %add3A_418 : i32
      %lt3A_420 = arith.cmpi slt, %add3A_419, %add3A_53 : i32
      %convert_element_type3A_421 = arith.extui %lt3A_420 : i1 to i32
      %cond3A_422 = arith.constant 0 : i32
      %cond3A_423 = arith.cmpi ne, %convert_element_type3A_421, %cond3A_422 : i32
      scf.if %cond3A_423 {
        %ge3A_455 = arith.constant 6 : i32
        %ge3A_456 = arith.cmpi sge, %add3A_419, %ge3A_455 : i32
        %convert_element_type3A_457 = arith.extui %ge3A_456 : i1 to i32
        %cond3A_458 = arith.constant 0 : i32
        %cond3A_459 = arith.cmpi ne, %convert_element_type3A_457, %cond3A_458 : i32
        scf.if %cond3A_459 {
          %dma_wait3A = arith.constant 0 : i32
          %dma_wait3A_473 = arith.constant 0 : i32
          %dma_wait3A_474 = tpu.memref_slice %arg5[%dma_wait3A, %dma_wait3A_473] : memref<16384x2048xf32, #tpu.memory_space<hbm>> -> memref<8x2048xf32, #tpu.memory_space<hbm>>
          %dma_wait3A_475 = arith.constant 0 : i32
          %dma_wait3A_476 = arith.constant 0 : i32
          %dma_wait3A_477 = tpu.memref_slice %arg5[%dma_wait3A_475, %dma_wait3A_476] : memref<16384x2048xf32, #tpu.memory_space<hbm>> -> memref<8x2048xf32, #tpu.memory_space<hbm>>
          tpu.wait_dma2 semaphore(%arg21 : memref<!tpu.dma_semaphore, #tpu.memory_space<semaphore_mem>>) src(%arg9 : memref<8x2048xf32, #tpu.memory_space<vmem>>) dst(%dma_wait3A_477 : memref<8x2048xf32, #tpu.memory_space<hbm>>)
        } else {
        }
        %lt3A_460 = arith.cmpi slt, %add3A_419, %shift_right_arithmetic3A_32 : i32
        %convert_element_type3A_461 = arith.extui %lt3A_460 : i1 to i32
        %cond3A_462 = arith.constant 0 : i32
        %cond3A_463 = arith.cmpi ne, %convert_element_type3A_461, %cond3A_462 : i32
        scf.if %cond3A_463 {
          %mul3A_473 = arith.constant 8 : i32
          %mul3A_474 = arith.muli %add3A_419, %mul3A_473 : i32
          %dma_start3A = tpu.memref_slice %arg7[%mul3A_474] : memref<512xi32, #tpu.memory_space<vmem>> -> memref<8xi32, #tpu.memory_space<vmem>>
          %dma_start3A_475 = arith.constant 0 : i32
          %dma_start3A_476 = arith.constant 0 : i32
          %dma_start3A_477 = tpu.memref_slice %arg4[%dma_start3A_475, %dma_start3A_476] : memref<16384x2048xf32, #tpu.memory_space<hbm>> -> memref<16384x2048xf32, #tpu.memory_space<hbm>>
          tpu.enqueue_indirect_dma source(%dma_start3A_477 : memref<16384x2048xf32, #tpu.memory_space<hbm>>) target(%arg9 : memref<8x2048xf32, #tpu.memory_space<vmem>>) offsets(%dma_start3A : memref<8xi32, #tpu.memory_space<vmem>>) semaphore(%arg15 : memref<!tpu.dma_semaphore, #tpu.memory_space<semaphore_mem>>)
        } else {
        }
        %ge3A_464 = arith.cmpi sge, %add3A_419, %shift_right_arithmetic3A_32 : i32
        %convert_element_type3A_465 = arith.extui %ge3A_464 : i1 to i32
        %cond3A_466 = arith.constant 0 : i32
        %cond3A_467 = arith.cmpi ne, %convert_element_type3A_465, %cond3A_466 : i32
        scf.if %cond3A_467 {
          %mul3A_473 = arith.constant 8 : i32
          %mul3A_474 = arith.muli %add3A_419, %mul3A_473 : i32
          %dma_start3A = tpu.memref_slice %arg8[%mul3A_474] : memref<528xi32, #tpu.memory_space<vmem>> -> memref<8xi32, #tpu.memory_space<vmem>>
          %dma_start3A_475 = arith.constant 0 : i32
          %dma_start3A_476 = arith.constant 0 : i32
          %dma_start3A_477 = tpu.memref_slice %arg3[%dma_start3A_475, %dma_start3A_476] : memref<16384x2048xf32, #tpu.memory_space<hbm>> -> memref<16384x2048xf32, #tpu.memory_space<hbm>>
          tpu.enqueue_indirect_dma source(%dma_start3A_477 : memref<16384x2048xf32, #tpu.memory_space<hbm>>) target(%arg9 : memref<8x2048xf32, #tpu.memory_space<vmem>>) offsets(%dma_start3A : memref<8xi32, #tpu.memory_space<vmem>>) semaphore(%arg15 : memref<!tpu.dma_semaphore, #tpu.memory_space<semaphore_mem>>)
        } else {
        }
        %ge3A_468 = arith.constant 2 : i32
        %ge3A_469 = arith.cmpi sge, %add3A_419, %ge3A_468 : i32
        %convert_element_type3A_470 = arith.extui %ge3A_469 : i1 to i32
        %cond3A_471 = arith.constant 0 : i32
        %cond3A_472 = arith.cmpi ne, %convert_element_type3A_470, %cond3A_471 : i32
        scf.if %cond3A_472 {
          %sub3A_473 = arith.constant 2 : i32
          %sub3A_474 = arith.subi %add3A_419, %sub3A_473 : i32
          %dma_wait3A = arith.constant 0 : i32
          %dma_wait3A_475 = arith.constant 0 : i32
          %dma_wait3A_476 = tpu.memref_slice %arg4[%dma_wait3A, %dma_wait3A_475] : memref<16384x2048xf32, #tpu.memory_space<hbm>> -> memref<8x2048xf32, #tpu.memory_space<hbm>>
          %dma_wait3A_477 = arith.constant 0 : i32
          %dma_wait3A_478 = arith.constant 0 : i32
          %dma_wait3A_479 = tpu.memref_slice %arg4[%dma_wait3A_477, %dma_wait3A_478] : memref<16384x2048xf32, #tpu.memory_space<hbm>> -> memref<8x2048xf32, #tpu.memory_space<hbm>>
          tpu.wait_dma2 semaphore(%arg19 : memref<!tpu.dma_semaphore, #tpu.memory_space<semaphore_mem>>) src(%dma_wait3A_479 : memref<8x2048xf32, #tpu.memory_space<hbm>>) dst(%arg13 : memref<8x2048xf32, #tpu.memory_space<vmem>>)
          %mul3A_480 = arith.constant 8 : i32
          %mul3A_481 = arith.muli %sub3A_474, %mul3A_480 : i32
          %dma_start3A = tpu.memref_slice %arg8[%mul3A_481] : memref<528xi32, #tpu.memory_space<vmem>> -> memref<8xi32, #tpu.memory_space<vmem>>
          %dma_start3A_482 = arith.constant 0 : i32
          %dma_start3A_483 = arith.constant 0 : i32
          %dma_start3A_484 = tpu.memref_slice %arg5[%dma_start3A_482, %dma_start3A_483] : memref<16384x2048xf32, #tpu.memory_space<hbm>> -> memref<16384x2048xf32, #tpu.memory_space<hbm>>
          tpu.enqueue_indirect_dma source(%arg13 : memref<8x2048xf32, #tpu.memory_space<vmem>>) target(%dma_start3A_484 : memref<16384x2048xf32, #tpu.memory_space<hbm>>) offsets(%dma_start3A : memref<8xi32, #tpu.memory_space<vmem>>) semaphore(%arg25 : memref<!tpu.dma_semaphore, #tpu.memory_space<semaphore_mem>>)
        } else {
        }
      } else {
      }
      %add3A_424 = arith.constant 1 : i32
      %add3A_425 = arith.addi %mul3A_417, %add3A_424 : i32
      %lt3A_426 = arith.cmpi slt, %add3A_425, %add3A_53 : i32
      %convert_element_type3A_427 = arith.extui %lt3A_426 : i1 to i32
      %cond3A_428 = arith.constant 0 : i32
      %cond3A_429 = arith.cmpi ne, %convert_element_type3A_427, %cond3A_428 : i32
      scf.if %cond3A_429 {
        %ge3A_455 = arith.constant 6 : i32
        %ge3A_456 = arith.cmpi sge, %add3A_425, %ge3A_455 : i32
        %convert_element_type3A_457 = arith.extui %ge3A_456 : i1 to i32
        %cond3A_458 = arith.constant 0 : i32
        %cond3A_459 = arith.cmpi ne, %convert_element_type3A_457, %cond3A_458 : i32
        scf.if %cond3A_459 {
          %dma_wait3A = arith.constant 0 : i32
          %dma_wait3A_473 = arith.constant 0 : i32
          %dma_wait3A_474 = tpu.memref_slice %arg5[%dma_wait3A, %dma_wait3A_473] : memref<16384x2048xf32, #tpu.memory_space<hbm>> -> memref<8x2048xf32, #tpu.memory_space<hbm>>
          %dma_wait3A_475 = arith.constant 0 : i32
          %dma_wait3A_476 = arith.constant 0 : i32
          %dma_wait3A_477 = tpu.memref_slice %arg5[%dma_wait3A_475, %dma_wait3A_476] : memref<16384x2048xf32, #tpu.memory_space<hbm>> -> memref<8x2048xf32, #tpu.memory_space<hbm>>
          tpu.wait_dma2 semaphore(%arg22 : memref<!tpu.dma_semaphore, #tpu.memory_space<semaphore_mem>>) src(%arg10 : memref<8x2048xf32, #tpu.memory_space<vmem>>) dst(%dma_wait3A_477 : memref<8x2048xf32, #tpu.memory_space<hbm>>)
        } else {
        }
        %lt3A_460 = arith.cmpi slt, %add3A_425, %shift_right_arithmetic3A_32 : i32
        %convert_element_type3A_461 = arith.extui %lt3A_460 : i1 to i32
        %cond3A_462 = arith.constant 0 : i32
        %cond3A_463 = arith.cmpi ne, %convert_element_type3A_461, %cond3A_462 : i32
        scf.if %cond3A_463 {
          %mul3A_473 = arith.constant 8 : i32
          %mul3A_474 = arith.muli %add3A_425, %mul3A_473 : i32
          %dma_start3A = tpu.memref_slice %arg7[%mul3A_474] : memref<512xi32, #tpu.memory_space<vmem>> -> memref<8xi32, #tpu.memory_space<vmem>>
          %dma_start3A_475 = arith.constant 0 : i32
          %dma_start3A_476 = arith.constant 0 : i32
          %dma_start3A_477 = tpu.memref_slice %arg4[%dma_start3A_475, %dma_start3A_476] : memref<16384x2048xf32, #tpu.memory_space<hbm>> -> memref<16384x2048xf32, #tpu.memory_space<hbm>>
          tpu.enqueue_indirect_dma source(%dma_start3A_477 : memref<16384x2048xf32, #tpu.memory_space<hbm>>) target(%arg10 : memref<8x2048xf32, #tpu.memory_space<vmem>>) offsets(%dma_start3A : memref<8xi32, #tpu.memory_space<vmem>>) semaphore(%arg16 : memref<!tpu.dma_semaphore, #tpu.memory_space<semaphore_mem>>)
        } else {
        }
        %ge3A_464 = arith.cmpi sge, %add3A_425, %shift_right_arithmetic3A_32 : i32
        %convert_element_type3A_465 = arith.extui %ge3A_464 : i1 to i32
        %cond3A_466 = arith.constant 0 : i32
        %cond3A_467 = arith.cmpi ne, %convert_element_type3A_465, %cond3A_466 : i32
        scf.if %cond3A_467 {
          %mul3A_473 = arith.constant 8 : i32
          %mul3A_474 = arith.muli %add3A_425, %mul3A_473 : i32
          %dma_start3A = tpu.memref_slice %arg8[%mul3A_474] : memref<528xi32, #tpu.memory_space<vmem>> -> memref<8xi32, #tpu.memory_space<vmem>>
          %dma_start3A_475 = arith.constant 0 : i32
          %dma_start3A_476 = arith.constant 0 : i32
          %dma_start3A_477 = tpu.memref_slice %arg3[%dma_start3A_475, %dma_start3A_476] : memref<16384x2048xf32, #tpu.memory_space<hbm>> -> memref<16384x2048xf32, #tpu.memory_space<hbm>>
          tpu.enqueue_indirect_dma source(%dma_start3A_477 : memref<16384x2048xf32, #tpu.memory_space<hbm>>) target(%arg10 : memref<8x2048xf32, #tpu.memory_space<vmem>>) offsets(%dma_start3A : memref<8xi32, #tpu.memory_space<vmem>>) semaphore(%arg16 : memref<!tpu.dma_semaphore, #tpu.memory_space<semaphore_mem>>)
        } else {
        }
        %ge3A_468 = arith.constant 2 : i32
        %ge3A_469 = arith.cmpi sge, %add3A_425, %ge3A_468 : i32
        %convert_element_type3A_470 = arith.extui %ge3A_469 : i1 to i32
        %cond3A_471 = arith.constant 0 : i32
        %cond3A_472 = arith.cmpi ne, %convert_element_type3A_470, %cond3A_471 : i32
        scf.if %cond3A_472 {
          %sub3A_473 = arith.constant 2 : i32
          %sub3A_474 = arith.subi %add3A_425, %sub3A_473 : i32
          %dma_wait3A = arith.constant 0 : i32
          %dma_wait3A_475 = arith.constant 0 : i32
          %dma_wait3A_476 = tpu.memref_slice %arg4[%dma_wait3A, %dma_wait3A_475] : memref<16384x2048xf32, #tpu.memory_space<hbm>> -> memref<8x2048xf32, #tpu.memory_space<hbm>>
          %dma_wait3A_477 = arith.constant 0 : i32
          %dma_wait3A_478 = arith.constant 0 : i32
          %dma_wait3A_479 = tpu.memref_slice %arg4[%dma_wait3A_477, %dma_wait3A_478] : memref<16384x2048xf32, #tpu.memory_space<hbm>> -> memref<8x2048xf32, #tpu.memory_space<hbm>>
          tpu.wait_dma2 semaphore(%arg20 : memref<!tpu.dma_semaphore, #tpu.memory_space<semaphore_mem>>) src(%dma_wait3A_479 : memref<8x2048xf32, #tpu.memory_space<hbm>>) dst(%arg14 : memref<8x2048xf32, #tpu.memory_space<vmem>>)
          %mul3A_480 = arith.constant 8 : i32
          %mul3A_481 = arith.muli %sub3A_474, %mul3A_480 : i32
          %dma_start3A = tpu.memref_slice %arg8[%mul3A_481] : memref<528xi32, #tpu.memory_space<vmem>> -> memref<8xi32, #tpu.memory_space<vmem>>
          %dma_start3A_482 = arith.constant 0 : i32
          %dma_start3A_483 = arith.constant 0 : i32
          %dma_start3A_484 = tpu.memref_slice %arg5[%dma_start3A_482, %dma_start3A_483] : memref<16384x2048xf32, #tpu.memory_space<hbm>> -> memref<16384x2048xf32, #tpu.memory_space<hbm>>
          tpu.enqueue_indirect_dma source(%arg14 : memref<8x2048xf32, #tpu.memory_space<vmem>>) target(%dma_start3A_484 : memref<16384x2048xf32, #tpu.memory_space<hbm>>) offsets(%dma_start3A : memref<8xi32, #tpu.memory_space<vmem>>) semaphore(%arg26 : memref<!tpu.dma_semaphore, #tpu.memory_space<semaphore_mem>>)
        } else {
        }
      } else {
      }
      %add3A_430 = arith.constant 2 : i32
      %add3A_431 = arith.addi %mul3A_417, %add3A_430 : i32
      %lt3A_432 = arith.cmpi slt, %add3A_431, %add3A_53 : i32
      %convert_element_type3A_433 = arith.extui %lt3A_432 : i1 to i32
      %cond3A_434 = arith.constant 0 : i32
      %cond3A_435 = arith.cmpi ne, %convert_element_type3A_433, %cond3A_434 : i32
      scf.if %cond3A_435 {
        %ge3A_455 = arith.constant 6 : i32
        %ge3A_456 = arith.cmpi sge, %add3A_431, %ge3A_455 : i32
        %convert_element_type3A_457 = arith.extui %ge3A_456 : i1 to i32
        %cond3A_458 = arith.constant 0 : i32
        %cond3A_459 = arith.cmpi ne, %convert_element_type3A_457, %cond3A_458 : i32
        scf.if %cond3A_459 {
          %dma_wait3A = arith.constant 0 : i32
          %dma_wait3A_473 = arith.constant 0 : i32
          %dma_wait3A_474 = tpu.memref_slice %arg5[%dma_wait3A, %dma_wait3A_473] : memref<16384x2048xf32, #tpu.memory_space<hbm>> -> memref<8x2048xf32, #tpu.memory_space<hbm>>
          %dma_wait3A_475 = arith.constant 0 : i32
          %dma_wait3A_476 = arith.constant 0 : i32
          %dma_wait3A_477 = tpu.memref_slice %arg5[%dma_wait3A_475, %dma_wait3A_476] : memref<16384x2048xf32, #tpu.memory_space<hbm>> -> memref<8x2048xf32, #tpu.memory_space<hbm>>
          tpu.wait_dma2 semaphore(%arg23 : memref<!tpu.dma_semaphore, #tpu.memory_space<semaphore_mem>>) src(%arg11 : memref<8x2048xf32, #tpu.memory_space<vmem>>) dst(%dma_wait3A_477 : memref<8x2048xf32, #tpu.memory_space<hbm>>)
        } else {
        }
        %lt3A_460 = arith.cmpi slt, %add3A_431, %shift_right_arithmetic3A_32 : i32
        %convert_element_type3A_461 = arith.extui %lt3A_460 : i1 to i32
        %cond3A_462 = arith.constant 0 : i32
        %cond3A_463 = arith.cmpi ne, %convert_element_type3A_461, %cond3A_462 : i32
        scf.if %cond3A_463 {
          %mul3A_473 = arith.constant 8 : i32
          %mul3A_474 = arith.muli %add3A_431, %mul3A_473 : i32
          %dma_start3A = tpu.memref_slice %arg7[%mul3A_474] : memref<512xi32, #tpu.memory_space<vmem>> -> memref<8xi32, #tpu.memory_space<vmem>>
          %dma_start3A_475 = arith.constant 0 : i32
          %dma_start3A_476 = arith.constant 0 : i32
          %dma_start3A_477 = tpu.memref_slice %arg4[%dma_start3A_475, %dma_start3A_476] : memref<16384x2048xf32, #tpu.memory_space<hbm>> -> memref<16384x2048xf32, #tpu.memory_space<hbm>>
          tpu.enqueue_indirect_dma source(%dma_start3A_477 : memref<16384x2048xf32, #tpu.memory_space<hbm>>) target(%arg11 : memref<8x2048xf32, #tpu.memory_space<vmem>>) offsets(%dma_start3A : memref<8xi32, #tpu.memory_space<vmem>>) semaphore(%arg17 : memref<!tpu.dma_semaphore, #tpu.memory_space<semaphore_mem>>)
        } else {
        }
        %ge3A_464 = arith.cmpi sge, %add3A_431, %shift_right_arithmetic3A_32 : i32
        %convert_element_type3A_465 = arith.extui %ge3A_464 : i1 to i32
        %cond3A_466 = arith.constant 0 : i32
        %cond3A_467 = arith.cmpi ne, %convert_element_type3A_465, %cond3A_466 : i32
        scf.if %cond3A_467 {
          %mul3A_473 = arith.constant 8 : i32
          %mul3A_474 = arith.muli %add3A_431, %mul3A_473 : i32
          %dma_start3A = tpu.memref_slice %arg8[%mul3A_474] : memref<528xi32, #tpu.memory_space<vmem>> -> memref<8xi32, #tpu.memory_space<vmem>>
          %dma_start3A_475 = arith.constant 0 : i32
          %dma_start3A_476 = arith.constant 0 : i32
          %dma_start3A_477 = tpu.memref_slice %arg3[%dma_start3A_475, %dma_start3A_476] : memref<16384x2048xf32, #tpu.memory_space<hbm>> -> memref<16384x2048xf32, #tpu.memory_space<hbm>>
          tpu.enqueue_indirect_dma source(%dma_start3A_477 : memref<16384x2048xf32, #tpu.memory_space<hbm>>) target(%arg11 : memref<8x2048xf32, #tpu.memory_space<vmem>>) offsets(%dma_start3A : memref<8xi32, #tpu.memory_space<vmem>>) semaphore(%arg17 : memref<!tpu.dma_semaphore, #tpu.memory_space<semaphore_mem>>)
        } else {
        }
        %ge3A_468 = arith.constant 2 : i32
        %ge3A_469 = arith.cmpi sge, %add3A_431, %ge3A_468 : i32
        %convert_element_type3A_470 = arith.extui %ge3A_469 : i1 to i32
        %cond3A_471 = arith.constant 0 : i32
        %cond3A_472 = arith.cmpi ne, %convert_element_type3A_470, %cond3A_471 : i32
        scf.if %cond3A_472 {
          %sub3A_473 = arith.constant 2 : i32
          %sub3A_474 = arith.subi %add3A_431, %sub3A_473 : i32
          %dma_wait3A = arith.constant 0 : i32
          %dma_wait3A_475 = arith.constant 0 : i32
          %dma_wait3A_476 = tpu.memref_slice %arg4[%dma_wait3A, %dma_wait3A_475] : memref<16384x2048xf32, #tpu.memory_space<hbm>> -> memref<8x2048xf32, #tpu.memory_space<hbm>>
          %dma_wait3A_477 = arith.constant 0 : i32
          %dma_wait3A_478 = arith.constant 0 : i32
          %dma_wait3A_479 = tpu.memref_slice %arg4[%dma_wait3A_477, %dma_wait3A_478] : memref<16384x2048xf32, #tpu.memory_space<hbm>> -> memref<8x2048xf32, #tpu.memory_space<hbm>>
          tpu.wait_dma2 semaphore(%arg15 : memref<!tpu.dma_semaphore, #tpu.memory_space<semaphore_mem>>) src(%dma_wait3A_479 : memref<8x2048xf32, #tpu.memory_space<hbm>>) dst(%arg9 : memref<8x2048xf32, #tpu.memory_space<vmem>>)
          %mul3A_480 = arith.constant 8 : i32
          %mul3A_481 = arith.muli %sub3A_474, %mul3A_480 : i32
          %dma_start3A = tpu.memref_slice %arg8[%mul3A_481] : memref<528xi32, #tpu.memory_space<vmem>> -> memref<8xi32, #tpu.memory_space<vmem>>
          %dma_start3A_482 = arith.constant 0 : i32
          %dma_start3A_483 = arith.constant 0 : i32
          %dma_start3A_484 = tpu.memref_slice %arg5[%dma_start3A_482, %dma_start3A_483] : memref<16384x2048xf32, #tpu.memory_space<hbm>> -> memref<16384x2048xf32, #tpu.memory_space<hbm>>
          tpu.enqueue_indirect_dma source(%arg9 : memref<8x2048xf32, #tpu.memory_space<vmem>>) target(%dma_start3A_484 : memref<16384x2048xf32, #tpu.memory_space<hbm>>) offsets(%dma_start3A : memref<8xi32, #tpu.memory_space<vmem>>) semaphore(%arg21 : memref<!tpu.dma_semaphore, #tpu.memory_space<semaphore_mem>>)
        } else {
        }
      } else {
      }
      %add3A_436 = arith.constant 3 : i32
      %add3A_437 = arith.addi %mul3A_417, %add3A_436 : i32
      %lt3A_438 = arith.cmpi slt, %add3A_437, %add3A_53 : i32
      %convert_element_type3A_439 = arith.extui %lt3A_438 : i1 to i32
      %cond3A_440 = arith.constant 0 : i32
      %cond3A_441 = arith.cmpi ne, %convert_element_type3A_439, %cond3A_440 : i32
      scf.if %cond3A_441 {
        %ge3A_455 = arith.constant 6 : i32
        %ge3A_456 = arith.cmpi sge, %add3A_437, %ge3A_455 : i32
        %convert_element_type3A_457 = arith.extui %ge3A_456 : i1 to i32
        %cond3A_458 = arith.constant 0 : i32
        %cond3A_459 = arith.cmpi ne, %convert_element_type3A_457, %cond3A_458 : i32
        scf.if %cond3A_459 {
          %dma_wait3A = arith.constant 0 : i32
          %dma_wait3A_473 = arith.constant 0 : i32
          %dma_wait3A_474 = tpu.memref_slice %arg5[%dma_wait3A, %dma_wait3A_473] : memref<16384x2048xf32, #tpu.memory_space<hbm>> -> memref<8x2048xf32, #tpu.memory_space<hbm>>
          %dma_wait3A_475 = arith.constant 0 : i32
          %dma_wait3A_476 = arith.constant 0 : i32
          %dma_wait3A_477 = tpu.memref_slice %arg5[%dma_wait3A_475, %dma_wait3A_476] : memref<16384x2048xf32, #tpu.memory_space<hbm>> -> memref<8x2048xf32, #tpu.memory_space<hbm>>
          tpu.wait_dma2 semaphore(%arg24 : memref<!tpu.dma_semaphore, #tpu.memory_space<semaphore_mem>>) src(%arg12 : memref<8x2048xf32, #tpu.memory_space<vmem>>) dst(%dma_wait3A_477 : memref<8x2048xf32, #tpu.memory_space<hbm>>)
        } else {
        }
        %lt3A_460 = arith.cmpi slt, %add3A_437, %shift_right_arithmetic3A_32 : i32
        %convert_element_type3A_461 = arith.extui %lt3A_460 : i1 to i32
        %cond3A_462 = arith.constant 0 : i32
        %cond3A_463 = arith.cmpi ne, %convert_element_type3A_461, %cond3A_462 : i32
        scf.if %cond3A_463 {
          %mul3A_473 = arith.constant 8 : i32
          %mul3A_474 = arith.muli %add3A_437, %mul3A_473 : i32
          %dma_start3A = tpu.memref_slice %arg7[%mul3A_474] : memref<512xi32, #tpu.memory_space<vmem>> -> memref<8xi32, #tpu.memory_space<vmem>>
          %dma_start3A_475 = arith.constant 0 : i32
          %dma_start3A_476 = arith.constant 0 : i32
          %dma_start3A_477 = tpu.memref_slice %arg4[%dma_start3A_475, %dma_start3A_476] : memref<16384x2048xf32, #tpu.memory_space<hbm>> -> memref<16384x2048xf32, #tpu.memory_space<hbm>>
          tpu.enqueue_indirect_dma source(%dma_start3A_477 : memref<16384x2048xf32, #tpu.memory_space<hbm>>) target(%arg12 : memref<8x2048xf32, #tpu.memory_space<vmem>>) offsets(%dma_start3A : memref<8xi32, #tpu.memory_space<vmem>>) semaphore(%arg18 : memref<!tpu.dma_semaphore, #tpu.memory_space<semaphore_mem>>)
        } else {
        }
        %ge3A_464 = arith.cmpi sge, %add3A_437, %shift_right_arithmetic3A_32 : i32
        %convert_element_type3A_465 = arith.extui %ge3A_464 : i1 to i32
        %cond3A_466 = arith.constant 0 : i32
        %cond3A_467 = arith.cmpi ne, %convert_element_type3A_465, %cond3A_466 : i32
        scf.if %cond3A_467 {
          %mul3A_473 = arith.constant 8 : i32
          %mul3A_474 = arith.muli %add3A_437, %mul3A_473 : i32
          %dma_start3A = tpu.memref_slice %arg8[%mul3A_474] : memref<528xi32, #tpu.memory_space<vmem>> -> memref<8xi32, #tpu.memory_space<vmem>>
          %dma_start3A_475 = arith.constant 0 : i32
          %dma_start3A_476 = arith.constant 0 : i32
          %dma_start3A_477 = tpu.memref_slice %arg3[%dma_start3A_475, %dma_start3A_476] : memref<16384x2048xf32, #tpu.memory_space<hbm>> -> memref<16384x2048xf32, #tpu.memory_space<hbm>>
          tpu.enqueue_indirect_dma source(%dma_start3A_477 : memref<16384x2048xf32, #tpu.memory_space<hbm>>) target(%arg12 : memref<8x2048xf32, #tpu.memory_space<vmem>>) offsets(%dma_start3A : memref<8xi32, #tpu.memory_space<vmem>>) semaphore(%arg18 : memref<!tpu.dma_semaphore, #tpu.memory_space<semaphore_mem>>)
        } else {
        }
        %ge3A_468 = arith.constant 2 : i32
        %ge3A_469 = arith.cmpi sge, %add3A_437, %ge3A_468 : i32
        %convert_element_type3A_470 = arith.extui %ge3A_469 : i1 to i32
        %cond3A_471 = arith.constant 0 : i32
        %cond3A_472 = arith.cmpi ne, %convert_element_type3A_470, %cond3A_471 : i32
        scf.if %cond3A_472 {
          %sub3A_473 = arith.constant 2 : i32
          %sub3A_474 = arith.subi %add3A_437, %sub3A_473 : i32
          %dma_wait3A = arith.constant 0 : i32
          %dma_wait3A_475 = arith.constant 0 : i32
          %dma_wait3A_476 = tpu.memref_slice %arg4[%dma_wait3A, %dma_wait3A_475] : memref<16384x2048xf32, #tpu.memory_space<hbm>> -> memref<8x2048xf32, #tpu.memory_space<hbm>>
          %dma_wait3A_477 = arith.constant 0 : i32
          %dma_wait3A_478 = arith.constant 0 : i32
          %dma_wait3A_479 = tpu.memref_slice %arg4[%dma_wait3A_477, %dma_wait3A_478] : memref<16384x2048xf32, #tpu.memory_space<hbm>> -> memref<8x2048xf32, #tpu.memory_space<hbm>>
          tpu.wait_dma2 semaphore(%arg16 : memref<!tpu.dma_semaphore, #tpu.memory_space<semaphore_mem>>) src(%dma_wait3A_479 : memref<8x2048xf32, #tpu.memory_space<hbm>>) dst(%arg10 : memref<8x2048xf32, #tpu.memory_space<vmem>>)
          %mul3A_480 = arith.constant 8 : i32
          %mul3A_481 = arith.muli %sub3A_474, %mul3A_480 : i32
          %dma_start3A = tpu.memref_slice %arg8[%mul3A_481] : memref<528xi32, #tpu.memory_space<vmem>> -> memref<8xi32, #tpu.memory_space<vmem>>
          %dma_start3A_482 = arith.constant 0 : i32
          %dma_start3A_483 = arith.constant 0 : i32
          %dma_start3A_484 = tpu.memref_slice %arg5[%dma_start3A_482, %dma_start3A_483] : memref<16384x2048xf32, #tpu.memory_space<hbm>> -> memref<16384x2048xf32, #tpu.memory_space<hbm>>
          tpu.enqueue_indirect_dma source(%arg10 : memref<8x2048xf32, #tpu.memory_space<vmem>>) target(%dma_start3A_484 : memref<16384x2048xf32, #tpu.memory_space<hbm>>) offsets(%dma_start3A : memref<8xi32, #tpu.memory_space<vmem>>) semaphore(%arg22 : memref<!tpu.dma_semaphore, #tpu.memory_space<semaphore_mem>>)
        } else {
        }
      } else {
      }
      %add3A_442 = arith.constant 4 : i32
      %add3A_443 = arith.addi %mul3A_417, %add3A_442 : i32
      %lt3A_444 = arith.cmpi slt, %add3A_443, %add3A_53 : i32
      %convert_element_type3A_445 = arith.extui %lt3A_444 : i1 to i32
      %cond3A_446 = arith.constant 0 : i32
      %cond3A_447 = arith.cmpi ne, %convert_element_type3A_445, %cond3A_446 : i32
      scf.if %cond3A_447 {
        %ge3A_455 = arith.constant 6 : i32
        %ge3A_456 = arith.cmpi sge, %add3A_443, %ge3A_455 : i32
        %convert_element_type3A_457 = arith.extui %ge3A_456 : i1 to i32
        %cond3A_458 = arith.constant 0 : i32
        %cond3A_459 = arith.cmpi ne, %convert_element_type3A_457, %cond3A_458 : i32
        scf.if %cond3A_459 {
          %dma_wait3A = arith.constant 0 : i32
          %dma_wait3A_473 = arith.constant 0 : i32
          %dma_wait3A_474 = tpu.memref_slice %arg5[%dma_wait3A, %dma_wait3A_473] : memref<16384x2048xf32, #tpu.memory_space<hbm>> -> memref<8x2048xf32, #tpu.memory_space<hbm>>
          %dma_wait3A_475 = arith.constant 0 : i32
          %dma_wait3A_476 = arith.constant 0 : i32
          %dma_wait3A_477 = tpu.memref_slice %arg5[%dma_wait3A_475, %dma_wait3A_476] : memref<16384x2048xf32, #tpu.memory_space<hbm>> -> memref<8x2048xf32, #tpu.memory_space<hbm>>
          tpu.wait_dma2 semaphore(%arg25 : memref<!tpu.dma_semaphore, #tpu.memory_space<semaphore_mem>>) src(%arg13 : memref<8x2048xf32, #tpu.memory_space<vmem>>) dst(%dma_wait3A_477 : memref<8x2048xf32, #tpu.memory_space<hbm>>)
        } else {
        }
        %lt3A_460 = arith.cmpi slt, %add3A_443, %shift_right_arithmetic3A_32 : i32
        %convert_element_type3A_461 = arith.extui %lt3A_460 : i1 to i32
        %cond3A_462 = arith.constant 0 : i32
        %cond3A_463 = arith.cmpi ne, %convert_element_type3A_461, %cond3A_462 : i32
        scf.if %cond3A_463 {
          %mul3A_473 = arith.constant 8 : i32
          %mul3A_474 = arith.muli %add3A_443, %mul3A_473 : i32
          %dma_start3A = tpu.memref_slice %arg7[%mul3A_474] : memref<512xi32, #tpu.memory_space<vmem>> -> memref<8xi32, #tpu.memory_space<vmem>>
          %dma_start3A_475 = arith.constant 0 : i32
          %dma_start3A_476 = arith.constant 0 : i32
          %dma_start3A_477 = tpu.memref_slice %arg4[%dma_start3A_475, %dma_start3A_476] : memref<16384x2048xf32, #tpu.memory_space<hbm>> -> memref<16384x2048xf32, #tpu.memory_space<hbm>>
          tpu.enqueue_indirect_dma source(%dma_start3A_477 : memref<16384x2048xf32, #tpu.memory_space<hbm>>) target(%arg13 : memref<8x2048xf32, #tpu.memory_space<vmem>>) offsets(%dma_start3A : memref<8xi32, #tpu.memory_space<vmem>>) semaphore(%arg19 : memref<!tpu.dma_semaphore, #tpu.memory_space<semaphore_mem>>)
        } else {
        }
        %ge3A_464 = arith.cmpi sge, %add3A_443, %shift_right_arithmetic3A_32 : i32
        %convert_element_type3A_465 = arith.extui %ge3A_464 : i1 to i32
        %cond3A_466 = arith.constant 0 : i32
        %cond3A_467 = arith.cmpi ne, %convert_element_type3A_465, %cond3A_466 : i32
        scf.if %cond3A_467 {
          %mul3A_473 = arith.constant 8 : i32
          %mul3A_474 = arith.muli %add3A_443, %mul3A_473 : i32
          %dma_start3A = tpu.memref_slice %arg8[%mul3A_474] : memref<528xi32, #tpu.memory_space<vmem>> -> memref<8xi32, #tpu.memory_space<vmem>>
          %dma_start3A_475 = arith.constant 0 : i32
          %dma_start3A_476 = arith.constant 0 : i32
          %dma_start3A_477 = tpu.memref_slice %arg3[%dma_start3A_475, %dma_start3A_476] : memref<16384x2048xf32, #tpu.memory_space<hbm>> -> memref<16384x2048xf32, #tpu.memory_space<hbm>>
          tpu.enqueue_indirect_dma source(%dma_start3A_477 : memref<16384x2048xf32, #tpu.memory_space<hbm>>) target(%arg13 : memref<8x2048xf32, #tpu.memory_space<vmem>>) offsets(%dma_start3A : memref<8xi32, #tpu.memory_space<vmem>>) semaphore(%arg19 : memref<!tpu.dma_semaphore, #tpu.memory_space<semaphore_mem>>)
        } else {
        }
        %ge3A_468 = arith.constant 2 : i32
        %ge3A_469 = arith.cmpi sge, %add3A_443, %ge3A_468 : i32
        %convert_element_type3A_470 = arith.extui %ge3A_469 : i1 to i32
        %cond3A_471 = arith.constant 0 : i32
        %cond3A_472 = arith.cmpi ne, %convert_element_type3A_470, %cond3A_471 : i32
        scf.if %cond3A_472 {
          %sub3A_473 = arith.constant 2 : i32
          %sub3A_474 = arith.subi %add3A_443, %sub3A_473 : i32
          %dma_wait3A = arith.constant 0 : i32
          %dma_wait3A_475 = arith.constant 0 : i32
          %dma_wait3A_476 = tpu.memref_slice %arg4[%dma_wait3A, %dma_wait3A_475] : memref<16384x2048xf32, #tpu.memory_space<hbm>> -> memref<8x2048xf32, #tpu.memory_space<hbm>>
          %dma_wait3A_477 = arith.constant 0 : i32
          %dma_wait3A_478 = arith.constant 0 : i32
          %dma_wait3A_479 = tpu.memref_slice %arg4[%dma_wait3A_477, %dma_wait3A_478] : memref<16384x2048xf32, #tpu.memory_space<hbm>> -> memref<8x2048xf32, #tpu.memory_space<hbm>>
          tpu.wait_dma2 semaphore(%arg17 : memref<!tpu.dma_semaphore, #tpu.memory_space<semaphore_mem>>) src(%dma_wait3A_479 : memref<8x2048xf32, #tpu.memory_space<hbm>>) dst(%arg11 : memref<8x2048xf32, #tpu.memory_space<vmem>>)
          %mul3A_480 = arith.constant 8 : i32
          %mul3A_481 = arith.muli %sub3A_474, %mul3A_480 : i32
          %dma_start3A = tpu.memref_slice %arg8[%mul3A_481] : memref<528xi32, #tpu.memory_space<vmem>> -> memref<8xi32, #tpu.memory_space<vmem>>
          %dma_start3A_482 = arith.constant 0 : i32
          %dma_start3A_483 = arith.constant 0 : i32
          %dma_start3A_484 = tpu.memref_slice %arg5[%dma_start3A_482, %dma_start3A_483] : memref<16384x2048xf32, #tpu.memory_space<hbm>> -> memref<16384x2048xf32, #tpu.memory_space<hbm>>
          tpu.enqueue_indirect_dma source(%arg11 : memref<8x2048xf32, #tpu.memory_space<vmem>>) target(%dma_start3A_484 : memref<16384x2048xf32, #tpu.memory_space<hbm>>) offsets(%dma_start3A : memref<8xi32, #tpu.memory_space<vmem>>) semaphore(%arg23 : memref<!tpu.dma_semaphore, #tpu.memory_space<semaphore_mem>>)
        } else {
        }
      } else {
      }
      %add3A_448 = arith.constant 5 : i32
      %add3A_449 = arith.addi %mul3A_417, %add3A_448 : i32
      %lt3A_450 = arith.cmpi slt, %add3A_449, %add3A_53 : i32
      %convert_element_type3A_451 = arith.extui %lt3A_450 : i1 to i32
      %cond3A_452 = arith.constant 0 : i32
      %cond3A_453 = arith.cmpi ne, %convert_element_type3A_451, %cond3A_452 : i32
      scf.if %cond3A_453 {
        %ge3A_455 = arith.constant 6 : i32
        %ge3A_456 = arith.cmpi sge, %add3A_449, %ge3A_455 : i32
        %convert_element_type3A_457 = arith.extui %ge3A_456 : i1 to i32
        %cond3A_458 = arith.constant 0 : i32
        %cond3A_459 = arith.cmpi ne, %convert_element_type3A_457, %cond3A_458 : i32
        scf.if %cond3A_459 {
          %dma_wait3A = arith.constant 0 : i32
          %dma_wait3A_473 = arith.constant 0 : i32
          %dma_wait3A_474 = tpu.memref_slice %arg5[%dma_wait3A, %dma_wait3A_473] : memref<16384x2048xf32, #tpu.memory_space<hbm>> -> memref<8x2048xf32, #tpu.memory_space<hbm>>
          %dma_wait3A_475 = arith.constant 0 : i32
          %dma_wait3A_476 = arith.constant 0 : i32
          %dma_wait3A_477 = tpu.memref_slice %arg5[%dma_wait3A_475, %dma_wait3A_476] : memref<16384x2048xf32, #tpu.memory_space<hbm>> -> memref<8x2048xf32, #tpu.memory_space<hbm>>
          tpu.wait_dma2 semaphore(%arg26 : memref<!tpu.dma_semaphore, #tpu.memory_space<semaphore_mem>>) src(%arg14 : memref<8x2048xf32, #tpu.memory_space<vmem>>) dst(%dma_wait3A_477 : memref<8x2048xf32, #tpu.memory_space<hbm>>)
        } else {
        }
        %lt3A_460 = arith.cmpi slt, %add3A_449, %shift_right_arithmetic3A_32 : i32
        %convert_element_type3A_461 = arith.extui %lt3A_460 : i1 to i32
        %cond3A_462 = arith.constant 0 : i32
        %cond3A_463 = arith.cmpi ne, %convert_element_type3A_461, %cond3A_462 : i32
        scf.if %cond3A_463 {
          %mul3A_473 = arith.constant 8 : i32
          %mul3A_474 = arith.muli %add3A_449, %mul3A_473 : i32
          %dma_start3A = tpu.memref_slice %arg7[%mul3A_474] : memref<512xi32, #tpu.memory_space<vmem>> -> memref<8xi32, #tpu.memory_space<vmem>>
          %dma_start3A_475 = arith.constant 0 : i32
          %dma_start3A_476 = arith.constant 0 : i32
          %dma_start3A_477 = tpu.memref_slice %arg4[%dma_start3A_475, %dma_start3A_476] : memref<16384x2048xf32, #tpu.memory_space<hbm>> -> memref<16384x2048xf32, #tpu.memory_space<hbm>>
          tpu.enqueue_indirect_dma source(%dma_start3A_477 : memref<16384x2048xf32, #tpu.memory_space<hbm>>) target(%arg14 : memref<8x2048xf32, #tpu.memory_space<vmem>>) offsets(%dma_start3A : memref<8xi32, #tpu.memory_space<vmem>>) semaphore(%arg20 : memref<!tpu.dma_semaphore, #tpu.memory_space<semaphore_mem>>)
        } else {
        }
        %ge3A_464 = arith.cmpi sge, %add3A_449, %shift_right_arithmetic3A_32 : i32
        %convert_element_type3A_465 = arith.extui %ge3A_464 : i1 to i32
        %cond3A_466 = arith.constant 0 : i32
        %cond3A_467 = arith.cmpi ne, %convert_element_type3A_465, %cond3A_466 : i32
        scf.if %cond3A_467 {
          %mul3A_473 = arith.constant 8 : i32
          %mul3A_474 = arith.muli %add3A_449, %mul3A_473 : i32
          %dma_start3A = tpu.memref_slice %arg8[%mul3A_474] : memref<528xi32, #tpu.memory_space<vmem>> -> memref<8xi32, #tpu.memory_space<vmem>>
          %dma_start3A_475 = arith.constant 0 : i32
          %dma_start3A_476 = arith.constant 0 : i32
          %dma_start3A_477 = tpu.memref_slice %arg3[%dma_start3A_475, %dma_start3A_476] : memref<16384x2048xf32, #tpu.memory_space<hbm>> -> memref<16384x2048xf32, #tpu.memory_space<hbm>>
          tpu.enqueue_indirect_dma source(%dma_start3A_477 : memref<16384x2048xf32, #tpu.memory_space<hbm>>) target(%arg14 : memref<8x2048xf32, #tpu.memory_space<vmem>>) offsets(%dma_start3A : memref<8xi32, #tpu.memory_space<vmem>>) semaphore(%arg20 : memref<!tpu.dma_semaphore, #tpu.memory_space<semaphore_mem>>)
        } else {
        }
        %ge3A_468 = arith.constant 2 : i32
        %ge3A_469 = arith.cmpi sge, %add3A_449, %ge3A_468 : i32
        %convert_element_type3A_470 = arith.extui %ge3A_469 : i1 to i32
        %cond3A_471 = arith.constant 0 : i32
        %cond3A_472 = arith.cmpi ne, %convert_element_type3A_470, %cond3A_471 : i32
        scf.if %cond3A_472 {
          %sub3A_473 = arith.constant 2 : i32
          %sub3A_474 = arith.subi %add3A_449, %sub3A_473 : i32
          %dma_wait3A = arith.constant 0 : i32
          %dma_wait3A_475 = arith.constant 0 : i32
          %dma_wait3A_476 = tpu.memref_slice %arg4[%dma_wait3A, %dma_wait3A_475] : memref<16384x2048xf32, #tpu.memory_space<hbm>> -> memref<8x2048xf32, #tpu.memory_space<hbm>>
          %dma_wait3A_477 = arith.constant 0 : i32
          %dma_wait3A_478 = arith.constant 0 : i32
          %dma_wait3A_479 = tpu.memref_slice %arg4[%dma_wait3A_477, %dma_wait3A_478] : memref<16384x2048xf32, #tpu.memory_space<hbm>> -> memref<8x2048xf32, #tpu.memory_space<hbm>>
          tpu.wait_dma2 semaphore(%arg18 : memref<!tpu.dma_semaphore, #tpu.memory_space<semaphore_mem>>) src(%dma_wait3A_479 : memref<8x2048xf32, #tpu.memory_space<hbm>>) dst(%arg12 : memref<8x2048xf32, #tpu.memory_space<vmem>>)
          %mul3A_480 = arith.constant 8 : i32
          %mul3A_481 = arith.muli %sub3A_474, %mul3A_480 : i32
          %dma_start3A = tpu.memref_slice %arg8[%mul3A_481] : memref<528xi32, #tpu.memory_space<vmem>> -> memref<8xi32, #tpu.memory_space<vmem>>
          %dma_start3A_482 = arith.constant 0 : i32
          %dma_start3A_483 = arith.constant 0 : i32
          %dma_start3A_484 = tpu.memref_slice %arg5[%dma_start3A_482, %dma_start3A_483] : memref<16384x2048xf32, #tpu.memory_space<hbm>> -> memref<16384x2048xf32, #tpu.memory_space<hbm>>
          tpu.enqueue_indirect_dma source(%arg12 : memref<8x2048xf32, #tpu.memory_space<vmem>>) target(%dma_start3A_484 : memref<16384x2048xf32, #tpu.memory_space<hbm>>) offsets(%dma_start3A : memref<8xi32, #tpu.memory_space<vmem>>) semaphore(%arg24 : memref<!tpu.dma_semaphore, #tpu.memory_space<semaphore_mem>>)
        } else {
        }
      } else {
      }
      %while3A_454 = arith.constant 0 : i32
      scf.yield %while3A_454 : i32
    }
    %sub3A_87 = arith.constant 1 : i32
    %sub3A_88 = arith.subi %add3A_53, %sub3A_87 : i32
    %ge3A = arith.constant 2 : i32
    %ge3A_89 = arith.cmpi sge, %add3A_53, %ge3A : i32
    %sub3A_90 = arith.constant 1 : i32
    %sub3A_91 = arith.subi %sub3A_88, %sub3A_90 : i32
    %jit3A_92 = arith.constant 6 : i32
    %eq3A = arith.constant 0 : i32
    %eq3A_93 = arith.cmpi eq, %jit3A_92, %eq3A : i32
    %jit3A_94 = arith.constant 1 : i32
    %select_n3A_95 = arith.select %eq3A_93, %jit3A_94, %jit3A_92 : i32
    %rem3A_96 = arith.remsi %sub3A_91, %select_n3A_95 : i32
    %ne3A_97 = arith.constant 0 : i32
    %ne3A_98 = arith.cmpi ne, %rem3A_96, %ne3A_97 : i32
    %lt3A = arith.constant 0 : i32
    %lt3A_99 = arith.cmpi slt, %rem3A_96, %lt3A : i32
    %lt3A_100 = arith.constant 0 : i32
    %lt3A_101 = arith.cmpi slt, %select_n3A_95, %lt3A_100 : i32
    %ne3A_102 = arith.xori %lt3A_99, %lt3A_101 : i1
    %and3A_103 = arith.andi %ne3A_102, %ne3A_98 : i1
    %add3A_104 = arith.addi %rem3A_96, %select_n3A_95 : i32
    %select_n3A_105 = arith.select %and3A_103, %add3A_104, %rem3A_96 : i32
    %eq3A_106 = arith.constant 0 : i32
    %eq3A_107 = arith.cmpi eq, %select_n3A_105, %eq3A_106 : i32
    %and3A_108 = arith.andi %ge3A_89, %eq3A_107 : i1
    %convert_element_type3A = arith.extui %and3A_108 : i1 to i32
    %cond3A = arith.constant 0 : i32
    %cond3A_109 = arith.cmpi ne, %convert_element_type3A, %cond3A : i32
    scf.if %cond3A_109 {
      %sub3A_414 = arith.constant 1 : i32
      %sub3A_415 = arith.subi %sub3A_88, %sub3A_414 : i32
      %dma_wait3A = arith.constant 0 : i32
      %dma_wait3A_416 = arith.constant 0 : i32
      %dma_wait3A_417 = tpu.memref_slice %arg4[%dma_wait3A, %dma_wait3A_416] : memref<16384x2048xf32, #tpu.memory_space<hbm>> -> memref<8x2048xf32, #tpu.memory_space<hbm>>
      %dma_wait3A_418 = arith.constant 0 : i32
      %dma_wait3A_419 = arith.constant 0 : i32
      %dma_wait3A_420 = tpu.memref_slice %arg4[%dma_wait3A_418, %dma_wait3A_419] : memref<16384x2048xf32, #tpu.memory_space<hbm>> -> memref<8x2048xf32, #tpu.memory_space<hbm>>
      tpu.wait_dma2 semaphore(%arg15 : memref<!tpu.dma_semaphore, #tpu.memory_space<semaphore_mem>>) src(%dma_wait3A_420 : memref<8x2048xf32, #tpu.memory_space<hbm>>) dst(%arg9 : memref<8x2048xf32, #tpu.memory_space<vmem>>)
      %mul3A_421 = arith.constant 8 : i32
      %mul3A_422 = arith.muli %sub3A_415, %mul3A_421 : i32
      %dma_start3A = tpu.memref_slice %arg8[%mul3A_422] : memref<528xi32, #tpu.memory_space<vmem>> -> memref<8xi32, #tpu.memory_space<vmem>>
      %dma_start3A_423 = arith.constant 0 : i32
      %dma_start3A_424 = arith.constant 0 : i32
      %dma_start3A_425 = tpu.memref_slice %arg5[%dma_start3A_423, %dma_start3A_424] : memref<16384x2048xf32, #tpu.memory_space<hbm>> -> memref<16384x2048xf32, #tpu.memory_space<hbm>>
      tpu.enqueue_indirect_dma source(%arg9 : memref<8x2048xf32, #tpu.memory_space<vmem>>) target(%dma_start3A_425 : memref<16384x2048xf32, #tpu.memory_space<hbm>>) offsets(%dma_start3A : memref<8xi32, #tpu.memory_space<vmem>>) semaphore(%arg21 : memref<!tpu.dma_semaphore, #tpu.memory_space<semaphore_mem>>)
    } else {
    }
    %ge3A_110 = arith.constant 2 : i32
    %ge3A_111 = arith.cmpi sge, %add3A_53, %ge3A_110 : i32
    %sub3A_112 = arith.constant 1 : i32
    %sub3A_113 = arith.subi %sub3A_88, %sub3A_112 : i32
    %jit3A_114 = arith.constant 6 : i32
    %eq3A_115 = arith.constant 0 : i32
    %eq3A_116 = arith.cmpi eq, %jit3A_114, %eq3A_115 : i32
    %jit3A_117 = arith.constant 1 : i32
    %select_n3A_118 = arith.select %eq3A_116, %jit3A_117, %jit3A_114 : i32
    %rem3A_119 = arith.remsi %sub3A_113, %select_n3A_118 : i32
    %ne3A_120 = arith.constant 0 : i32
    %ne3A_121 = arith.cmpi ne, %rem3A_119, %ne3A_120 : i32
    %lt3A_122 = arith.constant 0 : i32
    %lt3A_123 = arith.cmpi slt, %rem3A_119, %lt3A_122 : i32
    %lt3A_124 = arith.constant 0 : i32
    %lt3A_125 = arith.cmpi slt, %select_n3A_118, %lt3A_124 : i32
    %ne3A_126 = arith.xori %lt3A_123, %lt3A_125 : i1
    %and3A_127 = arith.andi %ne3A_126, %ne3A_121 : i1
    %add3A_128 = arith.addi %rem3A_119, %select_n3A_118 : i32
    %select_n3A_129 = arith.select %and3A_127, %add3A_128, %rem3A_119 : i32
    %eq3A_130 = arith.constant 1 : i32
    %eq3A_131 = arith.cmpi eq, %select_n3A_129, %eq3A_130 : i32
    %and3A_132 = arith.andi %ge3A_111, %eq3A_131 : i1
    %convert_element_type3A_133 = arith.extui %and3A_132 : i1 to i32
    %cond3A_134 = arith.constant 0 : i32
    %cond3A_135 = arith.cmpi ne, %convert_element_type3A_133, %cond3A_134 : i32
    scf.if %cond3A_135 {
      %sub3A_414 = arith.constant 1 : i32
      %sub3A_415 = arith.subi %sub3A_88, %sub3A_414 : i32
      %dma_wait3A = arith.constant 0 : i32
      %dma_wait3A_416 = arith.constant 0 : i32
      %dma_wait3A_417 = tpu.memref_slice %arg4[%dma_wait3A, %dma_wait3A_416] : memref<16384x2048xf32, #tpu.memory_space<hbm>> -> memref<8x2048xf32, #tpu.memory_space<hbm>>
      %dma_wait3A_418 = arith.constant 0 : i32
      %dma_wait3A_419 = arith.constant 0 : i32
      %dma_wait3A_420 = tpu.memref_slice %arg4[%dma_wait3A_418, %dma_wait3A_419] : memref<16384x2048xf32, #tpu.memory_space<hbm>> -> memref<8x2048xf32, #tpu.memory_space<hbm>>
      tpu.wait_dma2 semaphore(%arg16 : memref<!tpu.dma_semaphore, #tpu.memory_space<semaphore_mem>>) src(%dma_wait3A_420 : memref<8x2048xf32, #tpu.memory_space<hbm>>) dst(%arg10 : memref<8x2048xf32, #tpu.memory_space<vmem>>)
      %mul3A_421 = arith.constant 8 : i32
      %mul3A_422 = arith.muli %sub3A_415, %mul3A_421 : i32
      %dma_start3A = tpu.memref_slice %arg8[%mul3A_422] : memref<528xi32, #tpu.memory_space<vmem>> -> memref<8xi32, #tpu.memory_space<vmem>>
      %dma_start3A_423 = arith.constant 0 : i32
      %dma_start3A_424 = arith.constant 0 : i32
      %dma_start3A_425 = tpu.memref_slice %arg5[%dma_start3A_423, %dma_start3A_424] : memref<16384x2048xf32, #tpu.memory_space<hbm>> -> memref<16384x2048xf32, #tpu.memory_space<hbm>>
      tpu.enqueue_indirect_dma source(%arg10 : memref<8x2048xf32, #tpu.memory_space<vmem>>) target(%dma_start3A_425 : memref<16384x2048xf32, #tpu.memory_space<hbm>>) offsets(%dma_start3A : memref<8xi32, #tpu.memory_space<vmem>>) semaphore(%arg22 : memref<!tpu.dma_semaphore, #tpu.memory_space<semaphore_mem>>)
    } else {
    }
    %ge3A_136 = arith.constant 2 : i32
    %ge3A_137 = arith.cmpi sge, %add3A_53, %ge3A_136 : i32
    %sub3A_138 = arith.constant 1 : i32
    %sub3A_139 = arith.subi %sub3A_88, %sub3A_138 : i32
    %jit3A_140 = arith.constant 6 : i32
    %eq3A_141 = arith.constant 0 : i32
    %eq3A_142 = arith.cmpi eq, %jit3A_140, %eq3A_141 : i32
    %jit3A_143 = arith.constant 1 : i32
    %select_n3A_144 = arith.select %eq3A_142, %jit3A_143, %jit3A_140 : i32
    %rem3A_145 = arith.remsi %sub3A_139, %select_n3A_144 : i32
    %ne3A_146 = arith.constant 0 : i32
    %ne3A_147 = arith.cmpi ne, %rem3A_145, %ne3A_146 : i32
    %lt3A_148 = arith.constant 0 : i32
    %lt3A_149 = arith.cmpi slt, %rem3A_145, %lt3A_148 : i32
    %lt3A_150 = arith.constant 0 : i32
    %lt3A_151 = arith.cmpi slt, %select_n3A_144, %lt3A_150 : i32
    %ne3A_152 = arith.xori %lt3A_149, %lt3A_151 : i1
    %and3A_153 = arith.andi %ne3A_152, %ne3A_147 : i1
    %add3A_154 = arith.addi %rem3A_145, %select_n3A_144 : i32
    %select_n3A_155 = arith.select %and3A_153, %add3A_154, %rem3A_145 : i32
    %eq3A_156 = arith.constant 2 : i32
    %eq3A_157 = arith.cmpi eq, %select_n3A_155, %eq3A_156 : i32
    %and3A_158 = arith.andi %ge3A_137, %eq3A_157 : i1
    %convert_element_type3A_159 = arith.extui %and3A_158 : i1 to i32
    %cond3A_160 = arith.constant 0 : i32
    %cond3A_161 = arith.cmpi ne, %convert_element_type3A_159, %cond3A_160 : i32
    scf.if %cond3A_161 {
      %sub3A_414 = arith.constant 1 : i32
      %sub3A_415 = arith.subi %sub3A_88, %sub3A_414 : i32
      %dma_wait3A = arith.constant 0 : i32
      %dma_wait3A_416 = arith.constant 0 : i32
      %dma_wait3A_417 = tpu.memref_slice %arg4[%dma_wait3A, %dma_wait3A_416] : memref<16384x2048xf32, #tpu.memory_space<hbm>> -> memref<8x2048xf32, #tpu.memory_space<hbm>>
      %dma_wait3A_418 = arith.constant 0 : i32
      %dma_wait3A_419 = arith.constant 0 : i32
      %dma_wait3A_420 = tpu.memref_slice %arg4[%dma_wait3A_418, %dma_wait3A_419] : memref<16384x2048xf32, #tpu.memory_space<hbm>> -> memref<8x2048xf32, #tpu.memory_space<hbm>>
      tpu.wait_dma2 semaphore(%arg17 : memref<!tpu.dma_semaphore, #tpu.memory_space<semaphore_mem>>) src(%dma_wait3A_420 : memref<8x2048xf32, #tpu.memory_space<hbm>>) dst(%arg11 : memref<8x2048xf32, #tpu.memory_space<vmem>>)
      %mul3A_421 = arith.constant 8 : i32
      %mul3A_422 = arith.muli %sub3A_415, %mul3A_421 : i32
      %dma_start3A = tpu.memref_slice %arg8[%mul3A_422] : memref<528xi32, #tpu.memory_space<vmem>> -> memref<8xi32, #tpu.memory_space<vmem>>
      %dma_start3A_423 = arith.constant 0 : i32
      %dma_start3A_424 = arith.constant 0 : i32
      %dma_start3A_425 = tpu.memref_slice %arg5[%dma_start3A_423, %dma_start3A_424] : memref<16384x2048xf32, #tpu.memory_space<hbm>> -> memref<16384x2048xf32, #tpu.memory_space<hbm>>
      tpu.enqueue_indirect_dma source(%arg11 : memref<8x2048xf32, #tpu.memory_space<vmem>>) target(%dma_start3A_425 : memref<16384x2048xf32, #tpu.memory_space<hbm>>) offsets(%dma_start3A : memref<8xi32, #tpu.memory_space<vmem>>) semaphore(%arg23 : memref<!tpu.dma_semaphore, #tpu.memory_space<semaphore_mem>>)
    } else {
    }
    %ge3A_162 = arith.constant 2 : i32
    %ge3A_163 = arith.cmpi sge, %add3A_53, %ge3A_162 : i32
    %sub3A_164 = arith.constant 1 : i32
    %sub3A_165 = arith.subi %sub3A_88, %sub3A_164 : i32
    %jit3A_166 = arith.constant 6 : i32
    %eq3A_167 = arith.constant 0 : i32
    %eq3A_168 = arith.cmpi eq, %jit3A_166, %eq3A_167 : i32
    %jit3A_169 = arith.constant 1 : i32
    %select_n3A_170 = arith.select %eq3A_168, %jit3A_169, %jit3A_166 : i32
    %rem3A_171 = arith.remsi %sub3A_165, %select_n3A_170 : i32
    %ne3A_172 = arith.constant 0 : i32
    %ne3A_173 = arith.cmpi ne, %rem3A_171, %ne3A_172 : i32
    %lt3A_174 = arith.constant 0 : i32
    %lt3A_175 = arith.cmpi slt, %rem3A_171, %lt3A_174 : i32
    %lt3A_176 = arith.constant 0 : i32
    %lt3A_177 = arith.cmpi slt, %select_n3A_170, %lt3A_176 : i32
    %ne3A_178 = arith.xori %lt3A_175, %lt3A_177 : i1
    %and3A_179 = arith.andi %ne3A_178, %ne3A_173 : i1
    %add3A_180 = arith.addi %rem3A_171, %select_n3A_170 : i32
    %select_n3A_181 = arith.select %and3A_179, %add3A_180, %rem3A_171 : i32
    %eq3A_182 = arith.constant 3 : i32
    %eq3A_183 = arith.cmpi eq, %select_n3A_181, %eq3A_182 : i32
    %and3A_184 = arith.andi %ge3A_163, %eq3A_183 : i1
    %convert_element_type3A_185 = arith.extui %and3A_184 : i1 to i32
    %cond3A_186 = arith.constant 0 : i32
    %cond3A_187 = arith.cmpi ne, %convert_element_type3A_185, %cond3A_186 : i32
    scf.if %cond3A_187 {
      %sub3A_414 = arith.constant 1 : i32
      %sub3A_415 = arith.subi %sub3A_88, %sub3A_414 : i32
      %dma_wait3A = arith.constant 0 : i32
      %dma_wait3A_416 = arith.constant 0 : i32
      %dma_wait3A_417 = tpu.memref_slice %arg4[%dma_wait3A, %dma_wait3A_416] : memref<16384x2048xf32, #tpu.memory_space<hbm>> -> memref<8x2048xf32, #tpu.memory_space<hbm>>
      %dma_wait3A_418 = arith.constant 0 : i32
      %dma_wait3A_419 = arith.constant 0 : i32
      %dma_wait3A_420 = tpu.memref_slice %arg4[%dma_wait3A_418, %dma_wait3A_419] : memref<16384x2048xf32, #tpu.memory_space<hbm>> -> memref<8x2048xf32, #tpu.memory_space<hbm>>
      tpu.wait_dma2 semaphore(%arg18 : memref<!tpu.dma_semaphore, #tpu.memory_space<semaphore_mem>>) src(%dma_wait3A_420 : memref<8x2048xf32, #tpu.memory_space<hbm>>) dst(%arg12 : memref<8x2048xf32, #tpu.memory_space<vmem>>)
      %mul3A_421 = arith.constant 8 : i32
      %mul3A_422 = arith.muli %sub3A_415, %mul3A_421 : i32
      %dma_start3A = tpu.memref_slice %arg8[%mul3A_422] : memref<528xi32, #tpu.memory_space<vmem>> -> memref<8xi32, #tpu.memory_space<vmem>>
      %dma_start3A_423 = arith.constant 0 : i32
      %dma_start3A_424 = arith.constant 0 : i32
      %dma_start3A_425 = tpu.memref_slice %arg5[%dma_start3A_423, %dma_start3A_424] : memref<16384x2048xf32, #tpu.memory_space<hbm>> -> memref<16384x2048xf32, #tpu.memory_space<hbm>>
      tpu.enqueue_indirect_dma source(%arg12 : memref<8x2048xf32, #tpu.memory_space<vmem>>) target(%dma_start3A_425 : memref<16384x2048xf32, #tpu.memory_space<hbm>>) offsets(%dma_start3A : memref<8xi32, #tpu.memory_space<vmem>>) semaphore(%arg24 : memref<!tpu.dma_semaphore, #tpu.memory_space<semaphore_mem>>)
    } else {
    }
    %ge3A_188 = arith.constant 2 : i32
    %ge3A_189 = arith.cmpi sge, %add3A_53, %ge3A_188 : i32
    %sub3A_190 = arith.constant 1 : i32
    %sub3A_191 = arith.subi %sub3A_88, %sub3A_190 : i32
    %jit3A_192 = arith.constant 6 : i32
    %eq3A_193 = arith.constant 0 : i32
    %eq3A_194 = arith.cmpi eq, %jit3A_192, %eq3A_193 : i32
    %jit3A_195 = arith.constant 1 : i32
    %select_n3A_196 = arith.select %eq3A_194, %jit3A_195, %jit3A_192 : i32
    %rem3A_197 = arith.remsi %sub3A_191, %select_n3A_196 : i32
    %ne3A_198 = arith.constant 0 : i32
    %ne3A_199 = arith.cmpi ne, %rem3A_197, %ne3A_198 : i32
    %lt3A_200 = arith.constant 0 : i32
    %lt3A_201 = arith.cmpi slt, %rem3A_197, %lt3A_200 : i32
    %lt3A_202 = arith.constant 0 : i32
    %lt3A_203 = arith.cmpi slt, %select_n3A_196, %lt3A_202 : i32
    %ne3A_204 = arith.xori %lt3A_201, %lt3A_203 : i1
    %and3A_205 = arith.andi %ne3A_204, %ne3A_199 : i1
    %add3A_206 = arith.addi %rem3A_197, %select_n3A_196 : i32
    %select_n3A_207 = arith.select %and3A_205, %add3A_206, %rem3A_197 : i32
    %eq3A_208 = arith.constant 4 : i32
    %eq3A_209 = arith.cmpi eq, %select_n3A_207, %eq3A_208 : i32
    %and3A_210 = arith.andi %ge3A_189, %eq3A_209 : i1
    %convert_element_type3A_211 = arith.extui %and3A_210 : i1 to i32
    %cond3A_212 = arith.constant 0 : i32
    %cond3A_213 = arith.cmpi ne, %convert_element_type3A_211, %cond3A_212 : i32
    scf.if %cond3A_213 {
      %sub3A_414 = arith.constant 1 : i32
      %sub3A_415 = arith.subi %sub3A_88, %sub3A_414 : i32
      %dma_wait3A = arith.constant 0 : i32
      %dma_wait3A_416 = arith.constant 0 : i32
      %dma_wait3A_417 = tpu.memref_slice %arg4[%dma_wait3A, %dma_wait3A_416] : memref<16384x2048xf32, #tpu.memory_space<hbm>> -> memref<8x2048xf32, #tpu.memory_space<hbm>>
      %dma_wait3A_418 = arith.constant 0 : i32
      %dma_wait3A_419 = arith.constant 0 : i32
      %dma_wait3A_420 = tpu.memref_slice %arg4[%dma_wait3A_418, %dma_wait3A_419] : memref<16384x2048xf32, #tpu.memory_space<hbm>> -> memref<8x2048xf32, #tpu.memory_space<hbm>>
      tpu.wait_dma2 semaphore(%arg19 : memref<!tpu.dma_semaphore, #tpu.memory_space<semaphore_mem>>) src(%dma_wait3A_420 : memref<8x2048xf32, #tpu.memory_space<hbm>>) dst(%arg13 : memref<8x2048xf32, #tpu.memory_space<vmem>>)
      %mul3A_421 = arith.constant 8 : i32
      %mul3A_422 = arith.muli %sub3A_415, %mul3A_421 : i32
      %dma_start3A = tpu.memref_slice %arg8[%mul3A_422] : memref<528xi32, #tpu.memory_space<vmem>> -> memref<8xi32, #tpu.memory_space<vmem>>
      %dma_start3A_423 = arith.constant 0 : i32
      %dma_start3A_424 = arith.constant 0 : i32
      %dma_start3A_425 = tpu.memref_slice %arg5[%dma_start3A_423, %dma_start3A_424] : memref<16384x2048xf32, #tpu.memory_space<hbm>> -> memref<16384x2048xf32, #tpu.memory_space<hbm>>
      tpu.enqueue_indirect_dma source(%arg13 : memref<8x2048xf32, #tpu.memory_space<vmem>>) target(%dma_start3A_425 : memref<16384x2048xf32, #tpu.memory_space<hbm>>) offsets(%dma_start3A : memref<8xi32, #tpu.memory_space<vmem>>) semaphore(%arg25 : memref<!tpu.dma_semaphore, #tpu.memory_space<semaphore_mem>>)
    } else {
    }
    %ge3A_214 = arith.constant 2 : i32
    %ge3A_215 = arith.cmpi sge, %add3A_53, %ge3A_214 : i32
    %sub3A_216 = arith.constant 1 : i32
    %sub3A_217 = arith.subi %sub3A_88, %sub3A_216 : i32
    %jit3A_218 = arith.constant 6 : i32
    %eq3A_219 = arith.constant 0 : i32
    %eq3A_220 = arith.cmpi eq, %jit3A_218, %eq3A_219 : i32
    %jit3A_221 = arith.constant 1 : i32
    %select_n3A_222 = arith.select %eq3A_220, %jit3A_221, %jit3A_218 : i32
    %rem3A_223 = arith.remsi %sub3A_217, %select_n3A_222 : i32
    %ne3A_224 = arith.constant 0 : i32
    %ne3A_225 = arith.cmpi ne, %rem3A_223, %ne3A_224 : i32
    %lt3A_226 = arith.constant 0 : i32
    %lt3A_227 = arith.cmpi slt, %rem3A_223, %lt3A_226 : i32
    %lt3A_228 = arith.constant 0 : i32
    %lt3A_229 = arith.cmpi slt, %select_n3A_222, %lt3A_228 : i32
    %ne3A_230 = arith.xori %lt3A_227, %lt3A_229 : i1
    %and3A_231 = arith.andi %ne3A_230, %ne3A_225 : i1
    %add3A_232 = arith.addi %rem3A_223, %select_n3A_222 : i32
    %select_n3A_233 = arith.select %and3A_231, %add3A_232, %rem3A_223 : i32
    %eq3A_234 = arith.constant 5 : i32
    %eq3A_235 = arith.cmpi eq, %select_n3A_233, %eq3A_234 : i32
    %and3A_236 = arith.andi %ge3A_215, %eq3A_235 : i1
    %convert_element_type3A_237 = arith.extui %and3A_236 : i1 to i32
    %cond3A_238 = arith.constant 0 : i32
    %cond3A_239 = arith.cmpi ne, %convert_element_type3A_237, %cond3A_238 : i32
    scf.if %cond3A_239 {
      %sub3A_414 = arith.constant 1 : i32
      %sub3A_415 = arith.subi %sub3A_88, %sub3A_414 : i32
      %dma_wait3A = arith.constant 0 : i32
      %dma_wait3A_416 = arith.constant 0 : i32
      %dma_wait3A_417 = tpu.memref_slice %arg4[%dma_wait3A, %dma_wait3A_416] : memref<16384x2048xf32, #tpu.memory_space<hbm>> -> memref<8x2048xf32, #tpu.memory_space<hbm>>
      %dma_wait3A_418 = arith.constant 0 : i32
      %dma_wait3A_419 = arith.constant 0 : i32
      %dma_wait3A_420 = tpu.memref_slice %arg4[%dma_wait3A_418, %dma_wait3A_419] : memref<16384x2048xf32, #tpu.memory_space<hbm>> -> memref<8x2048xf32, #tpu.memory_space<hbm>>
      tpu.wait_dma2 semaphore(%arg20 : memref<!tpu.dma_semaphore, #tpu.memory_space<semaphore_mem>>) src(%dma_wait3A_420 : memref<8x2048xf32, #tpu.memory_space<hbm>>) dst(%arg14 : memref<8x2048xf32, #tpu.memory_space<vmem>>)
      %mul3A_421 = arith.constant 8 : i32
      %mul3A_422 = arith.muli %sub3A_415, %mul3A_421 : i32
      %dma_start3A = tpu.memref_slice %arg8[%mul3A_422] : memref<528xi32, #tpu.memory_space<vmem>> -> memref<8xi32, #tpu.memory_space<vmem>>
      %dma_start3A_423 = arith.constant 0 : i32
      %dma_start3A_424 = arith.constant 0 : i32
      %dma_start3A_425 = tpu.memref_slice %arg5[%dma_start3A_423, %dma_start3A_424] : memref<16384x2048xf32, #tpu.memory_space<hbm>> -> memref<16384x2048xf32, #tpu.memory_space<hbm>>
      tpu.enqueue_indirect_dma source(%arg14 : memref<8x2048xf32, #tpu.memory_space<vmem>>) target(%dma_start3A_425 : memref<16384x2048xf32, #tpu.memory_space<hbm>>) offsets(%dma_start3A : memref<8xi32, #tpu.memory_space<vmem>>) semaphore(%arg26 : memref<!tpu.dma_semaphore, #tpu.memory_space<semaphore_mem>>)
    } else {
    }
    %ge3A_240 = arith.constant 1 : i32
    %ge3A_241 = arith.cmpi sge, %add3A_53, %ge3A_240 : i32
    %jit3A_242 = arith.constant 6 : i32
    %eq3A_243 = arith.constant 0 : i32
    %eq3A_244 = arith.cmpi eq, %jit3A_242, %eq3A_243 : i32
    %jit3A_245 = arith.constant 1 : i32
    %select_n3A_246 = arith.select %eq3A_244, %jit3A_245, %jit3A_242 : i32
    %rem3A_247 = arith.remsi %sub3A_88, %select_n3A_246 : i32
    %ne3A_248 = arith.constant 0 : i32
    %ne3A_249 = arith.cmpi ne, %rem3A_247, %ne3A_248 : i32
    %lt3A_250 = arith.constant 0 : i32
    %lt3A_251 = arith.cmpi slt, %rem3A_247, %lt3A_250 : i32
    %lt3A_252 = arith.constant 0 : i32
    %lt3A_253 = arith.cmpi slt, %select_n3A_246, %lt3A_252 : i32
    %ne3A_254 = arith.xori %lt3A_251, %lt3A_253 : i1
    %and3A_255 = arith.andi %ne3A_254, %ne3A_249 : i1
    %add3A_256 = arith.addi %rem3A_247, %select_n3A_246 : i32
    %select_n3A_257 = arith.select %and3A_255, %add3A_256, %rem3A_247 : i32
    %eq3A_258 = arith.constant 0 : i32
    %eq3A_259 = arith.cmpi eq, %select_n3A_257, %eq3A_258 : i32
    %and3A_260 = arith.andi %ge3A_241, %eq3A_259 : i1
    %convert_element_type3A_261 = arith.extui %and3A_260 : i1 to i32
    %cond3A_262 = arith.constant 0 : i32
    %cond3A_263 = arith.cmpi ne, %convert_element_type3A_261, %cond3A_262 : i32
    scf.if %cond3A_263 {
      %dma_wait3A = arith.constant 0 : i32
      %dma_wait3A_414 = arith.constant 0 : i32
      %dma_wait3A_415 = tpu.memref_slice %arg4[%dma_wait3A, %dma_wait3A_414] : memref<16384x2048xf32, #tpu.memory_space<hbm>> -> memref<8x2048xf32, #tpu.memory_space<hbm>>
      %dma_wait3A_416 = arith.constant 0 : i32
      %dma_wait3A_417 = arith.constant 0 : i32
      %dma_wait3A_418 = tpu.memref_slice %arg4[%dma_wait3A_416, %dma_wait3A_417] : memref<16384x2048xf32, #tpu.memory_space<hbm>> -> memref<8x2048xf32, #tpu.memory_space<hbm>>
      tpu.wait_dma2 semaphore(%arg15 : memref<!tpu.dma_semaphore, #tpu.memory_space<semaphore_mem>>) src(%dma_wait3A_418 : memref<8x2048xf32, #tpu.memory_space<hbm>>) dst(%arg9 : memref<8x2048xf32, #tpu.memory_space<vmem>>)
      %mul3A_419 = arith.constant 8 : i32
      %mul3A_420 = arith.muli %sub3A_88, %mul3A_419 : i32
      %dma_start3A = tpu.memref_slice %arg8[%mul3A_420] : memref<528xi32, #tpu.memory_space<vmem>> -> memref<8xi32, #tpu.memory_space<vmem>>
      %dma_start3A_421 = arith.constant 0 : i32
      %dma_start3A_422 = arith.constant 0 : i32
      %dma_start3A_423 = tpu.memref_slice %arg5[%dma_start3A_421, %dma_start3A_422] : memref<16384x2048xf32, #tpu.memory_space<hbm>> -> memref<16384x2048xf32, #tpu.memory_space<hbm>>
      tpu.enqueue_indirect_dma source(%arg9 : memref<8x2048xf32, #tpu.memory_space<vmem>>) target(%dma_start3A_423 : memref<16384x2048xf32, #tpu.memory_space<hbm>>) offsets(%dma_start3A : memref<8xi32, #tpu.memory_space<vmem>>) semaphore(%arg21 : memref<!tpu.dma_semaphore, #tpu.memory_space<semaphore_mem>>)
    } else {
    }
    %ge3A_264 = arith.constant 1 : i32
    %ge3A_265 = arith.cmpi sge, %add3A_53, %ge3A_264 : i32
    %jit3A_266 = arith.constant 6 : i32
    %eq3A_267 = arith.constant 0 : i32
    %eq3A_268 = arith.cmpi eq, %jit3A_266, %eq3A_267 : i32
    %jit3A_269 = arith.constant 1 : i32
    %select_n3A_270 = arith.select %eq3A_268, %jit3A_269, %jit3A_266 : i32
    %rem3A_271 = arith.remsi %sub3A_88, %select_n3A_270 : i32
    %ne3A_272 = arith.constant 0 : i32
    %ne3A_273 = arith.cmpi ne, %rem3A_271, %ne3A_272 : i32
    %lt3A_274 = arith.constant 0 : i32
    %lt3A_275 = arith.cmpi slt, %rem3A_271, %lt3A_274 : i32
    %lt3A_276 = arith.constant 0 : i32
    %lt3A_277 = arith.cmpi slt, %select_n3A_270, %lt3A_276 : i32
    %ne3A_278 = arith.xori %lt3A_275, %lt3A_277 : i1
    %and3A_279 = arith.andi %ne3A_278, %ne3A_273 : i1
    %add3A_280 = arith.addi %rem3A_271, %select_n3A_270 : i32
    %select_n3A_281 = arith.select %and3A_279, %add3A_280, %rem3A_271 : i32
    %eq3A_282 = arith.constant 1 : i32
    %eq3A_283 = arith.cmpi eq, %select_n3A_281, %eq3A_282 : i32
    %and3A_284 = arith.andi %ge3A_265, %eq3A_283 : i1
    %convert_element_type3A_285 = arith.extui %and3A_284 : i1 to i32
    %cond3A_286 = arith.constant 0 : i32
    %cond3A_287 = arith.cmpi ne, %convert_element_type3A_285, %cond3A_286 : i32
    scf.if %cond3A_287 {
      %dma_wait3A = arith.constant 0 : i32
      %dma_wait3A_414 = arith.constant 0 : i32
      %dma_wait3A_415 = tpu.memref_slice %arg4[%dma_wait3A, %dma_wait3A_414] : memref<16384x2048xf32, #tpu.memory_space<hbm>> -> memref<8x2048xf32, #tpu.memory_space<hbm>>
      %dma_wait3A_416 = arith.constant 0 : i32
      %dma_wait3A_417 = arith.constant 0 : i32
      %dma_wait3A_418 = tpu.memref_slice %arg4[%dma_wait3A_416, %dma_wait3A_417] : memref<16384x2048xf32, #tpu.memory_space<hbm>> -> memref<8x2048xf32, #tpu.memory_space<hbm>>
      tpu.wait_dma2 semaphore(%arg16 : memref<!tpu.dma_semaphore, #tpu.memory_space<semaphore_mem>>) src(%dma_wait3A_418 : memref<8x2048xf32, #tpu.memory_space<hbm>>) dst(%arg10 : memref<8x2048xf32, #tpu.memory_space<vmem>>)
      %mul3A_419 = arith.constant 8 : i32
      %mul3A_420 = arith.muli %sub3A_88, %mul3A_419 : i32
      %dma_start3A = tpu.memref_slice %arg8[%mul3A_420] : memref<528xi32, #tpu.memory_space<vmem>> -> memref<8xi32, #tpu.memory_space<vmem>>
      %dma_start3A_421 = arith.constant 0 : i32
      %dma_start3A_422 = arith.constant 0 : i32
      %dma_start3A_423 = tpu.memref_slice %arg5[%dma_start3A_421, %dma_start3A_422] : memref<16384x2048xf32, #tpu.memory_space<hbm>> -> memref<16384x2048xf32, #tpu.memory_space<hbm>>
      tpu.enqueue_indirect_dma source(%arg10 : memref<8x2048xf32, #tpu.memory_space<vmem>>) target(%dma_start3A_423 : memref<16384x2048xf32, #tpu.memory_space<hbm>>) offsets(%dma_start3A : memref<8xi32, #tpu.memory_space<vmem>>) semaphore(%arg22 : memref<!tpu.dma_semaphore, #tpu.memory_space<semaphore_mem>>)
    } else {
    }
    %ge3A_288 = arith.constant 1 : i32
    %ge3A_289 = arith.cmpi sge, %add3A_53, %ge3A_288 : i32
    %jit3A_290 = arith.constant 6 : i32
    %eq3A_291 = arith.constant 0 : i32
    %eq3A_292 = arith.cmpi eq, %jit3A_290, %eq3A_291 : i32
    %jit3A_293 = arith.constant 1 : i32
    %select_n3A_294 = arith.select %eq3A_292, %jit3A_293, %jit3A_290 : i32
    %rem3A_295 = arith.remsi %sub3A_88, %select_n3A_294 : i32
    %ne3A_296 = arith.constant 0 : i32
    %ne3A_297 = arith.cmpi ne, %rem3A_295, %ne3A_296 : i32
    %lt3A_298 = arith.constant 0 : i32
    %lt3A_299 = arith.cmpi slt, %rem3A_295, %lt3A_298 : i32
    %lt3A_300 = arith.constant 0 : i32
    %lt3A_301 = arith.cmpi slt, %select_n3A_294, %lt3A_300 : i32
    %ne3A_302 = arith.xori %lt3A_299, %lt3A_301 : i1
    %and3A_303 = arith.andi %ne3A_302, %ne3A_297 : i1
    %add3A_304 = arith.addi %rem3A_295, %select_n3A_294 : i32
    %select_n3A_305 = arith.select %and3A_303, %add3A_304, %rem3A_295 : i32
    %eq3A_306 = arith.constant 2 : i32
    %eq3A_307 = arith.cmpi eq, %select_n3A_305, %eq3A_306 : i32
    %and3A_308 = arith.andi %ge3A_289, %eq3A_307 : i1
    %convert_element_type3A_309 = arith.extui %and3A_308 : i1 to i32
    %cond3A_310 = arith.constant 0 : i32
    %cond3A_311 = arith.cmpi ne, %convert_element_type3A_309, %cond3A_310 : i32
    scf.if %cond3A_311 {
      %dma_wait3A = arith.constant 0 : i32
      %dma_wait3A_414 = arith.constant 0 : i32
      %dma_wait3A_415 = tpu.memref_slice %arg4[%dma_wait3A, %dma_wait3A_414] : memref<16384x2048xf32, #tpu.memory_space<hbm>> -> memref<8x2048xf32, #tpu.memory_space<hbm>>
      %dma_wait3A_416 = arith.constant 0 : i32
      %dma_wait3A_417 = arith.constant 0 : i32
      %dma_wait3A_418 = tpu.memref_slice %arg4[%dma_wait3A_416, %dma_wait3A_417] : memref<16384x2048xf32, #tpu.memory_space<hbm>> -> memref<8x2048xf32, #tpu.memory_space<hbm>>
      tpu.wait_dma2 semaphore(%arg17 : memref<!tpu.dma_semaphore, #tpu.memory_space<semaphore_mem>>) src(%dma_wait3A_418 : memref<8x2048xf32, #tpu.memory_space<hbm>>) dst(%arg11 : memref<8x2048xf32, #tpu.memory_space<vmem>>)
      %mul3A_419 = arith.constant 8 : i32
      %mul3A_420 = arith.muli %sub3A_88, %mul3A_419 : i32
      %dma_start3A = tpu.memref_slice %arg8[%mul3A_420] : memref<528xi32, #tpu.memory_space<vmem>> -> memref<8xi32, #tpu.memory_space<vmem>>
      %dma_start3A_421 = arith.constant 0 : i32
      %dma_start3A_422 = arith.constant 0 : i32
      %dma_start3A_423 = tpu.memref_slice %arg5[%dma_start3A_421, %dma_start3A_422] : memref<16384x2048xf32, #tpu.memory_space<hbm>> -> memref<16384x2048xf32, #tpu.memory_space<hbm>>
      tpu.enqueue_indirect_dma source(%arg11 : memref<8x2048xf32, #tpu.memory_space<vmem>>) target(%dma_start3A_423 : memref<16384x2048xf32, #tpu.memory_space<hbm>>) offsets(%dma_start3A : memref<8xi32, #tpu.memory_space<vmem>>) semaphore(%arg23 : memref<!tpu.dma_semaphore, #tpu.memory_space<semaphore_mem>>)
    } else {
    }
    %ge3A_312 = arith.constant 1 : i32
    %ge3A_313 = arith.cmpi sge, %add3A_53, %ge3A_312 : i32
    %jit3A_314 = arith.constant 6 : i32
    %eq3A_315 = arith.constant 0 : i32
    %eq3A_316 = arith.cmpi eq, %jit3A_314, %eq3A_315 : i32
    %jit3A_317 = arith.constant 1 : i32
    %select_n3A_318 = arith.select %eq3A_316, %jit3A_317, %jit3A_314 : i32
    %rem3A_319 = arith.remsi %sub3A_88, %select_n3A_318 : i32
    %ne3A_320 = arith.constant 0 : i32
    %ne3A_321 = arith.cmpi ne, %rem3A_319, %ne3A_320 : i32
    %lt3A_322 = arith.constant 0 : i32
    %lt3A_323 = arith.cmpi slt, %rem3A_319, %lt3A_322 : i32
    %lt3A_324 = arith.constant 0 : i32
    %lt3A_325 = arith.cmpi slt, %select_n3A_318, %lt3A_324 : i32
    %ne3A_326 = arith.xori %lt3A_323, %lt3A_325 : i1
    %and3A_327 = arith.andi %ne3A_326, %ne3A_321 : i1
    %add3A_328 = arith.addi %rem3A_319, %select_n3A_318 : i32
    %select_n3A_329 = arith.select %and3A_327, %add3A_328, %rem3A_319 : i32
    %eq3A_330 = arith.constant 3 : i32
    %eq3A_331 = arith.cmpi eq, %select_n3A_329, %eq3A_330 : i32
    %and3A_332 = arith.andi %ge3A_313, %eq3A_331 : i1
    %convert_element_type3A_333 = arith.extui %and3A_332 : i1 to i32
    %cond3A_334 = arith.constant 0 : i32
    %cond3A_335 = arith.cmpi ne, %convert_element_type3A_333, %cond3A_334 : i32
    scf.if %cond3A_335 {
      %dma_wait3A = arith.constant 0 : i32
      %dma_wait3A_414 = arith.constant 0 : i32
      %dma_wait3A_415 = tpu.memref_slice %arg4[%dma_wait3A, %dma_wait3A_414] : memref<16384x2048xf32, #tpu.memory_space<hbm>> -> memref<8x2048xf32, #tpu.memory_space<hbm>>
      %dma_wait3A_416 = arith.constant 0 : i32
      %dma_wait3A_417 = arith.constant 0 : i32
      %dma_wait3A_418 = tpu.memref_slice %arg4[%dma_wait3A_416, %dma_wait3A_417] : memref<16384x2048xf32, #tpu.memory_space<hbm>> -> memref<8x2048xf32, #tpu.memory_space<hbm>>
      tpu.wait_dma2 semaphore(%arg18 : memref<!tpu.dma_semaphore, #tpu.memory_space<semaphore_mem>>) src(%dma_wait3A_418 : memref<8x2048xf32, #tpu.memory_space<hbm>>) dst(%arg12 : memref<8x2048xf32, #tpu.memory_space<vmem>>)
      %mul3A_419 = arith.constant 8 : i32
      %mul3A_420 = arith.muli %sub3A_88, %mul3A_419 : i32
      %dma_start3A = tpu.memref_slice %arg8[%mul3A_420] : memref<528xi32, #tpu.memory_space<vmem>> -> memref<8xi32, #tpu.memory_space<vmem>>
      %dma_start3A_421 = arith.constant 0 : i32
      %dma_start3A_422 = arith.constant 0 : i32
      %dma_start3A_423 = tpu.memref_slice %arg5[%dma_start3A_421, %dma_start3A_422] : memref<16384x2048xf32, #tpu.memory_space<hbm>> -> memref<16384x2048xf32, #tpu.memory_space<hbm>>
      tpu.enqueue_indirect_dma source(%arg12 : memref<8x2048xf32, #tpu.memory_space<vmem>>) target(%dma_start3A_423 : memref<16384x2048xf32, #tpu.memory_space<hbm>>) offsets(%dma_start3A : memref<8xi32, #tpu.memory_space<vmem>>) semaphore(%arg24 : memref<!tpu.dma_semaphore, #tpu.memory_space<semaphore_mem>>)
    } else {
    }
    %ge3A_336 = arith.constant 1 : i32
    %ge3A_337 = arith.cmpi sge, %add3A_53, %ge3A_336 : i32
    %jit3A_338 = arith.constant 6 : i32
    %eq3A_339 = arith.constant 0 : i32
    %eq3A_340 = arith.cmpi eq, %jit3A_338, %eq3A_339 : i32
    %jit3A_341 = arith.constant 1 : i32
    %select_n3A_342 = arith.select %eq3A_340, %jit3A_341, %jit3A_338 : i32
    %rem3A_343 = arith.remsi %sub3A_88, %select_n3A_342 : i32
    %ne3A_344 = arith.constant 0 : i32
    %ne3A_345 = arith.cmpi ne, %rem3A_343, %ne3A_344 : i32
    %lt3A_346 = arith.constant 0 : i32
    %lt3A_347 = arith.cmpi slt, %rem3A_343, %lt3A_346 : i32
    %lt3A_348 = arith.constant 0 : i32
    %lt3A_349 = arith.cmpi slt, %select_n3A_342, %lt3A_348 : i32
    %ne3A_350 = arith.xori %lt3A_347, %lt3A_349 : i1
    %and3A_351 = arith.andi %ne3A_350, %ne3A_345 : i1
    %add3A_352 = arith.addi %rem3A_343, %select_n3A_342 : i32
    %select_n3A_353 = arith.select %and3A_351, %add3A_352, %rem3A_343 : i32
    %eq3A_354 = arith.constant 4 : i32
    %eq3A_355 = arith.cmpi eq, %select_n3A_353, %eq3A_354 : i32
    %and3A_356 = arith.andi %ge3A_337, %eq3A_355 : i1
    %convert_element_type3A_357 = arith.extui %and3A_356 : i1 to i32
    %cond3A_358 = arith.constant 0 : i32
    %cond3A_359 = arith.cmpi ne, %convert_element_type3A_357, %cond3A_358 : i32
    scf.if %cond3A_359 {
      %dma_wait3A = arith.constant 0 : i32
      %dma_wait3A_414 = arith.constant 0 : i32
      %dma_wait3A_415 = tpu.memref_slice %arg4[%dma_wait3A, %dma_wait3A_414] : memref<16384x2048xf32, #tpu.memory_space<hbm>> -> memref<8x2048xf32, #tpu.memory_space<hbm>>
      %dma_wait3A_416 = arith.constant 0 : i32
      %dma_wait3A_417 = arith.constant 0 : i32
      %dma_wait3A_418 = tpu.memref_slice %arg4[%dma_wait3A_416, %dma_wait3A_417] : memref<16384x2048xf32, #tpu.memory_space<hbm>> -> memref<8x2048xf32, #tpu.memory_space<hbm>>
      tpu.wait_dma2 semaphore(%arg19 : memref<!tpu.dma_semaphore, #tpu.memory_space<semaphore_mem>>) src(%dma_wait3A_418 : memref<8x2048xf32, #tpu.memory_space<hbm>>) dst(%arg13 : memref<8x2048xf32, #tpu.memory_space<vmem>>)
      %mul3A_419 = arith.constant 8 : i32
      %mul3A_420 = arith.muli %sub3A_88, %mul3A_419 : i32
      %dma_start3A = tpu.memref_slice %arg8[%mul3A_420] : memref<528xi32, #tpu.memory_space<vmem>> -> memref<8xi32, #tpu.memory_space<vmem>>
      %dma_start3A_421 = arith.constant 0 : i32
      %dma_start3A_422 = arith.constant 0 : i32
      %dma_start3A_423 = tpu.memref_slice %arg5[%dma_start3A_421, %dma_start3A_422] : memref<16384x2048xf32, #tpu.memory_space<hbm>> -> memref<16384x2048xf32, #tpu.memory_space<hbm>>
      tpu.enqueue_indirect_dma source(%arg13 : memref<8x2048xf32, #tpu.memory_space<vmem>>) target(%dma_start3A_423 : memref<16384x2048xf32, #tpu.memory_space<hbm>>) offsets(%dma_start3A : memref<8xi32, #tpu.memory_space<vmem>>) semaphore(%arg25 : memref<!tpu.dma_semaphore, #tpu.memory_space<semaphore_mem>>)
    } else {
    }
    %ge3A_360 = arith.constant 1 : i32
    %ge3A_361 = arith.cmpi sge, %add3A_53, %ge3A_360 : i32
    %jit3A_362 = arith.constant 6 : i32
    %eq3A_363 = arith.constant 0 : i32
    %eq3A_364 = arith.cmpi eq, %jit3A_362, %eq3A_363 : i32
    %jit3A_365 = arith.constant 1 : i32
    %select_n3A_366 = arith.select %eq3A_364, %jit3A_365, %jit3A_362 : i32
    %rem3A_367 = arith.remsi %sub3A_88, %select_n3A_366 : i32
    %ne3A_368 = arith.constant 0 : i32
    %ne3A_369 = arith.cmpi ne, %rem3A_367, %ne3A_368 : i32
    %lt3A_370 = arith.constant 0 : i32
    %lt3A_371 = arith.cmpi slt, %rem3A_367, %lt3A_370 : i32
    %lt3A_372 = arith.constant 0 : i32
    %lt3A_373 = arith.cmpi slt, %select_n3A_366, %lt3A_372 : i32
    %ne3A_374 = arith.xori %lt3A_371, %lt3A_373 : i1
    %and3A_375 = arith.andi %ne3A_374, %ne3A_369 : i1
    %add3A_376 = arith.addi %rem3A_367, %select_n3A_366 : i32
    %select_n3A_377 = arith.select %and3A_375, %add3A_376, %rem3A_367 : i32
    %eq3A_378 = arith.constant 5 : i32
    %eq3A_379 = arith.cmpi eq, %select_n3A_377, %eq3A_378 : i32
    %and3A_380 = arith.andi %ge3A_361, %eq3A_379 : i1
    %convert_element_type3A_381 = arith.extui %and3A_380 : i1 to i32
    %cond3A_382 = arith.constant 0 : i32
    %cond3A_383 = arith.cmpi ne, %convert_element_type3A_381, %cond3A_382 : i32
    scf.if %cond3A_383 {
      %dma_wait3A = arith.constant 0 : i32
      %dma_wait3A_414 = arith.constant 0 : i32
      %dma_wait3A_415 = tpu.memref_slice %arg4[%dma_wait3A, %dma_wait3A_414] : memref<16384x2048xf32, #tpu.memory_space<hbm>> -> memref<8x2048xf32, #tpu.memory_space<hbm>>
      %dma_wait3A_416 = arith.constant 0 : i32
      %dma_wait3A_417 = arith.constant 0 : i32
      %dma_wait3A_418 = tpu.memref_slice %arg4[%dma_wait3A_416, %dma_wait3A_417] : memref<16384x2048xf32, #tpu.memory_space<hbm>> -> memref<8x2048xf32, #tpu.memory_space<hbm>>
      tpu.wait_dma2 semaphore(%arg20 : memref<!tpu.dma_semaphore, #tpu.memory_space<semaphore_mem>>) src(%dma_wait3A_418 : memref<8x2048xf32, #tpu.memory_space<hbm>>) dst(%arg14 : memref<8x2048xf32, #tpu.memory_space<vmem>>)
      %mul3A_419 = arith.constant 8 : i32
      %mul3A_420 = arith.muli %sub3A_88, %mul3A_419 : i32
      %dma_start3A = tpu.memref_slice %arg8[%mul3A_420] : memref<528xi32, #tpu.memory_space<vmem>> -> memref<8xi32, #tpu.memory_space<vmem>>
      %dma_start3A_421 = arith.constant 0 : i32
      %dma_start3A_422 = arith.constant 0 : i32
      %dma_start3A_423 = tpu.memref_slice %arg5[%dma_start3A_421, %dma_start3A_422] : memref<16384x2048xf32, #tpu.memory_space<hbm>> -> memref<16384x2048xf32, #tpu.memory_space<hbm>>
      tpu.enqueue_indirect_dma source(%arg14 : memref<8x2048xf32, #tpu.memory_space<vmem>>) target(%dma_start3A_423 : memref<16384x2048xf32, #tpu.memory_space<hbm>>) offsets(%dma_start3A : memref<8xi32, #tpu.memory_space<vmem>>) semaphore(%arg26 : memref<!tpu.dma_semaphore, #tpu.memory_space<semaphore_mem>>)
    } else {
    }
    %ge3A_384 = arith.constant 1 : i32
    %ge3A_385 = arith.cmpi sge, %add3A_53, %ge3A_384 : i32
    %convert_element_type3A_386 = arith.extui %ge3A_385 : i1 to i32
    %cond3A_387 = arith.constant 0 : i32
    %cond3A_388 = arith.cmpi ne, %convert_element_type3A_386, %cond3A_387 : i32
    scf.if %cond3A_388 {
      %dma_wait3A = arith.constant 0 : i32
      %dma_wait3A_414 = arith.constant 0 : i32
      %dma_wait3A_415 = tpu.memref_slice %arg5[%dma_wait3A, %dma_wait3A_414] : memref<16384x2048xf32, #tpu.memory_space<hbm>> -> memref<8x2048xf32, #tpu.memory_space<hbm>>
      %dma_wait3A_416 = arith.constant 0 : i32
      %dma_wait3A_417 = arith.constant 0 : i32
      %dma_wait3A_418 = tpu.memref_slice %arg5[%dma_wait3A_416, %dma_wait3A_417] : memref<16384x2048xf32, #tpu.memory_space<hbm>> -> memref<8x2048xf32, #tpu.memory_space<hbm>>
      tpu.wait_dma2 semaphore(%arg21 : memref<!tpu.dma_semaphore, #tpu.memory_space<semaphore_mem>>) src(%arg9 : memref<8x2048xf32, #tpu.memory_space<vmem>>) dst(%dma_wait3A_418 : memref<8x2048xf32, #tpu.memory_space<hbm>>)
    } else {
    }
    %ge3A_389 = arith.constant 2 : i32
    %ge3A_390 = arith.cmpi sge, %add3A_53, %ge3A_389 : i32
    %convert_element_type3A_391 = arith.extui %ge3A_390 : i1 to i32
    %cond3A_392 = arith.constant 0 : i32
    %cond3A_393 = arith.cmpi ne, %convert_element_type3A_391, %cond3A_392 : i32
    scf.if %cond3A_393 {
      %dma_wait3A = arith.constant 0 : i32
      %dma_wait3A_414 = arith.constant 0 : i32
      %dma_wait3A_415 = tpu.memref_slice %arg5[%dma_wait3A, %dma_wait3A_414] : memref<16384x2048xf32, #tpu.memory_space<hbm>> -> memref<8x2048xf32, #tpu.memory_space<hbm>>
      %dma_wait3A_416 = arith.constant 0 : i32
      %dma_wait3A_417 = arith.constant 0 : i32
      %dma_wait3A_418 = tpu.memref_slice %arg5[%dma_wait3A_416, %dma_wait3A_417] : memref<16384x2048xf32, #tpu.memory_space<hbm>> -> memref<8x2048xf32, #tpu.memory_space<hbm>>
      tpu.wait_dma2 semaphore(%arg22 : memref<!tpu.dma_semaphore, #tpu.memory_space<semaphore_mem>>) src(%arg10 : memref<8x2048xf32, #tpu.memory_space<vmem>>) dst(%dma_wait3A_418 : memref<8x2048xf32, #tpu.memory_space<hbm>>)
    } else {
    }
    %ge3A_394 = arith.constant 3 : i32
    %ge3A_395 = arith.cmpi sge, %add3A_53, %ge3A_394 : i32
    %convert_element_type3A_396 = arith.extui %ge3A_395 : i1 to i32
    %cond3A_397 = arith.constant 0 : i32
    %cond3A_398 = arith.cmpi ne, %convert_element_type3A_396, %cond3A_397 : i32
    scf.if %cond3A_398 {
      %dma_wait3A = arith.constant 0 : i32
      %dma_wait3A_414 = arith.constant 0 : i32
      %dma_wait3A_415 = tpu.memref_slice %arg5[%dma_wait3A, %dma_wait3A_414] : memref<16384x2048xf32, #tpu.memory_space<hbm>> -> memref<8x2048xf32, #tpu.memory_space<hbm>>
      %dma_wait3A_416 = arith.constant 0 : i32
      %dma_wait3A_417 = arith.constant 0 : i32
      %dma_wait3A_418 = tpu.memref_slice %arg5[%dma_wait3A_416, %dma_wait3A_417] : memref<16384x2048xf32, #tpu.memory_space<hbm>> -> memref<8x2048xf32, #tpu.memory_space<hbm>>
      tpu.wait_dma2 semaphore(%arg23 : memref<!tpu.dma_semaphore, #tpu.memory_space<semaphore_mem>>) src(%arg11 : memref<8x2048xf32, #tpu.memory_space<vmem>>) dst(%dma_wait3A_418 : memref<8x2048xf32, #tpu.memory_space<hbm>>)
    } else {
    }
    %ge3A_399 = arith.constant 4 : i32
    %ge3A_400 = arith.cmpi sge, %add3A_53, %ge3A_399 : i32
    %convert_element_type3A_401 = arith.extui %ge3A_400 : i1 to i32
    %cond3A_402 = arith.constant 0 : i32
    %cond3A_403 = arith.cmpi ne, %convert_element_type3A_401, %cond3A_402 : i32
    scf.if %cond3A_403 {
      %dma_wait3A = arith.constant 0 : i32
      %dma_wait3A_414 = arith.constant 0 : i32
      %dma_wait3A_415 = tpu.memref_slice %arg5[%dma_wait3A, %dma_wait3A_414] : memref<16384x2048xf32, #tpu.memory_space<hbm>> -> memref<8x2048xf32, #tpu.memory_space<hbm>>
      %dma_wait3A_416 = arith.constant 0 : i32
      %dma_wait3A_417 = arith.constant 0 : i32
      %dma_wait3A_418 = tpu.memref_slice %arg5[%dma_wait3A_416, %dma_wait3A_417] : memref<16384x2048xf32, #tpu.memory_space<hbm>> -> memref<8x2048xf32, #tpu.memory_space<hbm>>
      tpu.wait_dma2 semaphore(%arg24 : memref<!tpu.dma_semaphore, #tpu.memory_space<semaphore_mem>>) src(%arg12 : memref<8x2048xf32, #tpu.memory_space<vmem>>) dst(%dma_wait3A_418 : memref<8x2048xf32, #tpu.memory_space<hbm>>)
    } else {
    }
    %ge3A_404 = arith.constant 5 : i32
    %ge3A_405 = arith.cmpi sge, %add3A_53, %ge3A_404 : i32
    %convert_element_type3A_406 = arith.extui %ge3A_405 : i1 to i32
    %cond3A_407 = arith.constant 0 : i32
    %cond3A_408 = arith.cmpi ne, %convert_element_type3A_406, %cond3A_407 : i32
    scf.if %cond3A_408 {
      %dma_wait3A = arith.constant 0 : i32
      %dma_wait3A_414 = arith.constant 0 : i32
      %dma_wait3A_415 = tpu.memref_slice %arg5[%dma_wait3A, %dma_wait3A_414] : memref<16384x2048xf32, #tpu.memory_space<hbm>> -> memref<8x2048xf32, #tpu.memory_space<hbm>>
      %dma_wait3A_416 = arith.constant 0 : i32
      %dma_wait3A_417 = arith.constant 0 : i32
      %dma_wait3A_418 = tpu.memref_slice %arg5[%dma_wait3A_416, %dma_wait3A_417] : memref<16384x2048xf32, #tpu.memory_space<hbm>> -> memref<8x2048xf32, #tpu.memory_space<hbm>>
      tpu.wait_dma2 semaphore(%arg25 : memref<!tpu.dma_semaphore, #tpu.memory_space<semaphore_mem>>) src(%arg13 : memref<8x2048xf32, #tpu.memory_space<vmem>>) dst(%dma_wait3A_418 : memref<8x2048xf32, #tpu.memory_space<hbm>>)
    } else {
    }
    %ge3A_409 = arith.constant 6 : i32
    %ge3A_410 = arith.cmpi sge, %add3A_53, %ge3A_409 : i32
    %convert_element_type3A_411 = arith.extui %ge3A_410 : i1 to i32
    %cond3A_412 = arith.constant 0 : i32
    %cond3A_413 = arith.cmpi ne, %convert_element_type3A_411, %cond3A_412 : i32
    scf.if %cond3A_413 {
      %dma_wait3A = arith.constant 0 : i32
      %dma_wait3A_414 = arith.constant 0 : i32
      %dma_wait3A_415 = tpu.memref_slice %arg5[%dma_wait3A, %dma_wait3A_414] : memref<16384x2048xf32, #tpu.memory_space<hbm>> -> memref<8x2048xf32, #tpu.memory_space<hbm>>
      %dma_wait3A_416 = arith.constant 0 : i32
      %dma_wait3A_417 = arith.constant 0 : i32
      %dma_wait3A_418 = tpu.memref_slice %arg5[%dma_wait3A_416, %dma_wait3A_417] : memref<16384x2048xf32, #tpu.memory_space<hbm>> -> memref<8x2048xf32, #tpu.memory_space<hbm>>
      tpu.wait_dma2 semaphore(%arg26 : memref<!tpu.dma_semaphore, #tpu.memory_space<semaphore_mem>>) src(%arg14 : memref<8x2048xf32, #tpu.memory_space<vmem>>) dst(%dma_wait3A_418 : memref<8x2048xf32, #tpu.memory_space<hbm>>)
    } else {
    }
    return
  }
}

</mosaic_0001>

<sc_bundles>
// kernel: kernel.3.cloned.1.call-start
scs
__scs_entry_jumppad:
0x0: {  	(pc) =	sbr.rel $0x88, $3  }
0x1: {  	(tag) =	ssettag $0x0;
	lr =	simm.s32 $0x1  }
0x2: {  	[smem:$0x3F9E] =	sst lr;
	_ =	strace $0xD0000000  }
0x3: {  	_ = 	snop  }
0x4: {  	_ = 	snop  }
0x5: {  	_ = 	snop  }
0x6: {  	_ = 	snop  }
0x7: {  	_ = 	snop  }
__scs_overlays_trampoline_lowered:
0x8: {  	[smem:$0x3FAD] =	sst s0  }
0x9: {  	[smem:$0x3FAE] =	sst s1  }
0xa: {  	[smem:$0x3FAF] =	sst s2  }
0xb: {  	[smem:$0x3FB0] =	sst s3  }
0xc: {  	[smem:$0x3FB1] =	sst s4  }
0xd: {  	[smem:$0x3FB2] =	sst s5  }
0xe: {  	[smem:$0x3FB3] =	sst s6  }
0xf: {  	[smem:$0x3FB4] =	sst s7  }
0x10: {  	[smem:$0x3FB5] =	sst s8  }
0x11: {  	[smem:$0x3FB6] =	sst s9;
	s0 =	simm.s32 @!p0 $0x0  }
0x12: {  	s1 =	sld [smem:$0x3F9C];
	s0 =	simm.s32 @p0 $0x1  }
0x13: {  	[smem:$0x3FB7] =	sst s0;
	s0 =	simm.s32 @!p1 $0x0  }
0x14: {  	s2 =	sld [smem:$0x3F9B];
	s0 =	simm.s32 @p1 $0x1  }
0x15: {  	[smem:$0x3FB8] =	sst s0;
	s0 =	simm.s32 @!p2 $0x0  }
0x16: {  	s3 =	sld [smem:$0x3FDB];
	s0 =	simm.s32 @p2 $0x1  }
0x17: {  	s4 =	simm.s32 $0x1BF5;
	[smem:$0x3FBA] =	sst s0  }
0x18: {  	s0 =	sld [smem:$0x3F9D];
	_ =	swait.ge [sflag:s4], $0x0  }
0x19: {  	s7 =	sld [smem:$0x3F9E]  }
0x1a: {  	s8 =	sadd.s32 $0xFFFFE003, lr  }
0x1b: {  	s9 =	sadd.s32 $0xFFFFFEF7, lr;
	s5 =	simm.s32 $0xFFFFFFFF;
	p2 =	slt.u32 s8, $0xFFFFF086  }
0x1c: {  	p1 =	slt.u32 s9, $0xF7A;
	s5 =	simm.s32 @!p2 $0x0  }
0x1d: {  	s5 =	simm.s32 @p1 $0x1;
	p0 =	seq.s32 s7, s2  }
0x1e: {  	s7 =	smul.u32 @!p0 $0xF7A, s2;
	p2 =	seq.s32 @!p0 s5, $0x0  }
0x1f: {  	s9 =	smul.u32 $0xF7A, s1;
	s8 =	simm.s32 @!p0 $0x1BF5;
	p2 =	por !p2, p0  }
0x20: {  	[sflag:s8] =	ssyncset.s32 @!p0 $0xFFFFF086;
	s6 =	sadd.s32 @!p0 s3, s7;
	s7 =	simm.s32 @!p0 $0x108  }
0x21: {  	s3 =	sadd.s32 s3, s9;
	s6 =	sadd.s32 @!p0 $0x88, s6;
	s7 =	simm.s32 @p2 $0x1082  }
0x22: {  	[simem:s7], [sflag:s8] =	dma.local @!p0 [hbm:s6], $0xF7A  }
0x23: {  	s9 =	sor.u32 $0xD0000000, s2;
	s6 =	simm.s32 $0x108;
	_ =	swait.ge @!p0 [sflag:s8], $0x0  }
0x24: {  	s3 =	sadd.s32 $0x88, s3;
	s6 =	simm.s32 @!p1 $0x1082;
	[sflag:s4] =	ssyncset.s32 $0xFFFFF086  }
0x25: {  	[simem:s6], [sflag:s4] =	dma.local [hbm:s3], $0xF7A  }
0x26: {  	[smem:$0x3F9E] =	sst s1;
	(tag) =	ssettag s2;
	_ =	strace s9  }
0x27: {  	s1 =	sld [smem:$0x3FAE]  }
0x28: {  	s2 =	sld [smem:$0x3FAF]  }
0x29: {  	s4 =	sld [smem:$0x3FB1]  }
0x2a: {  	p0 =	seq.s32 s5, $0x0;
	s5 =	sld [smem:$0x3FB2]  }
0x2b: {  	s6 =	sld [smem:$0x3FB3]  }
0x2c: {  	s7 =	sld [smem:$0x3FB4]  }
0x2d: {  	s3 =	simm.s32 $0x108;
	s8 =	sld [smem:$0x3FB5]  }
0x2e: {  	s3 =	simm.s32 @!p0 $0x1082;
	s9 =	sld [smem:$0x3FB6]  }
0x2f: {  	lr =	sadd.s32 s0, s3;
	s0 =	sld [smem:$0x3FAD]  }
0x30: {  	s3 =	sld [smem:$0x3FB0]  }
0x31: {  	[smem:$0x3FB9] =	sst s10  }
0x32: {  	s10 =	sld [smem:$0x3FB7];
	_ =	sdelay $0x3  }
0x33: {  	p0 =	seq.s32 s10, $0x1;
	s10 =	sld [smem:$0x3FB9];
	_ =	sdelay $0x3  }
0x34: {  	[smem:$0x3FB9] =	sst s10  }
0x35: {  	s10 =	sld [smem:$0x3FB8];
	_ =	sdelay $0x3  }
0x36: {  	p1 =	seq.s32 s10, $0x1;
	s10 =	sld [smem:$0x3FB9];
	_ =	sdelay $0x3  }
0x37: {  	[smem:$0x3FB9] =	sst s10  }
0x38: {  	s10 =	sld [smem:$0x3FBA]  }
0x39: {  	_ = 	snop;
	(pc) =	sbr.ind lr, $3  }
0x3a: {  	_ = 	snop  }
0x3b: {  	_ = 	snop  }
0x3c: {  	p2 =	seq.s32 s10, $0x1;
	s10 =	sld [smem:$0x3FB9]  }
0x3d: {  	_ =	shalt  }
0x3e: {  	_ =	shalt  }
0x3f: {  	_ =	shalt  }
0x40: {  	_ =	shalt  }
0x41: {  	_ =	shalt  }
0x42: {  	_ =	shalt  }
0x43: {  	_ =	shalt  }
0x44: {  	_ =	shalt  }
0x45: {  	_ =	shalt  }
0x46: {  	_ =	shalt  }
0x47: {  	_ =	shalt  }
0x48: {  	_ =	shalt  }
0x49: {  	_ =	shalt  }
0x4a: {  	_ =	shalt  }
0x4b: {  	_ =	shalt  }
0x4c: {  	_ =	shalt  }
0x4d: {  	_ =	shalt  }
0x4e: {  	_ =	shalt  }
0x4f: {  	_ =	shalt  }
0x50: {  	_ =	shalt  }
0x51: {  	_ =	shalt  }
0x52: {  	_ =	shalt  }
0x53: {  	_ =	shalt  }
0x54: {  	_ =	shalt  }
0x55: {  	_ =	shalt  }
0x56: {  	_ =	shalt  }
0x57: {  	_ =	shalt  }
0x58: {  	_ =	shalt  }
0x59: {  	_ =	shalt  }
0x5a: {  	_ =	shalt  }
0x5b: {  	_ =	shalt  }
0x5c: {  	_ =	shalt  }
0x5d: {  	_ =	shalt  }
0x5e: {  	_ =	shalt  }
0x5f: {  	_ =	shalt  }
0x60: {  	_ =	shalt  }
0x61: {  	_ =	shalt  }
0x62: {  	_ =	shalt  }
0x63: {  	_ =	shalt  }
0x64: {  	_ =	shalt  }
0x65: {  	_ =	shalt  }
0x66: {  	_ =	shalt  }
0x67: {  	_ =	shalt  }
0x68: {  	_ =	shalt  }
0x69: {  	_ =	shalt  }
0x6a: {  	_ =	shalt  }
0x6b: {  	_ =	shalt  }
0x6c: {  	_ =	shalt  }
0x6d: {  	_ =	shalt  }
0x6e: {  	_ =	shalt  }
0x6f: {  	_ =	shalt  }
0x70: {  	_ =	shalt  }
0x71: {  	_ =	shalt  }
0x72: {  	_ =	shalt  }
0x73: {  	_ =	shalt  }
0x74: {  	_ =	shalt  }
0x75: {  	_ =	shalt  }
0x76: {  	_ =	shalt  }
0x77: {  	_ =	shalt  }
0x78: {  	_ =	shalt  }
0x79: {  	_ =	shalt  }
0x7a: {  	_ =	shalt  }
0x7b: {  	_ =	shalt  }
0x7c: {  	_ =	shalt  }
0x7d: {  	_ =	shalt  }
0x7e: {  	_ =	shalt  }
0x7f: {  	_ =	shalt  }
0x80: {  	_ =	shalt  }
0x81: {  	_ =	shalt  }
0x82: {  	_ =	shalt  }
0x83: {  	_ =	shalt  }
0x84: {  	_ =	shalt  }
0x85: {  	_ =	shalt  }
0x86: {  	_ =	shalt  }
0x87: {  	_ =	shalt  }
.Lfunc_end0:
.L_simem_size_0:
called_computation_lowered:
.L_overlay_start_0:
0x88: {  	s2 =	sld [smem:$0x3FD9]  }
0x89: {  	s3 =	sld [smem:$0x3FFE];
	_ =	sdelay $0x1  }
0x8a: {  	s1 =	srdreg.scid  }
0x8b: {  	s0 =	sand.u32 $0x1, s1  }
0x8c: {  	s17 =	sshll.u32 s0, $0xA;
	s2 =	sadd.s32 s3, s2  }
0x8d: {  	s2 =	sadd.s32 s2, s17  }
0x8e: {  	[smem:$0x3FC5] =	sst s2  }
0x8f: {  	_ = 	snop  }
0x90: {  	s2 =	sld [smem:$0x3FC8]  }
0x91: {  	s18 =	sld [smem:$0x3FC7]  }
0x92: {  	s4 =	sld [smem:$0x3FD0];
	(tm) =	ssettm $0x1  }
0x93: {  	s5 =	sld [smem:$0x3FFB];
	_ =	sdelay $0x3  }
0x94: {  	_ =	strace s5  }
0x95: {  	s5 =	sld [smem:$0x3FFC];
	_ =	sdelay $0x3  }
0x96: {  	_ =	strace s5  }
0x97: {  	s5 =	sld [smem:$0x3FFD];
	_ =	sdelay $0x3  }
0x98: {  	_ =	strace s5  }
0x99: {  	_ =	strace $0x8FFFFFFF  }
0x9a: {  	s19 =	sld [smem:$0x3FDB];
	_ =	sdelay $0x1  }
0x9b: {  	s6 =	simm.s32 $_scs_section_size  }
0x9c: {  	s7 =	simm.s32 $_size__tile_overlayer_lowered;
	s8 =	simm.s32 $_tile_overlayer_lowered  }
0x9d: {  	s22 =	simm.s32 $0x1BFF;
	s21 =	sshll.u32 s8, $0x1;
	s5 =	sadd.s32 s6, s19  }
0x9e: {  	s9 =	simm.s32 $0x0;
	s20 =	sshll.u32 s7, $0x1;
	s7 =	sadd.s32 s21, s5  }
0x9f: {  	[timem:s9], [sflag:s22] =	dma.local [hbm:s7], s20  }
0xa0: {  	_ =	swait.ge [sflag:s22], s20  }
0xa1: {  	s6 =	ssub.s32 $0x0, s20;
	[sflag:s22] =	ssyncset.done $0x0  }
0xa2: {  	[sflag:s22] =	ssyncadd.s32 s6;
	_ =	sdelay $0x1  }
0xa3: {  	s23 =	simm.s32 $0x1B8B  }
0xa4: {  	_ =	swait.ge [sflag:s23], $0x1  }
0xa5: {  	[sflag:s23] =	ssyncset.done $0x0  }
0xa6: {  	s25 =	simm.s32 $0x1B8E;
	s24 =	sld [smem:$0x3FFE];
	[sflag:s23] =	ssyncadd.s32 $0xFFFFFFFF  }
0xa7: {  	s26 =	simm.s32 $execute0_lowered;
	[smem:$0x3FD2] =	sst s25  }
0xa8: {  	s7 =	sshll.u32 s26, $0x1;
	_ =	strace $0x80000046;
	[dreg:$0x1] =	wrdreg $0xFFFFFFFF  }
0xa9: {  	s28 =	simm.s32 $_size_execute0_lowered;
	s5 =	sadd.s32 s5, s7;
	[dreg:$0x0] =	wrdreg $0x0  }
0xaa: {  	s7 =	sshll.u32 s28, $0x1;
	[dreg:$0x2] =	wrdreg s5  }
0xab: {  	[dreg:$0x3] =	wrdreg s7  }
0xac: {  	[dreg:$0x4] =	wrdreg $0xC0  }
0xad: {  	_ =	task [dreg:s9], $0x5FFFF  }
0xae: {  	[dreg:$0x1] =	wrdreg $0xFFFFFFFF  }
0xaf: {  	[dreg:$0x0] =	wrdreg $0x60  }
0xb0: {  	[dreg:$0x2] =	wrdreg s24  }
0xb1: {  	[dreg:$0x3] =	wrdreg s2  }
0xb2: {  	[dreg:$0x4] =	wrdreg s18  }
0xb3: {  	[dreg:$0x5] =	wrdreg s4  }
0xb4: {  	[dreg:$0x6] =	wrdreg $0x9  }
0xb5: {  	_ =	task.clear_ibuf [dreg:s9], $0x7FFFF;
	_ =	strace $0x90000046  }
0xb6: {  	s29 =	simm.s32 $0x9;
	_ =	strace $0x80000048  }
0xb7: {  	_ =	swait.ge [sflag:s29], $0x1  }
0xb8: {  	[sflag:s29] =	ssyncadd.s32 $0xFFFFFFFF  }
0xb9: {  	_ =	strace $0x90000048  }
0xba: {  	_ =	sfence  }
0xbb: {  	s30 =	sld [smem:$0x0];
	_ =	sdelay $0x2  }
0xbc: {  	s31 =	sshll.u32 s1, $0xD;
	s1 =	sshrl.u32 s1, $0x2  }
0xbd: {  	s3 =	sand.u32 $0x4000, s31;
	s1 =	sadd.s32 s1, s30  }
0xbe: {  	s0 =	sor.u32 s3, s0;
	s1 =	sshll.u32 s1, $0x11  }
0xbf: {  	s0 =	sor.u32 s1, s0  }
0xc0: {  	s0 =	sadd.s32 $0x8F2B, s0  }
0xc1: {  	[sflag:s0] =	ssyncadd.remote.s32 $0x1  }
0xc2: {  	_ =	sfence.sel $0xFFFF  }
0xc3: {  	[dreg:$0x0] =	wrdreg $0xFFFFFFFF;
	(pc) =	sbr.abs _section_cstart, $3  }
0xc4: {  	[dreg:$0x1] =	wrdreg $0xFFFFFFFF  }
0xc5: {  	_ =	task.clear_ibuf [dreg:s9], $0x2FFFF;
	_ =	strace $0x9FFFFFFF  }
0xc6: {  	(tm) =	ssettm $0x7FFFFFFF  }
0xc7: {  	_ =	shalt  }
tec
execute0_lowered:
.L_overlay_start_1:
0x0: {  	(tag) =	ssettag $0x1  }
0x1: {  	s0 =	rddreg [dreg:$0x0]  }
0x2: {  	s4 =	rddreg [dreg:$0x1]  }
0x3: {  	s5 =	rddreg [dreg:$0x2]  }
0x4: {  	s1 =	srdreg.scid;
	s20 =	rddreg [dreg:$0x3];
	_ =	strace $0x80000047  }
0x5: {  	s21 =	stileid.u32;
	s31 =	simm.s32 $0x0;
	s29 =	simm.s32 $0x4480  }
0x6: {  	s1 =	sand.u32 $0x1, s1;
	s0 =	sadd.s32 $0x400, s0;
	s25 =	sshll.u32 s21, $0x1  }
0x7: {  	s6 =	sadd.s32 $0x100, s4;
	s7 =	sadd.s32 $0x200, s4;
	s8 =	sadd.s32 $0x300, s4  }
0x8: {  	s9 =	sadd.s32 $0x400, s4;
	s10 =	sadd.s32 $0x500, s4;
	s11 =	sadd.s32 $0x600, s4  }
0x9: {  	s12 =	sadd.s32 $0x700, s4;
	s26 =	sadd.s32 $0x100, s5;
	s14 =	sadd.s32 $0x200, s5  }
0xa: {  	s15 =	sadd.s32 $0x300, s5;
	s16 =	sadd.s32 $0x400, s5;
	s17 =	sadd.s32 $0x500, s5  }
0xb: {  	s18 =	sadd.s32 $0x600, s5;
	s19 =	sadd.s32 $0x700, s5;
	[dreg:$0x5] =	wrdreg s0  }
0xc: {  	s4 =	sadd.s32 $0x100, s20;
	s5 =	sshll.u32 s21, $0x6;
	[dreg:$0xd] =	wrdreg s26  }
0xd: {  	s22 =	sshll.u32 s21, $0xA;
	s23 =	sadd.s32 $0x200, s20;
	[dreg:$0x6] =	wrdreg s4  }
0xe: {  	s24 =	sadd.s32 $0x300, s20;
	s30 =	sadd.s32 $0x400, s20;
	[dreg:$0xb] =	wrdreg s23  }
0xf: {  	s2 =	ssub.s32 $0x2, s1;
	[dreg:$0xc] =	wrdreg s24;
	s26 =	sadd.s32 $0x600, s20  }
0x10: {  	s23 =	sadd.s32 $0x500, s20;
	s3 =	sshrl.u32 s2, $0x1;
	[dreg:$0xa] =	wrdreg s26  }
0x11: {  	s13 =	sshll.u32 s1, $0x5;
	[dreg:$0x9] =	wrdreg s23;
	s0 =	ssub.s32 s2, s3  }
0x12: {  	s2 =	sor.u32 s1, s25;
	s3 =	sor.u32 s13, s5;
	s1 =	sshll.u32 s1, $0x9  }
0x13: {  	s21 =	sor.u32 s1, s22;
	p0 =	seq.s32 s2, $0x0;
	s0 =	smax.u32 s0, $0x1  }
0x14: {  	v0 =	vlaneseq.u32;
	v1 =	vimm.s32 $0x0;
	vm0 =	vmmov $0xffff;
	s25 =	smax.u32 s3, $0x1;
	s1 =	simm.s32 @!p0 $0x0;
	[dreg:$0x7] =	wrdreg s0  }
0x15: {  	s28 =	sadd.s32 $0x700, s20;
	v2 =	vor.u32 $0x80000000, v0;
	v3 =	vor.u32 $0xFFFFFFF8, v0;
	v6 =	vshrl.u32 v0, $0x3;
	[dreg:$0x8] =	wrdreg s25;
	s1 =	simm.s32 @p0 $0x1  }
0x16: {  	v4 =	vor.u32 $0x200, v0;
	v5 =	vand.u32 $0x7, v0;
	s4 =	simm.s32 $0x4200;
	v6 =	vmul.u32 $0x8, v6;
	s2 =	simm.s32 $0x0;
	[smem:$0x7FD] =	sst s1  }
.LBB2_1:
0x17: {  	s0 =	rddreg [dreg:$0x5];
	s25 =	simm.s32 $0xD  }
0x18: {  	[tilespmem:s31], [sflag:$0xD] =	stream.linear.gather [hbm4b:s0+s31], $0x4000, $0x38;
	[tilespmem:$0x1C480] =	vst v63  }
0x19: {  	_ =	swait.ge [sflag:s25], $0x4000  }
0x1a: {  	s26 =	sld [smem:$0x7FD];
	_ =	sdelay $0x2  }
0x1b: {  	p0 =	seq.s32 s26, $0x1  }
.Ltmp0:
0x1c: {  	_ = 	snop;
	(pc) =	sbr.rel @p0 .LBB2_5-.Ltmp0, $3  }
0x1d: {  	_ =	sdelay $0x1  }
0x1e: {  	[sflag:s25] =	ssyncset.done $0x0  }
0x1f: {  	v7 =	vimm.s32 $0x0;
	[sflag:s25] =	ssyncadd.s32 $0xFFFFC000  }
0x20: {  	s0 =	rddreg [dreg:$0x8]  }
0x21: {  	v7 =	vld [tilespmem:s31+$0x0];
	p1 =	sne.s32 s0, $0x1  }
.Ltmp1:
0x22: {  	_ = 	snop;
	(pc) =	sbr.rel @!p1 .LBB2_4-.Ltmp1, $2  }
0x23: {  	_ =	sdelay $0x2  }
0x24: {  	s1 =	sadd.s32 $0x10, s31;
	s0 =	sadd.s32 $0xFFFFFFFF, s0;
	vm1 =	veq.s32 v7, $0x1;
	v7 =	vimm.s32 $0x0  }
.LBB2_3:
0x25: {  	v8 =	vld [tilespmem:s1+$0x0];
	p1 =	sne.s32 s0, $0x1;
	s0 =	sadd.s32 $0xFFFFFFFF, s0;
	v9 =	vsel vm1, $0x1, v1  }
.Ltmp2:
0x26: {  	v7 =	vadd.s32 v9, v7;
	(pc) =	sbr.rel @p1 .LBB2_3-.Ltmp2, $2  }
0x27: {  	_ =	sdelay $0x2  }
0x28: {  	s1 =	sadd.s32 $0x10, s1;
	vm1 =	veq.s32 v8, $0x1  }
.LBB2_4:
0x29: {  	v8 =	vsel vm1, $0x1, v1  }
0x2a: {  	v7 =	vadd.s32 v8, v7  }
.LBB2_5:
0x2b: {  	s0 =	simm.s32 $0x0;
	s1 =	sadd.s32 $0x0, s21  }
0x2c: {  	s26 =	sand.u32 $0x70, s0;
	s3 =	sand.u32 $0x3F80, s1  }
0x2d: {  	[dreg:$0xe] =	wrdreg s2;
	s2 =	sor.u32 s26, s3  }
0x2e: {  	v8 =	vld [tilespmem:s2+$0x0];
	_ =	sdelay $0x4  }
0x2f: {  	vm1 =	veq.s32 v8, $0x1;
	v8 =	vor.u32 s1, v2  }
0x30: {  	v9 =	vnsel vm1, $0x7FFFFFFF, v8  }
0x31: {  	s5 =	simm.s32 $0x10;
	s13 =	sadd.s32 $0x10, s21;
	v8 =	vsel vm1, $0x7FFFFFFF, v8;
	(xrf0) =	vmax.scan.msk.u32 $0xffff, v9  }
0x32: {  	s20 =	sand.u32 $0x3F80, s13;
	s1 =	sand.u32 $0x70, s5;
	v9 =	vsel vm1, $0x1, v1;
	(xrf0) =	vmax.scan.msk.u32 $0xffff, v8  }
0x33: {  	s1 =	sor.u32 s1, s20;
	(xrf0) =	vadd.scan.msk.s32 $0xffff, v9  }
0x34: {  	s22 =	simm.s32 $0x20;
	s23 =	sadd.s32 $0x20, s21;
	v8 =	vld [tilespmem:s1+$0x0]  }
0x35: {  	s3 =	sand.u32 $0x70, s22;
	s5 =	sand.u32 $0x3F80, s23  }
0x36: {  	s3 =	sor.u32 s3, s5  }
0x37: {  	s24 =	simm.s32 $0x30;
	s25 =	sadd.s32 $0x30, s21;
	v10 =	vld [tilespmem:s3+$0x0];
	v9, _, _ =	vpop (xrf0)  }
0x38: {  	s5 =	sand.u32 $0x70, s24;
	s20 =	sand.u32 $0x3F80, s25;
	(v2sf) =	vpush v9, $0xF;
	v9, _, _ =	vpop (xrf0)  }
0x39: {  	s26 =	sor.u32 s5, s20;
	vm1 =	veq.s32 v8, $0x1;
	v8 =	vor.u32 s13, v2;
	(v2sf) =	vpush v9, $0xF;
	v9, _, _ =	vpop (xrf0)  }
0x3a: {  	v11 =	vld [tilespmem:s26+$0x0];
	(v2sf) =	vpush v9, $0xF;
	v9 =	vnsel vm1, $0x7FFFFFFF, v8  }
0x3b: {  	v8 =	vsel vm1, $0x7FFFFFFF, v8;
	(xrf0) =	vmax.scan.msk.u32 $0xffff, v9  }
0x3c: {  	v9 =	vsel vm1, $0x1, v1;
	vm1 =	veq.s32 v10, $0x1;
	(xrf0) =	vmax.scan.msk.u32 $0xffff, v8;
	v8 =	vor.u32 s23, v2  }
0x3d: {  	(xrf0) =	vadd.scan.msk.s32 $0xffff, v9;
	v9 =	vnsel vm1, $0x7FFFFFFF, v8  }
0x3e: {  	v8 =	vsel vm1, $0x7FFFFFFF, v8;
	(xrf0) =	vmax.scan.msk.u32 $0xffff, v9  }
0x3f: {  	v9 =	vsel vm1, $0x1, v1;
	vm1 =	veq.s32 v11, $0x1;
	(xrf0) =	vmax.scan.msk.u32 $0xffff, v8;
	v8 =	vor.u32 s25, v2  }
0x40: {  	v10 =	vnsel vm1, $0x7FFFFFFF, v8  }
0x41: {  	(xrf0) =	vadd.scan.msk.s32 $0xffff, v9  }
0x42: {  	v11, _, _ =	vpop (xrf0)  }
0x43: {  	s5 =	simm.s32 $0x40;
	s13 =	sadd.s32 $0x40, s21;
	v8 =	vsel vm1, $0x7FFFFFFF, v8;
	(xrf0) =	vmax.scan.msk.u32 $0xffff, v10;
	(v2sf) =	vpush v11, $0xF;
	v10, _, _ =	vpop (xrf0)  }
0x44: {  	s1 =	sand.u32 $0x70, s5;
	s20 =	sand.u32 $0x3F80, s13;
	v11, _, _ =	vpop (xrf0);
	(v2sf) =	vpush v10, $0xF  }
0x45: {  	s1 =	sor.u32 s1, s20;
	(v2sf) =	vpush v11, $0xF;
	v11, _, _ =	vpop (xrf0)  }
0x46: {  	s22 =	simm.s32 $0x50;
	s25 =	sadd.s32 $0x50, s21;
	v9 =	vld [tilespmem:s1+$0x0];
	(xrf0) =	vmax.scan.msk.u32 $0xffff, v8;
	(v2sf) =	vpush v11, $0xF;
	v8, _, _ =	vpop (xrf0)  }
0x47: {  	s23 =	sand.u32 $0x70, s22;
	s24 =	sand.u32 $0x3F80, s25;
	s26 =	spop (v2sf);
	(v2sf) =	vpush v8, $0xF;
	v8, _, _ =	vpop (xrf0)  }
0x48: {  	s20 =	sor.u32 s23, s24;
	s24 =	spop (v2sf);
	(v2sf) =	vpush v8, $0xF;
	_ =	sdelay $0x2  }
0x49: {  	v10 =	vsel vm1, $0x1, v1;
	vm1 =	veq.s32 v9, $0x1;
	v11 =	vor.u32 s13, v2  }
0x4a: {  	(xrf0) =	vadd.scan.msk.s32 $0xffff, v10;
	v10 =	vnsel vm1, $0x7FFFFFFF, v11;
	_ =	sdelay $0x1  }
0x4b: {  	s2 =	simm.s32 $0xFFFFFFFF;
	s1 =	simm.s32 $0x60;
	s3 =	sxor.u32 $0x80000000, s26  }
0x4c: {  	v9 =	vsel vm1, $0x1, v1;
	v11 =	vsel vm1, $0x7FFFFFFF, v11;
	v8 =	vld [tilespmem:s20+$0x0];
	(xrf0) =	vmax.scan.msk.u32 $0xffff, v10;
	s20 =	sxor.u32 $0x80000000, s24;
	s5 =	spop (v2sf);
	s24 =	simm.s32 $0xFFFFFFFF;
	v10, _, _ =	vpop (xrf0)  }
.LBB2_6:
0x4d: {  	s22 =	smov.u32 s24;
	s24 =	smov.u32 s2;
	s23 =	sand.u32 $0x70, s1  }
0x4e: {  	p1 =	sgt.s32 s2, s3;
	s2 =	smov.u32 s3;
	p2 =	sgt.s32 s22, s20  }
0x4f: {  	(xrf0) =	vmax.scan.msk.u32 $0xffff, v11;
	(v2sf) =	vpush v10, $0xF;
	v10, _, _ =	vpop (xrf0);
	s2 =	smov.u32 @p1 s24;
	s24 =	smov.u32 s20;
	p1 =	sne.s32 s1, $0x1F0  }
.Ltmp3:
0x50: {  	s26 =	sadd.s32 s1, s21;
	(xrf0) =	vadd.scan.msk.s32 $0xffff, v9;
	(v2sf) =	vpush v10, $0xF;
	v9, _, _ =	vpop (xrf0);
	s24 =	smov.u32 @p2 s22;
	(pc) =	sbr.rel @p1 .LBB2_6-.Ltmp3, $4  }
0x51: {  	s3 =	sand.u32 $0x3F80, s26;
	s1 =	sadd.s32 $0x10, s1;
	(v2sf) =	vpush v9, $0xF  }
0x52: {  	v13 =	vor.u32 s25, v2;
	s0 =	sadd.s32 s0, s5;
	s3 =	sor.u32 s23, s3;
	vm1 =	veq.s32 v8, $0x1;
	s20 =	spop (v2sf)  }
0x53: {  	s25 =	smov.u32 s26;
	v9 =	vsel vm1, $0x1, v1;
	v12 =	vnsel vm1, $0x7FFFFFFF, v13;
	v8 =	vld [tilespmem:s3+$0x0];
	s5 =	spop (v2sf)  }
0x54: {  	v11 =	vsel vm1, $0x7FFFFFFF, v13;
	s3 =	sxor.u32 $0x80000000, s20;
	(xrf0) =	vmax.scan.msk.u32 $0xffff, v12;
	v10, _, _ =	vpop (xrf0);
	s20 =	sxor.u32 $0x80000000, s5;
	s5 =	spop (v2sf)  }
0x55: {  	_ =	sdelay $0x2  }
0x56: {  	(xrf0) =	vmax.scan.msk.u32 $0xffff, v11;
	vm1 =	veq.s32 v8, $0x1;
	v8 =	vor.u32 s25, v2  }
0x57: {  	(xrf0) =	vadd.scan.msk.s32 $0xffff, v9;
	v9 =	vnsel vm1, $0x7FFFFFFF, v8  }
0x58: {  	v8 =	vsel vm1, $0x7FFFFFFF, v8  }
0x59: {  	(xrf0) =	vmax.scan.msk.u32 $0xffff, v9  }
0x5a: {  	(v2sf) =	vpush v10, $0xF;
	v10 =	vsel vm1, $0x1, v1;
	v9, _, _ =	vpop (xrf0);
	(xrf0) =	vmax.scan.msk.u32 $0xffff, v8  }
0x5b: {  	(v2sf) =	vpush v9, $0xF;
	v8, _, _ =	vpop (xrf0);
	(xrf0) =	vadd.scan.msk.s32 $0xffff, v10  }
0x5c: {  	v9, _, _ =	vpop (xrf0);
	(v2sf) =	vpush v8, $0xF  }
0x5d: {  	v8, _, _ =	vpop (xrf0);
	(v2sf) =	vpush v9, $0xF  }
0x5e: {  	(v2sf) =	vpush v8, $0xF;
	v8, _, _ =	vpop (xrf0)  }
0x5f: {  	(v2sf) =	vpush v8, $0xF;
	v8, _, _ =	vpop (xrf0)  }
0x60: {  	(v2sf) =	vpush v8, $0xF;
	v8, _, _ =	vpop (xrf0)  }
0x61: {  	p1 =	sgt.s32 s2, s3;
	(v2sf) =	vpush v8, $0xF;
	v8, _, _ =	vpop (xrf0)  }
0x62: {  	s1 =	spop (v2sf);
	s0 =	sadd.s32 s0, s5;
	s3 =	smov.u32 @p1 s2;
	(v2sf) =	vpush v8, $0xF  }
0x63: {  	s23 =	spop (v2sf);
	p1 =	sgt.s32 s24, s20;
	s1 =	sxor.u32 $0x80000000, s1  }
0x64: {  	s20 =	smov.u32 @p1 s24;
	s22 =	spop (v2sf);
	s2 =	sxor.u32 $0x80000000, s23  }
0x65: {  	p1 =	sgt.s32 s3, s1;
	p2 =	sgt.s32 s20, s2;
	s24 =	spop (v2sf)  }
0x66: {  	s1 =	smov.u32 @p1 s3;
	s0 =	sadd.s32 s0, s22;
	s25 =	spop (v2sf)  }
0x67: {  	s2 =	smov.u32 @p2 s20;
	s5 =	sxor.u32 $0x80000000, s24;
	s3 =	sxor.u32 $0x80000000, s25  }
0x68: {  	s26 =	spop (v2sf);
	p1 =	sgt.s32 s1, s5;
	p2 =	sgt.s32 s2, s3  }
0x69: {  	s5 =	smov.u32 @p1 s1;
	s0 =	sadd.s32 s0, s26;
	s13 =	spop (v2sf)  }
0x6a: {  	s3 =	smov.u32 @p2 s2;
	s1 =	sxor.u32 $0x80000000, s13;
	s22 =	spop (v2sf)  }
0x6b: {  	p1 =	sgt.s32 s5, s1;
	s23 =	spop (v2sf);
	s2 =	sxor.u32 $0x80000000, s22  }
0x6c: {  	s1 =	smov.u32 @p1 s5;
	s24 =	spop (v2sf);
	p2 =	sgt.s32 s3, s2  }
0x6d: {  	(xrf0) =	vadd.scan.msk.s32 $0xffff, v7;
	s25 =	spop (v2sf);
	s2 =	smov.u32 @p2 s3;
	s3 =	sxor.u32 $0x80000000, s24  }
0x6e: {  	s0 =	sadd.s32 s0, s23;
	s26 =	spop (v2sf);
	p1 =	sgt.s32 s1, s3  }
0x6f: {  	s5 =	sxor.u32 $0x80000000, s25;
	s13 =	spop (v2sf);
	s3 =	smov.u32 @p1 s1  }
0x70: {  	p1 =	sgt.s32 s2, s5;
	s0 =	sadd.s32 s0, s26;
	s23 =	spop (v2sf)  }
0x71: {  	s26 =	simm.s32 $0x0;
	s5 =	smov.u32 @p1 s2;
	s24 =	spop (v2sf)  }
0x72: {  	s2 =	sxor.u32 $0x80000000, s13;
	s20 =	sxor.u32 $0x80000000, s23;
	s0 =	sadd.s32 s0, s24  }
0x73: {  	v11, _, _ =	vpop (xrf0);
	v12 =	vor.u32 s26, v0;
	p1 =	sgt.s32 s3, s2;
	p2 =	sgt.s32 s5, s20;
	s24 =	sadd.s32 $0x7, s0  }
0x74: {  	v11 =	vbroadcast v11, $0xF;
	v13 =	vand.u32 v3, v12;
	s2 =	smov.u32 @p1 s3;
	s1 =	sadd.s32 $0xFFFFFFFF, s0;
	s25 =	sand.u32 $0xFFFFFFF8, s24  }
0x75: {  	s20 =	smov.u32 @p2 s5;
	v8 =	vmov s2;
	v10 =	vmov s1;
	v7 =	vmov s25  }
0x76: {  	v9 =	vmov s20;
	vm2 =	vlt.s32 v13, v10;
	vm1 =	vlt.s32 v12, v7  }
0x77: {  	s3 =	simm.s32 $0x4200;
	v13 =	vsel vm2, v13, v10;
	v12 =	vsel vm1, v8, v9  }
0x78: {  	s2 =	simm.s32 $0x4000;
	v63 =	vadd.s32 v11, v13;
	[tilespmem:s3+$0x0] =	vst v12  }
0x79: {  	s5 =	simm.s32 $0x10;
	[tilespmem:s2+$0x0] =	vst v63  }
.LBB2_8:
0x7a: {  	v12 =	vor.u32 s5, v0;
	p1 =	seq.s32 s5, $0x1F0;
	s5 =	sadd.s32 $0x10, s5  }
.Ltmp4:
0x7b: {  	v13 =	vand.u32 v3, v12;
	(pc) =	sbr.rel @!p1 .LBB2_8-.Ltmp4, $4  }
0x7c: {  	vm1 =	vlt.s32 v12, v7;
	vm2 =	vlt.s32 v13, v10  }
0x7d: {  	s3 =	sadd.s32 $0x10, s3;
	v12 =	vsel vm1, v8, v9;
	v13 =	vsel vm2, v13, v10  }
0x7e: {  	s2 =	sadd.s32 $0x10, s2;
	[tilespmem:s3+$0x0] =	vst v12;
	v12 =	vadd.s32 v11, v13  }
0x7f: {  	[tilespmem:s2+$0x0] =	vst v12  }
0x80: {  	s2 =	ssub.s32 $0x1FF, s0  }
0x81: {  	vm1 =	vgt.s32 v7, v4;
	s3 =	simm.s32 $0x0;
	s23 =	sadd.s32 $0x0, s21;
	p2 =	sgt.s32 s2, $0x0  }
0x82: {  	v8 =	vsel vm1, v8, v9;
	s25 =	sand.u32 $0x3F80, s23;
	s5 =	sand.u32 $0x70, s3;
	s2 =	simm.s32 @!p2 $0x0  }
0x83: {  	[tilespmem:$0x4400] =	vst v8;
	v9 =	vmov s2;
	s2 =	sor.u32 s5, s25  }
0x84: {  	v10 =	vld [tilespmem:s2+$0x0];
	_ =	sdelay $0x4  }
0x85: {  	vm2 =	veq.s32 v10, $0x1  }
0x86: {  	v11 =	vsel vm2, $0x1, v1  }
0x87: {  	(xrf0) =	vadd.scan.msk.s32 $0xffff, v11;
	_ =	sdelay $0x5  }
0x88: {  	v11, _, _ =	vpop (xrf0)  }
0x89: {  	v12 =	vadd.s32 s3, v11  }
0x8a: {  	v14 =	vor.u32 s3, v0;
	v11 =	vxor.u32 $0x80000000, v11;
	v13 =	vadd.s32 $0xFFFFFFFF, v12  }
0x8b: {  	p1 =	sgt.s32 s1, $0x0;
	v12 =	vsub.s32 v14, v12;
	(xrf0) =	vmax.scan.msk.u32 $0xffff, v11;
	vm1 =	vgt.s32 v13, $0x0  }
0x8c: {  	s1 =	simm.s32 @!p1 $0x0;
	v11 =	vnsel vm1, $0x0, v13;
	vm1 =	vgt.s32 v12, $0x0  }
0x8d: {  	v8 =	vmov s1;
	v12 =	vnsel vm1, $0x0, v12  }
0x8e: {  	vm3 =	vlt.s32 v8, v11;
	vm1 =	vlt.s32 v9, v12  }
0x8f: {  	v13 =	vsel vm3, v8, v11;
	v11 =	vsel vm1, v9, v12  }
0x90: {  	v12 =	vand.u32 $0x7FFFFFF8, v11  }
0x91: {  	vm1 =	vne.s32 v10, $0x1;
	v63 =	vand.u32 $0x7, v11;
	v15, _, _ =	vpop (xrf0);
	v12 =	vadd.s32 v7, v12  }
0x92: {  	(v2sf) =	vpush v15, $0xF;
	v10 =	vor.u32 v63, v12;
	_ =	sdelay $0x1  }
0x93: {  	s26 =	rddreg [dreg:$0x2];
	s1 =	simm.s32 $0x20;
	v11 =	vor.u32 s23, v0  }
0x94: {  	s5 =	sadd.s32 $0x10, s21;
	s2 =	simm.s32 $0x10;
	s23 =	rddreg [dreg:$0x9];
	[tilespmem:v13+s4+$0x0] =	vst.idx.msk vm2, v11  }
.LBB2_10:
0x95: {  	p1 =	sne.s32 s1, $0x1F0;
	s20 =	sand.u32 $0x3F80, s5;
	s22 =	sand.u32 $0x70, s2  }
0x96: {  	s20 =	sor.u32 s22, s20;
	[tilespmem:v10+s4+$0x0] =	vst.idx.msk vm1, v11  }
0x97: {  	v10 =	vld [tilespmem:s20+$0x0];
	_ =	sdelay $0x4  }
0x98: {  	vm1 =	vne.s32 v10, $0x1;
	vm2 =	veq.s32 v10, $0x1  }
0x99: {  	v10 =	vsel vm2, $0x1, v1  }
0x9a: {  	(xrf0) =	vadd.scan.msk.s32 $0xffff, v10;
	_ =	sdelay $0x1  }
0x9b: {  	s20 =	spop (v2sf)  }
0x9c: {  	s3 =	sadd.s32 s20, s3  }
0x9d: {  	s3 =	sadd.s32 $0x80000000, s3;
	_ =	sdelay $0x1  }
0x9e: {  	v10, _, _ =	vpop (xrf0)  }
0x9f: {  	v12 =	vor.u32 s2, v0;
	s2 =	smov.u32 s1;
	v11 =	vadd.s32 s3, v10;
	v10 =	vxor.u32 $0x80000000, v10  }
0xa0: {  	v13 =	vadd.s32 $0xFFFFFFFF, v11;
	v11 =	vsub.s32 v12, v11;
	(xrf0) =	vmax.scan.msk.u32 $0xffff, v10  }
0xa1: {  	vm3 =	vgt.s32 v13, $0x0;
	vm4 =	vgt.s32 v11, $0x0  }
0xa2: {  	v10 =	vnsel vm3, $0x0, v13;
	v11 =	vnsel vm4, $0x0, v11  }
0xa3: {  	vm3 =	vlt.s32 v8, v10;
	vm4 =	vlt.s32 v9, v11  }
0xa4: {  	v12 =	vsel vm3, v8, v10;
	v10 =	vsel vm4, v9, v11  }
0xa5: {  	v11 =	vand.u32 $0x7FFFFFF8, v10;
	v10 =	vand.u32 $0x7, v10  }
.Ltmp5:
0xa6: {  	v11 =	vadd.s32 v7, v11;
	v13, _, _ =	vpop (xrf0);
	(pc) =	sbr.rel @p1 .LBB2_10-.Ltmp5, $4  }
0xa7: {  	v10 =	vor.u32 v10, v11;
	(v2sf) =	vpush v13, $0xF  }
0xa8: {  	v11 =	vor.u32 s5, v0  }
0xa9: {  	[tilespmem:v12+s4+$0x0] =	vst.idx.msk vm2, v11  }
0xaa: {  	s1 =	sadd.s32 $0x10, s1;
	s5 =	sadd.s32 s2, s21  }
0xab: {  	_ =	sdelay $0x3  }
0xac: {  	s1 =	sand.u32 $0x3F80, s5;
	s20 =	sand.u32 $0x70, s2  }
0xad: {  	[tilespmem:v10+s4+$0x0] =	vst.idx.msk vm1, v11;
	s1 =	sor.u32 s20, s1  }
0xae: {  	v10 =	vld [tilespmem:s1+$0x0];
	_ =	sdelay $0x4  }
0xaf: {  	vm1 =	veq.s32 v10, $0x1  }
0xb0: {  	v60 =	vsel vm1, $0x1, v1  }
0xb1: {  	(xrf0) =	vadd.scan.msk.s32 $0xffff, v60;
	_ =	sdelay $0x5  }
0xb2: {  	v11, _, _ =	vpop (xrf0)  }
0xb3: {  	v12 =	vxor.u32 $0x80000000, v11  }
0xb4: {  	s0 =	ssub.s32 $0x207, s0;
	(xrf0) =	vmax.scan.msk.u32 $0xffff, v12  }
0xb5: {  	s25 =	sshra.s32 s24, $0x3;
	s0 =	sshra.s32 s0, $0x3  }
0xb6: {  	s24 =	sadd.s32 s0, s25  }
0xb7: {  	s20 =	sadd.s32 $0x5, s24  }
0xb8: {  	s1 =	sshra.s32 s20, $0x1F  }
0xb9: {  	v61 =	vor.u32 s2, v0;
	s2 =	smul.u32 $0x2AAAAAAB, s1;
	s22 =	spop (v2sf)  }
0xba: {  	s13 =	sadd.s32 s22, s3;
	s22 =	smulhi.u32 $0x2AAAAAAB, s20;
	v12, _, _ =	vpop (xrf0)  }
0xbb: {  	s0 =	sadd.s32 $0x80000000, s13;
	(v2sf) =	vpush v12, $0xF  }
0xbc: {  	v11 =	vadd.s32 s0, v11;
	s0 =	sadd.s32 s2, s22  }
0xbd: {  	s13 =	sshrl.u32 s0, $0x1F  }
0xbe: {  	s0 =	sadd.s32 s13, s0  }
0xbf: {  	s1 =	smul.u32 $0xFFFFFFFA, s0;
	v12 =	vsub.s32 v61, v11  }
0xc0: {  	s20 =	ssub.s32 $0xFFFFFFFB, s24;
	vm2 =	vgt.s32 v12, $0x0  }
0xc1: {  	p1 =	slt.s32 s24, $0xFFFFFFFC;
	p2 =	sne.s32 s1, s20;
	v11 =	vadd.s32 $0xFFFFFFFF, v11;
	v12 =	vnsel vm2, $0x0, v12  }
0xc2: {  	p1 =	por !p1, !p2;
	vm2 =	vgt.s32 v11, $0x0;
	vm3 =	vlt.s32 v9, v12  }
0xc3: {  	s1 =	simm.s32 $0x1;
	p1 =	por !p1, !p1;
	v11 =	vnsel vm2, $0x0, v11;
	v9 =	vsel vm3, v9, v12  }
0xc4: {  	s1 =	simm.s32 @!p1 $0x0;
	vm2 =	vne.s32 v10, $0x1;
	vm3 =	vlt.s32 v8, v11;
	v62 =	vand.u32 $0x7FFFFFF8, v9  }
0xc5: {  	s0 =	ssub.s32 s0, s1;
	v8 =	vsel vm3, v8, v11;
	v9 =	vand.u32 $0x7, v9;
	v7 =	vadd.s32 v7, v62  }
0xc6: {  	p1 =	slt.s32 s0, $0x1;
	v7 =	vor.u32 v9, v7  }
.Ltmp6:
0xc7: {  	_ = 	snop;
	(pc) =	sbr.rel @!p1 .LBB2_12-.Ltmp6, $4  }
0xc8: {  	_ = 	snop  }
0xc9: {  	v63 =	vor.u32 s5, v0  }
0xca: {  	[tilespmem:v8+s4+$0x0] =	vst.idx.msk vm1, v63;
	s22 =	spop (v2sf)  }
0xcb: {  	s5 =	simm.s32 $0x0;
	s3 =	simm.s32 $0x0;
	[tilespmem:v7+s4+$0x0] =	vst.idx.msk vm2, v63;
	s22 =	rddreg [dreg:$0x3]  }
.LBB2_27:
0xcc: {  	s0 =	sadd.s32 $0xFFFFFFFE, s24  }
0xcd: {  	s1 =	smulhi.u32 $0x2AAAAAAB, s0;
	s2 =	sshra.s32 s0, $0x1F  }
0xce: {  	s2 =	smul.u32 $0x2AAAAAAB, s2;
	_ =	sdelay $0x1  }
0xcf: {  	s1 =	sadd.s32 s2, s1  }
0xd0: {  	s2 =	sshrl.u32 s1, $0x1F  }
0xd1: {  	s1 =	sadd.s32 s2, s1  }
0xd2: {  	s1 =	smul.u32 $0x6, s1;
	_ =	sdelay $0x1  }
0xd3: {  	s1 =	ssub.s32 s0, s1  }
0xd4: {  	p2 =	slt.s32 s1, $0x0;
	s2 =	sadd.s32 $0x6, s1  }
0xd5: {  	p0 =	slt.s32 s24, $0x2;
	s1 =	smov.u32 @p2 s2  }
0xd6: {  	p2 =	sne.s32 @!p0 s1, $0x0  }
0xd7: {  	p2 =	por p0, p2  }
.Ltmp7:
0xd8: {  	_ = 	snop;
	(pc) =	sbr.rel @p2 .LBB2_29-.Ltmp7, $1  }
0xd9: {  	_ =	sdelay $0x3  }
0xda: {  	s1 =	simm.s32 $0x1  }
0xdb: {  	_ =	swait.ge [sflag:s1], $0x4000  }
0xdc: {  	s0 =	sshll.u32 s0, $0x5;
	[sflag:s1] =	ssyncset.done $0x0  }
0xdd: {  	s0 =	sshra.s32 s0, $0x2;
	[sflag:s1] =	ssyncadd.s32 $0xFFFFC000  }
0xde: {  	v7 =	vld.msk [tilespmem:s0+$0x4200], $0xff;
	_ =	sdelay $0x4  }
0xdf: {  	v8 =	vshll.u32 v7, $0x4  }
0xe0: {  	v7 =	vand.u32 $0x7, v7;
	v8 =	vand.u32 $0xFFFFFF80, v8  }
0xe1: {  	v7 =	vor.u32 v7, v8  }
0xe2: {  	v7 =	vperm.xlane v7, v5;
	_ =	sdelay $0x1  }
0xe3: {  	v7 =	vadd.s32 v6, v7;
	_ =	sdelay $0x4  }
0xe4: {  	[hbm4b:s22+s31] =	stream.indirect_vreg.scatter [tilespmem:s29], [sflag:$0x7], $0x80, v7, vm0, $0xb8;
	[tilespmem:$0x1C480] =	vst v63  }
0xe5: {  	s20 =	simm.s32 $0x4C80;
	s13 =	rddreg [dreg:$0x6]  }
0xe6: {  	[hbm4b:s13+s31] =	stream.indirect_vreg.scatter [tilespmem:s20], [sflag:$0x7], $0x80, v7, vm0, $0xb8;
	[tilespmem:$0x1C480] =	vst v63  }
0xe7: {  	s26 =	simm.s32 $0x5480;
	s25 =	rddreg [dreg:$0xb]  }
0xe8: {  	[hbm4b:s25+s31] =	stream.indirect_vreg.scatter [tilespmem:s26], [sflag:$0x7], $0x80, v7, vm0, $0xb8;
	[tilespmem:$0x1C480] =	vst v63  }
0xe9: {  	s3 =	simm.s32 $0x5C80;
	s2 =	rddreg [dreg:$0xc]  }
0xea: {  	[hbm4b:s2+s31] =	stream.indirect_vreg.scatter [tilespmem:s3], [sflag:$0x7], $0x80, v7, vm0, $0xb8;
	[tilespmem:$0x1C480] =	vst v63  }
0xeb: {  	s5 =	simm.s32 $0x6480  }
0xec: {  	[hbm4b:s30+s31] =	stream.indirect_vreg.scatter [tilespmem:s5], [sflag:$0x7], $0x80, v7, vm0, $0xb8;
	[tilespmem:$0x1C480] =	vst v63  }
0xed: {  	s13 =	simm.s32 $0x6C80  }
0xee: {  	[hbm4b:s23+s31] =	stream.indirect_vreg.scatter [tilespmem:s13], [sflag:$0x7], $0x80, v7, vm0, $0xb8;
	[tilespmem:$0x1C480] =	vst v63  }
.Ltmp8:
0xef: {  	_ = 	snop;
	(pc) =	sbr.rel .LBB2_38-.Ltmp8, $4  }
0xf0: {  	s20 =	rddreg [dreg:$0xa];
	s25 =	simm.s32 $0x7480  }
0xf1: {  	[hbm4b:s20+s31] =	stream.indirect_vreg.scatter [tilespmem:s25], [sflag:$0x7], $0x80, v7, vm0, $0xb8;
	[tilespmem:$0x1C480] =	vst v63  }
0xf2: {  	s26 =	simm.s32 $0x7C80  }
0xf3: {  	[hbm4b:s28+s31] =	stream.indirect_vreg.scatter [tilespmem:s26], [sflag:$0x7], $0x80, v7, vm0, $0xb8;
	[tilespmem:$0x1C480] =	vst v63  }
.LBB2_26:
0xf4: {  	s0 =	sadd.s32 $0xFFFFFFFF, s0  }
0xf5: {  	p1 =	sne.s32 s0, $0x0  }
.Ltmp9:
0xf6: {  	_ = 	snop;
	(pc) =	sbr.rel @!p1 .LBB2_27-.Ltmp9, $2  }
0xf7: {  	_ =	sdelay $0x2  }
0xf8: {  	s3 =	sadd.s32 $0x6, s3;
	s5 =	sadd.s32 $0xC0, s5  }
.LBB2_12:
0xf9: {  	p1 =	sge.s32 s3, s24  }
.Ltmp10:
0xfa: {  	_ = 	snop;
	(pc) =	sbr.rel @p1 .LBB2_15-.Ltmp10, $1  }
0xfb: {  	_ =	sdelay $0x3  }
0xfc: {  	p1 =	seq.s32 s3, $0x0  }
0xfd: {  	s2 =	simm.s32 @!p1 $0x7  }
0xfe: {  	p2 =	slt.s32 s3, s25;
	s20 =	simm.s32 $0x4000;
	_ =	swait.ge @!p1 [sflag:s2], $0x4000  }
0xff: {  	s1 =	sshra.s32 s5, $0x2;
	s20 =	simm.s32 @!p2 $0x4200;
	[sflag:s2] =	ssyncset.done @!p1 $0x0  }
0x100: {  	s13 =	sadd.s32 s1, s20;
	[sflag:s2] =	ssyncadd.s32 @!p1 $0xFFFFC000  }
0x101: {  	v7 =	vld.msk [tilespmem:s13+$0x0], $0xff;
	_ =	sdelay $0x4  }
0x102: {  	v8 =	vshll.u32 v7, $0x4  }
0x103: {  	v7 =	vand.u32 $0x7, v7;
	v8 =	vand.u32 $0xFFFFFF80, v8  }
0x104: {  	v7 =	vor.u32 v7, v8  }
0x105: {  	v7 =	vperm.xlane v7, v5;
	_ =	sdelay $0x1  }
0x106: {  	v7 =	vadd.s32 v6, v7;
	_ =	sdelay $0x2  }
0x107: {  	s2 =	rddreg [dreg:$0x1]  }
0x108: {  	s2 =	smov.u32 @p2 s26  }
0x109: {  	[tilespmem:s29], [sflag:$0x1] =	stream.indirect_vreg.gather [hbm4b:s2+s31], $0x80, v7, vm0, $0xb8;
	[tilespmem:$0x1C480] =	vst v63  }
0x10a: {  	s13 =	rddreg [dreg:$0xd];
	s2 =	smov.u32 s6  }
0x10b: {  	s20 =	simm.s32 $0x4C80;
	s2 =	smov.u32 @p2 s13  }
0x10c: {  	[tilespmem:s20], [sflag:$0x1] =	stream.indirect_vreg.gather [hbm4b:s2+s31], $0x80, v7, vm0, $0xb8;
	[tilespmem:$0x1C480] =	vst v63  }
0x10d: {  	s2 =	smov.u32 s7  }
0x10e: {  	s20 =	simm.s32 $0x5480;
	s2 =	smov.u32 @p2 s14  }
0x10f: {  	[tilespmem:s20], [sflag:$0x1] =	stream.indirect_vreg.gather [hbm4b:s2+s31], $0x80, v7, vm0, $0xb8;
	[tilespmem:$0x1C480] =	vst v63  }
0x110: {  	s2 =	smov.u32 s8  }
0x111: {  	s20 =	simm.s32 $0x5C80;
	s2 =	smov.u32 @p2 s15  }
0x112: {  	[tilespmem:s20], [sflag:$0x1] =	stream.indirect_vreg.gather [hbm4b:s2+s31], $0x80, v7, vm0, $0xb8;
	[tilespmem:$0x1C480] =	vst v63  }
0x113: {  	s2 =	smov.u32 s9  }
0x114: {  	s20 =	simm.s32 $0x6480;
	s2 =	smov.u32 @p2 s16  }
0x115: {  	[tilespmem:s20], [sflag:$0x1] =	stream.indirect_vreg.gather [hbm4b:s2+s31], $0x80, v7, vm0, $0xb8;
	[tilespmem:$0x1C480] =	vst v63  }
0x116: {  	s2 =	smov.u32 s10  }
0x117: {  	s20 =	simm.s32 $0x6C80;
	s2 =	smov.u32 @p2 s17  }
0x118: {  	[tilespmem:s20], [sflag:$0x1] =	stream.indirect_vreg.gather [hbm4b:s2+s31], $0x80, v7, vm0, $0xb8;
	[tilespmem:$0x1C480] =	vst v63  }
0x119: {  	s2 =	smov.u32 s11  }
.Ltmp11:
0x11a: {  	s20 =	simm.s32 $0x7480;
	s2 =	smov.u32 @p2 s18;
	(pc) =	sbr.rel @p1 .LBB2_54-.Ltmp11, $4  }
0x11b: {  	[tilespmem:s20], [sflag:$0x1] =	stream.indirect_vreg.gather [hbm4b:s2+s31], $0x80, v7, vm0, $0xb8;
	[tilespmem:$0x1C480] =	vst v63  }
0x11c: {  	s2 =	smov.u32 s12  }
0x11d: {  	s20 =	simm.s32 $0x7C80;
	s2 =	smov.u32 @p2 s19  }
0x11e: {  	[tilespmem:s20], [sflag:$0x1] =	stream.indirect_vreg.gather [hbm4b:s2+s31], $0x80, v7, vm0, $0xb8;
	[tilespmem:$0x1C480] =	vst v63  }
0x11f: {  	s2 =	simm.s32 $0x5  }
0x120: {  	_ =	swait.ge [sflag:s2], $0x4000  }
0x121: {  	[sflag:s2] =	ssyncset.done $0x0  }
0x122: {  	[sflag:s2] =	ssyncadd.s32 $0xFFFFC000  }
0x123: {  	v7 =	vld.msk [tilespmem:s1+$0x41F0], $0xff;
	_ =	sdelay $0x4  }
0x124: {  	v8 =	vshll.u32 v7, $0x4  }
0x125: {  	v7 =	vand.u32 $0x7, v7;
	v8 =	vand.u32 $0xFFFFFF80, v8  }
0x126: {  	v7 =	vor.u32 v7, v8  }
0x127: {  	v7 =	vperm.xlane v7, v5;
	_ =	sdelay $0x1  }
0x128: {  	v7 =	vadd.s32 v6, v7;
	_ =	sdelay $0x3  }
0x129: {  	s2 =	simm.s32 $0x14480  }
0x12a: {  	[hbm4b:s22+s31] =	stream.indirect_vreg.scatter [tilespmem:s2], [sflag:$0xB], $0x80, v7, vm0, $0xb8;
	[tilespmem:$0x1C480] =	vst v63  }
0x12b: {  	s20 =	simm.s32 $0x14C80;
	s13 =	rddreg [dreg:$0x6]  }
0x12c: {  	[hbm4b:s13+s31] =	stream.indirect_vreg.scatter [tilespmem:s20], [sflag:$0xB], $0x80, v7, vm0, $0xb8;
	[tilespmem:$0x1C480] =	vst v63  }
0x12d: {  	s13 =	rddreg [dreg:$0xb];
	s20 =	simm.s32 $0x15480  }
0x12e: {  	[hbm4b:s13+s31] =	stream.indirect_vreg.scatter [tilespmem:s20], [sflag:$0xB], $0x80, v7, vm0, $0xb8;
	[tilespmem:$0x1C480] =	vst v63  }
0x12f: {  	s13 =	rddreg [dreg:$0xc];
	s20 =	simm.s32 $0x15C80  }
0x130: {  	[hbm4b:s13+s31] =	stream.indirect_vreg.scatter [tilespmem:s20], [sflag:$0xB], $0x80, v7, vm0, $0xb8;
	[tilespmem:$0x1C480] =	vst v63  }
0x131: {  	s13 =	simm.s32 $0x16480  }
0x132: {  	[hbm4b:s30+s31] =	stream.indirect_vreg.scatter [tilespmem:s13], [sflag:$0xB], $0x80, v7, vm0, $0xb8;
	[tilespmem:$0x1C480] =	vst v63  }
0x133: {  	s20 =	simm.s32 $0x16C80  }
0x134: {  	[hbm4b:s23+s31] =	stream.indirect_vreg.scatter [tilespmem:s20], [sflag:$0xB], $0x80, v7, vm0, $0xb8;
	[tilespmem:$0x1C480] =	vst v63  }
0x135: {  	s2 =	rddreg [dreg:$0xa];
	s13 =	simm.s32 $0x17480  }
0x136: {  	[hbm4b:s2+s31] =	stream.indirect_vreg.scatter [tilespmem:s13], [sflag:$0xB], $0x80, v7, vm0, $0xb8;
	[tilespmem:$0x1C480] =	vst v63  }
0x137: {  	s20 =	simm.s32 $0x17C80  }
0x138: {  	[hbm4b:s28+s31] =	stream.indirect_vreg.scatter [tilespmem:s20], [sflag:$0xB], $0x80, v7, vm0, $0xb8;
	[tilespmem:$0x1C480] =	vst v63  }
.LBB2_15:
0x139: {  	s2 =	sadd.s32 $0x1, s3  }
0x13a: {  	p1 =	slt.s32 s2, s24  }
.Ltmp12:
0x13b: {  	_ = 	snop;
	(pc) =	sbr.rel @!p1 .LBB2_18-.Ltmp12, $1  }
0x13c: {  	_ =	sdelay $0x3  }
0x13d: {  	p1 =	seq.s32 s3, $0x0  }
0x13e: {  	s1 =	simm.s32 @!p1 $0x8  }
0x13f: {  	_ =	swait.ge @!p1 [sflag:s1], $0x4000  }
0x140: {  	[sflag:s1] =	ssyncset.done @!p1 $0x0  }
0x141: {  	[sflag:s1] =	ssyncadd.s32 @!p1 $0xFFFFC000  }
.LBB2_17:
0x142: {  	p1 =	slt.s32 s2, s25;
	s1 =	sshll.u32 s2, $0x5;
	s20 =	simm.s32 $0x4000  }
0x143: {  	s20 =	simm.s32 @!p1 $0x4200;
	s1 =	sshra.s32 s1, $0x2  }
0x144: {  	s1 =	sadd.s32 s1, s20  }
0x145: {  	v7 =	vld.msk [tilespmem:s1+$0x0], $0xff;
	_ =	sdelay $0x4  }
0x146: {  	v8 =	vshll.u32 v7, $0x4  }
0x147: {  	v7 =	vand.u32 $0x7, v7;
	v8 =	vand.u32 $0xFFFFFF80, v8  }
0x148: {  	v7 =	vor.u32 v7, v8  }
0x149: {  	v7 =	vperm.xlane v7, v5;
	_ =	sdelay $0x1  }
0x14a: {  	v7 =	vadd.s32 v6, v7;
	_ =	sdelay $0x2  }
0x14b: {  	s1 =	rddreg [dreg:$0x1]  }
0x14c: {  	s13 =	simm.s32 $0x8480;
	s1 =	smov.u32 @p1 s26  }
0x14d: {  	[tilespmem:s13], [sflag:$0x2] =	stream.indirect_vreg.gather [hbm4b:s1+s31], $0x80, v7, vm0, $0xb8;
	[tilespmem:$0x1C480] =	vst v63  }
0x14e: {  	s20 =	smov.u32 s6;
	s1 =	rddreg [dreg:$0xd]  }
0x14f: {  	s23 =	simm.s32 $0x8C80;
	s20 =	smov.u32 @p1 s1;
	s1 =	smov.u32 s7  }
0x150: {  	[tilespmem:s23], [sflag:$0x2] =	stream.indirect_vreg.gather [hbm4b:s20+s31], $0x80, v7, vm0, $0xb8;
	[tilespmem:$0x1C480] =	vst v63  }
0x151: {  	s1 =	smov.u32 @p1 s14;
	s20 =	smov.u32 s8;
	s23 =	simm.s32 $0x9480  }
0x152: {  	[tilespmem:s23], [sflag:$0x2] =	stream.indirect_vreg.gather [hbm4b:s1+s31], $0x80, v7, vm0, $0xb8;
	[tilespmem:$0x1C480] =	vst v63  }
0x153: {  	s20 =	smov.u32 @p1 s15;
	s1 =	smov.u32 s9;
	s23 =	simm.s32 $0x9C80  }
0x154: {  	[tilespmem:s23], [sflag:$0x2] =	stream.indirect_vreg.gather [hbm4b:s20+s31], $0x80, v7, vm0, $0xb8;
	[tilespmem:$0x1C480] =	vst v63  }
0x155: {  	s1 =	smov.u32 @p1 s16;
	s20 =	smov.u32 s10;
	s23 =	simm.s32 $0xA480  }
0x156: {  	[tilespmem:s23], [sflag:$0x2] =	stream.indirect_vreg.gather [hbm4b:s1+s31], $0x80, v7, vm0, $0xb8;
	[tilespmem:$0x1C480] =	vst v63  }
0x157: {  	s20 =	smov.u32 @p1 s17;
	s1 =	smov.u32 s11;
	s23 =	simm.s32 $0xAC80  }
0x158: {  	[tilespmem:s23], [sflag:$0x2] =	stream.indirect_vreg.gather [hbm4b:s20+s31], $0x80, v7, vm0, $0xb8;
	[tilespmem:$0x1C480] =	vst v63  }
0x159: {  	s1 =	smov.u32 @p1 s18;
	s20 =	smov.u32 s12  }
0x15a: {  	s23 =	simm.s32 $0xB480;
	s20 =	smov.u32 @p1 s19;
	p1 =	seq.s32 s3, $0x0  }
0x15b: {  	[tilespmem:s23], [sflag:$0x2] =	stream.indirect_vreg.gather [hbm4b:s1+s31], $0x80, v7, vm0, $0xb8;
	[tilespmem:$0x1C480] =	vst v63  }
0x15c: {  	s13 =	simm.s32 $0xBC80;
	s1 =	simm.s32 @!p1 $0x6  }
0x15d: {  	[tilespmem:s13], [sflag:$0x2] =	stream.indirect_vreg.gather [hbm4b:s20+s31], $0x80, v7, vm0, $0xb8;
	[tilespmem:$0x1C480] =	vst v63  }
0x15e: {  	_ =	swait.ge @!p1 [sflag:s1], $0x4000  }
0x15f: {  	[sflag:s1] =	ssyncset.done @!p1 $0x0  }
0x160: {  	[sflag:s1] =	ssyncadd.s32 @!p1 $0xFFFFC000;
	s1 =	sshra.s32 @!p1 s5, $0x2  }
0x161: {  	v7 =	vld.msk @!p1 [tilespmem:s1+$0x41F8], $0xff;
	_ =	sdelay $0x4  }
0x162: {  	v8 =	vshll.u32 @!p1 v7, $0x4  }
0x163: {  	v9 =	vlaneseq.u32 @!p1;
	v7 =	vand.u32 @!p1 $0x7, v7;
	v8 =	vand.u32 @!p1 $0xFFFFFF80, v8  }
0x164: {  	v7 =	vor.u32 @!p1 v7, v8;
	v8 =	vand.u32 @!p1 $0x7, v9;
	v9 =	vshrl.u32 @!p1 v9, $0x3  }
0x165: {  	s16 =	smov.u32 s16;
	s23 =	smov.u32 s12;
	v7 =	vperm.xlane @!p1 v7, v8;
	v8 =	vmul.u32 @!p1 $0x8, v9  }
0x166: {  	s12 =	smov.u32 s11;
	s11 =	smov.u32 s10;
	s10 =	smov.u32 s9  }
0x167: {  	s9 =	smov.u32 s8;
	s8 =	smov.u32 s7;
	s7 =	smov.u32 s6;
	v7 =	vadd.s32 @!p1 v8, v7  }
0x168: {  	s6 =	smov.u32 s19;
	s19 =	smov.u32 s18;
	s18 =	smov.u32 s17  }
0x169: {  	s29 =	smov.u32 s28;
	s16 =	smov.u32 s16;
	s17 =	smov.u32 s18  }
0x16a: {  	s18 =	smov.u32 s19;
	s19 =	smov.u32 s6;
	s6 =	smov.u32 s7  }
0x16b: {  	vm1 =	vmmov @!p1 $0xffff;
	s7 =	smov.u32 s8;
	s20 =	simm.s32 @!p1 $0x18480;
	s1 =	simm.s32 @!p1 $0x0  }
0x16c: {  	[hbm4b:s22+s1] =	stream.indirect_vreg.scatter @!p1 [tilespmem:s20], [sflag:$0xC], $0x80, v7, vm1, $0xb8;
	[tilespmem:$0x1C480] =	vst v63  }
0x16d: {  	s8 =	smov.u32 s9;
	s28 =	rddreg [dreg:$0x6];
	s20 =	simm.s32 @!p1 $0x18C80  }
0x16e: {  	[hbm4b:s28+s1] =	stream.indirect_vreg.scatter @!p1 [tilespmem:s20], [sflag:$0xC], $0x80, v7, vm1, $0xb8;
	[tilespmem:$0x1C480] =	vst v63  }
0x16f: {  	s9 =	smov.u32 s10;
	s28 =	rddreg [dreg:$0xb];
	s20 =	simm.s32 @!p1 $0x19480  }
0x170: {  	[hbm4b:s28+s1] =	stream.indirect_vreg.scatter @!p1 [tilespmem:s20], [sflag:$0xC], $0x80, v7, vm1, $0xb8;
	[tilespmem:$0x1C480] =	vst v63  }
0x171: {  	s13 =	smov.u32 s30;
	s30 =	rddreg [dreg:$0xc];
	s20 =	simm.s32 @!p1 $0x19C80  }
0x172: {  	[hbm4b:s30+s1] =	stream.indirect_vreg.scatter @!p1 [tilespmem:s20], [sflag:$0xC], $0x80, v7, vm1, $0xb8;
	[tilespmem:$0x1C480] =	vst v63  }
0x173: {  	s10 =	smov.u32 s11;
	s11 =	smov.u32 s12;
	s20 =	simm.s32 @!p1 $0x1A480  }
0x174: {  	[hbm4b:s13+s1] =	stream.indirect_vreg.scatter @!p1 [tilespmem:s20], [sflag:$0xC], $0x80, v7, vm1, $0xb8;
	[tilespmem:$0x1C480] =	vst v63  }
0x175: {  	s12 =	smov.u32 s23;
	s23 =	rddreg [dreg:$0x9];
	s20 =	simm.s32 @!p1 $0x1AC80  }
0x176: {  	[hbm4b:s23+s1] =	stream.indirect_vreg.scatter @!p1 [tilespmem:s20], [sflag:$0xC], $0x80, v7, vm1, $0xb8;
	[tilespmem:$0x1C480] =	vst v63  }
0x177: {  	s28 =	rddreg [dreg:$0xa];
	s30 =	smov.u32 s13;
	s20 =	simm.s32 @!p1 $0x1B480  }
0x178: {  	[hbm4b:s28+s1] =	stream.indirect_vreg.scatter @!p1 [tilespmem:s20], [sflag:$0xC], $0x80, v7, vm1, $0xb8;
	[tilespmem:$0x1C480] =	vst v63  }
0x179: {  	s28 =	smov.u32 s29;
	s29 =	simm.s32 $0x4480;
	s20 =	simm.s32 @!p1 $0x1BC80  }
0x17a: {  	[hbm4b:s28+s1] =	stream.indirect_vreg.scatter @!p1 [tilespmem:s20], [sflag:$0xC], $0x80, v7, vm1, $0xb8;
	[tilespmem:$0x1C480] =	vst v63  }
.LBB2_18:
0x17b: {  	s1 =	sadd.s32 $0x2, s3  }
0x17c: {  	p1 =	sge.s32 s1, s24  }
.Ltmp13:
0x17d: {  	_ = 	snop;
	(pc) =	sbr.rel @p1 .LBB2_20-.Ltmp13, $1  }
0x17e: {  	_ =	sdelay $0x3  }
0x17f: {  	p2 =	seq.s32 s3, $0x0  }
0x180: {  	s20 =	simm.s32 @!p2 $0x9  }
0x181: {  	p1 =	slt.s32 s1, s25;
	s1 =	simm.s32 $0x4000;
	_ =	swait.ge @!p2 [sflag:s20], $0x4000  }
0x182: {  	s22 =	sshra.s32 s5, $0x2;
	s1 =	simm.s32 @!p1 $0x4200;
	[sflag:s20] =	ssyncset.done @!p2 $0x0  }
0x183: {  	s1 =	sadd.s32 s22, s1;
	[sflag:s20] =	ssyncadd.s32 @!p2 $0xFFFFC000  }
0x184: {  	v7 =	vld.msk [tilespmem:s1+$0x10], $0xff;
	_ =	sdelay $0x4  }
0x185: {  	v8 =	vshll.u32 v7, $0x4  }
0x186: {  	v7 =	vand.u32 $0x7, v7;
	v8 =	vand.u32 $0xFFFFFF80, v8  }
0x187: {  	v7 =	vor.u32 v7, v8  }
0x188: {  	v7 =	vperm.xlane v7, v5;
	_ =	sdelay $0x1  }
0x189: {  	v7 =	vadd.s32 v6, v7;
	_ =	sdelay $0x2  }
0x18a: {  	s1 =	rddreg [dreg:$0x1]  }
0x18b: {  	s13 =	simm.s32 $0xC480;
	s1 =	smov.u32 @p1 s26  }
0x18c: {  	[tilespmem:s13], [sflag:$0x3] =	stream.indirect_vreg.gather [hbm4b:s1+s31], $0x80, v7, vm0, $0xb8;
	[tilespmem:$0x1C480] =	vst v63  }
0x18d: {  	s1 =	smov.u32 s6;
	s13 =	rddreg [dreg:$0xd]  }
0x18e: {  	s20 =	simm.s32 $0xCC80;
	s1 =	smov.u32 @p1 s13  }
0x18f: {  	[tilespmem:s20], [sflag:$0x3] =	stream.indirect_vreg.gather [hbm4b:s1+s31], $0x80, v7, vm0, $0xb8;
	[tilespmem:$0x1C480] =	vst v63  }
0x190: {  	s1 =	smov.u32 s7  }
0x191: {  	s20 =	simm.s32 $0xD480;
	s1 =	smov.u32 @p1 s14  }
0x192: {  	[tilespmem:s20], [sflag:$0x3] =	stream.indirect_vreg.gather [hbm4b:s1+s31], $0x80, v7, vm0, $0xb8;
	[tilespmem:$0x1C480] =	vst v63  }
0x193: {  	s1 =	smov.u32 s8  }
0x194: {  	s20 =	simm.s32 $0xDC80;
	s1 =	smov.u32 @p1 s15  }
0x195: {  	[tilespmem:s20], [sflag:$0x3] =	stream.indirect_vreg.gather [hbm4b:s1+s31], $0x80, v7, vm0, $0xb8;
	[tilespmem:$0x1C480] =	vst v63  }
0x196: {  	s1 =	smov.u32 s9  }
0x197: {  	s20 =	simm.s32 $0xE480;
	s1 =	smov.u32 @p1 s16  }
0x198: {  	[tilespmem:s20], [sflag:$0x3] =	stream.indirect_vreg.gather [hbm4b:s1+s31], $0x80, v7, vm0, $0xb8;
	[tilespmem:$0x1C480] =	vst v63  }
0x199: {  	s1 =	smov.u32 s10  }
0x19a: {  	s20 =	simm.s32 $0xEC80;
	s1 =	smov.u32 @p1 s17  }
0x19b: {  	[tilespmem:s20], [sflag:$0x3] =	stream.indirect_vreg.gather [hbm4b:s1+s31], $0x80, v7, vm0, $0xb8;
	[tilespmem:$0x1C480] =	vst v63  }
0x19c: {  	s1 =	smov.u32 s11  }
0x19d: {  	s20 =	simm.s32 $0xF480;
	s1 =	smov.u32 @p1 s18  }
0x19e: {  	[tilespmem:s20], [sflag:$0x3] =	stream.indirect_vreg.gather [hbm4b:s1+s31], $0x80, v7, vm0, $0xb8;
	[tilespmem:$0x1C480] =	vst v63  }
0x19f: {  	s1 =	smov.u32 s12  }
0x1a0: {  	s20 =	simm.s32 $0xFC80;
	s1 =	smov.u32 @p1 s19  }
0x1a1: {  	[tilespmem:s20], [sflag:$0x3] =	stream.indirect_vreg.gather [hbm4b:s1+s31], $0x80, v7, vm0, $0xb8;
	[tilespmem:$0x1C480] =	vst v63  }
0x1a2: {  	s20 =	simm.s32 $0x1  }
0x1a3: {  	_ =	swait.ge [sflag:s20], $0x4000  }
0x1a4: {  	[sflag:s20] =	ssyncset.done $0x0  }
0x1a5: {  	[sflag:s20] =	ssyncadd.s32 $0xFFFFC000  }
0x1a6: {  	v7 =	vld.msk [tilespmem:s22+$0x4200], $0xff;
	_ =	sdelay $0x4  }
0x1a7: {  	v8 =	vshll.u32 v7, $0x4  }
0x1a8: {  	v7 =	vand.u32 $0x7, v7;
	v8 =	vand.u32 $0xFFFFFF80, v8  }
0x1a9: {  	v7 =	vor.u32 v7, v8  }
0x1aa: {  	v7 =	vperm.xlane v7, v5;
	_ =	sdelay $0x1  }
0x1ab: {  	v7 =	vadd.s32 v6, v7;
	_ =	sdelay $0x3  }
0x1ac: {  	s22 =	rddreg [dreg:$0x3]  }
0x1ad: {  	[hbm4b:s22+s31] =	stream.indirect_vreg.scatter [tilespmem:s29], [sflag:$0x7], $0x80, v7, vm0, $0xb8;
	[tilespmem:$0x1C480] =	vst v63  }
0x1ae: {  	s13 =	rddreg [dreg:$0x6];
	s20 =	simm.s32 $0x4C80  }
0x1af: {  	[hbm4b:s13+s31] =	stream.indirect_vreg.scatter [tilespmem:s20], [sflag:$0x7], $0x80, v7, vm0, $0xb8;
	[tilespmem:$0x1C480] =	vst v63  }
0x1b0: {  	s13 =	rddreg [dreg:$0xb];
	s20 =	simm.s32 $0x5480  }
0x1b1: {  	[hbm4b:s13+s31] =	stream.indirect_vreg.scatter [tilespmem:s20], [sflag:$0x7], $0x80, v7, vm0, $0xb8;
	[tilespmem:$0x1C480] =	vst v63  }
0x1b2: {  	s13 =	rddreg [dreg:$0xc];
	s20 =	simm.s32 $0x5C80  }
0x1b3: {  	[hbm4b:s13+s31] =	stream.indirect_vreg.scatter [tilespmem:s20], [sflag:$0x7], $0x80, v7, vm0, $0xb8;
	[tilespmem:$0x1C480] =	vst v63  }
0x1b4: {  	s13 =	simm.s32 $0x6480  }
0x1b5: {  	[hbm4b:s30+s31] =	stream.indirect_vreg.scatter [tilespmem:s13], [sflag:$0x7], $0x80, v7, vm0, $0xb8;
	[tilespmem:$0x1C480] =	vst v63  }
0x1b6: {  	s20 =	simm.s32 $0x6C80  }
0x1b7: {  	[hbm4b:s23+s31] =	stream.indirect_vreg.scatter [tilespmem:s20], [sflag:$0x7], $0x80, v7, vm0, $0xb8;
	[tilespmem:$0x1C480] =	vst v63  }
0x1b8: {  	s13 =	rddreg [dreg:$0xa];
	s20 =	simm.s32 $0x7480  }
0x1b9: {  	[hbm4b:s13+s31] =	stream.indirect_vreg.scatter [tilespmem:s20], [sflag:$0x7], $0x80, v7, vm0, $0xb8;
	[tilespmem:$0x1C480] =	vst v63  }
0x1ba: {  	s20 =	simm.s32 $0x7C80  }
0x1bb: {  	[hbm4b:s28+s31] =	stream.indirect_vreg.scatter [tilespmem:s20], [sflag:$0x7], $0x80, v7, vm0, $0xb8;
	[tilespmem:$0x1C480] =	vst v63  }
.LBB2_20:
0x1bc: {  	s1 =	sadd.s32 $0x3, s3  }
0x1bd: {  	p1 =	sge.s32 s1, s24  }
.Ltmp14:
0x1be: {  	_ = 	snop;
	(pc) =	sbr.rel @p1 .LBB2_22-.Ltmp14, $1  }
0x1bf: {  	_ =	sdelay $0x3  }
0x1c0: {  	p2 =	seq.s32 s3, $0x0  }
0x1c1: {  	s20 =	simm.s32 @!p2 $0xA  }
0x1c2: {  	p1 =	slt.s32 s1, s25;
	s1 =	simm.s32 $0x4000;
	_ =	swait.ge @!p2 [sflag:s20], $0x4000  }
0x1c3: {  	s22 =	sshra.s32 s5, $0x2;
	s1 =	simm.s32 @!p1 $0x4200;
	[sflag:s20] =	ssyncset.done @!p2 $0x0  }
0x1c4: {  	s1 =	sadd.s32 s22, s1;
	[sflag:s20] =	ssyncadd.s32 @!p2 $0xFFFFC000  }
0x1c5: {  	v7 =	vld.msk [tilespmem:s1+$0x18], $0xff;
	_ =	sdelay $0x4  }
0x1c6: {  	v8 =	vshll.u32 v7, $0x4  }
0x1c7: {  	v7 =	vand.u32 $0x7, v7;
	v8 =	vand.u32 $0xFFFFFF80, v8  }
0x1c8: {  	v7 =	vor.u32 v7, v8  }
0x1c9: {  	v7 =	vperm.xlane v7, v5;
	_ =	sdelay $0x1  }
0x1ca: {  	v7 =	vadd.s32 v6, v7;
	_ =	sdelay $0x2  }
0x1cb: {  	s1 =	rddreg [dreg:$0x1]  }
0x1cc: {  	s13 =	simm.s32 $0x10480;
	s1 =	smov.u32 @p1 s26  }
0x1cd: {  	[tilespmem:s13], [sflag:$0x4] =	stream.indirect_vreg.gather [hbm4b:s1+s31], $0x80, v7, vm0, $0xb8;
	[tilespmem:$0x1C480] =	vst v63  }
0x1ce: {  	s1 =	smov.u32 s6;
	s13 =	rddreg [dreg:$0xd]  }
0x1cf: {  	s20 =	simm.s32 $0x10C80;
	s1 =	smov.u32 @p1 s13  }
0x1d0: {  	[tilespmem:s20], [sflag:$0x4] =	stream.indirect_vreg.gather [hbm4b:s1+s31], $0x80, v7, vm0, $0xb8;
	[tilespmem:$0x1C480] =	vst v63  }
0x1d1: {  	s1 =	smov.u32 s7  }
0x1d2: {  	s20 =	simm.s32 $0x11480;
	s1 =	smov.u32 @p1 s14  }
0x1d3: {  	[tilespmem:s20], [sflag:$0x4] =	stream.indirect_vreg.gather [hbm4b:s1+s31], $0x80, v7, vm0, $0xb8;
	[tilespmem:$0x1C480] =	vst v63  }
0x1d4: {  	s1 =	smov.u32 s8  }
0x1d5: {  	s20 =	simm.s32 $0x11C80;
	s1 =	smov.u32 @p1 s15  }
0x1d6: {  	[tilespmem:s20], [sflag:$0x4] =	stream.indirect_vreg.gather [hbm4b:s1+s31], $0x80, v7, vm0, $0xb8;
	[tilespmem:$0x1C480] =	vst v63  }
0x1d7: {  	s1 =	smov.u32 s9  }
0x1d8: {  	s20 =	simm.s32 $0x12480;
	s1 =	smov.u32 @p1 s16  }
0x1d9: {  	[tilespmem:s20], [sflag:$0x4] =	stream.indirect_vreg.gather [hbm4b:s1+s31], $0x80, v7, vm0, $0xb8;
	[tilespmem:$0x1C480] =	vst v63  }
0x1da: {  	s1 =	smov.u32 s10  }
0x1db: {  	s20 =	simm.s32 $0x12C80;
	s1 =	smov.u32 @p1 s17  }
0x1dc: {  	[tilespmem:s20], [sflag:$0x4] =	stream.indirect_vreg.gather [hbm4b:s1+s31], $0x80, v7, vm0, $0xb8;
	[tilespmem:$0x1C480] =	vst v63  }
0x1dd: {  	s1 =	smov.u32 s11  }
0x1de: {  	s20 =	simm.s32 $0x13480;
	s1 =	smov.u32 @p1 s18  }
0x1df: {  	[tilespmem:s20], [sflag:$0x4] =	stream.indirect_vreg.gather [hbm4b:s1+s31], $0x80, v7, vm0, $0xb8;
	[tilespmem:$0x1C480] =	vst v63  }
0x1e0: {  	s1 =	smov.u32 s12  }
0x1e1: {  	s20 =	simm.s32 $0x13C80;
	s1 =	smov.u32 @p1 s19  }
0x1e2: {  	[tilespmem:s20], [sflag:$0x4] =	stream.indirect_vreg.gather [hbm4b:s1+s31], $0x80, v7, vm0, $0xb8;
	[tilespmem:$0x1C480] =	vst v63  }
0x1e3: {  	s1 =	simm.s32 $0x2  }
0x1e4: {  	s22 =	rddreg [dreg:$0x3];
	_ =	swait.ge [sflag:s1], $0x4000  }
0x1e5: {  	s20 =	sshll.u32 s2, $0x5;
	[sflag:s1] =	ssyncset.done $0x0  }
0x1e6: {  	[sflag:s1] =	ssyncadd.s32 $0xFFFFC000;
	s1 =	sshra.s32 s20, $0x2  }
0x1e7: {  	v7 =	vld.msk [tilespmem:s1+$0x4200], $0xff;
	_ =	sdelay $0x4  }
0x1e8: {  	v8 =	vshll.u32 v7, $0x4  }
0x1e9: {  	v7 =	vand.u32 $0x7, v7;
	v8 =	vand.u32 $0xFFFFFF80, v8  }
0x1ea: {  	v7 =	vor.u32 v7, v8  }
0x1eb: {  	v7 =	vperm.xlane v7, v5;
	_ =	sdelay $0x1  }
0x1ec: {  	v7 =	vadd.s32 v6, v7;
	_ =	sdelay $0x3  }
0x1ed: {  	s2 =	simm.s32 $0x8480  }
0x1ee: {  	[hbm4b:s22+s31] =	stream.indirect_vreg.scatter [tilespmem:s2], [sflag:$0x8], $0x80, v7, vm0, $0xb8;
	[tilespmem:$0x1C480] =	vst v63  }
0x1ef: {  	s13 =	rddreg [dreg:$0x6];
	s20 =	simm.s32 $0x8C80  }
0x1f0: {  	[hbm4b:s13+s31] =	stream.indirect_vreg.scatter [tilespmem:s20], [sflag:$0x8], $0x80, v7, vm0, $0xb8;
	[tilespmem:$0x1C480] =	vst v63  }
0x1f1: {  	s13 =	rddreg [dreg:$0xb];
	s20 =	simm.s32 $0x9480  }
0x1f2: {  	[hbm4b:s13+s31] =	stream.indirect_vreg.scatter [tilespmem:s20], [sflag:$0x8], $0x80, v7, vm0, $0xb8;
	[tilespmem:$0x1C480] =	vst v63  }
0x1f3: {  	s13 =	rddreg [dreg:$0xc];
	s20 =	simm.s32 $0x9C80  }
0x1f4: {  	[hbm4b:s13+s31] =	stream.indirect_vreg.scatter [tilespmem:s20], [sflag:$0x8], $0x80, v7, vm0, $0xb8;
	[tilespmem:$0x1C480] =	vst v63  }
0x1f5: {  	s13 =	simm.s32 $0xA480  }
0x1f6: {  	[hbm4b:s30+s31] =	stream.indirect_vreg.scatter [tilespmem:s13], [sflag:$0x8], $0x80, v7, vm0, $0xb8;
	[tilespmem:$0x1C480] =	vst v63  }
0x1f7: {  	s20 =	simm.s32 $0xAC80  }
0x1f8: {  	[hbm4b:s23+s31] =	stream.indirect_vreg.scatter [tilespmem:s20], [sflag:$0x8], $0x80, v7, vm0, $0xb8;
	[tilespmem:$0x1C480] =	vst v63  }
0x1f9: {  	s2 =	rddreg [dreg:$0xa];
	s13 =	simm.s32 $0xB480  }
0x1fa: {  	[hbm4b:s2+s31] =	stream.indirect_vreg.scatter [tilespmem:s13], [sflag:$0x8], $0x80, v7, vm0, $0xb8;
	[tilespmem:$0x1C480] =	vst v63  }
0x1fb: {  	s20 =	simm.s32 $0xBC80  }
0x1fc: {  	[hbm4b:s28+s31] =	stream.indirect_vreg.scatter [tilespmem:s20], [sflag:$0x8], $0x80, v7, vm0, $0xb8;
	[tilespmem:$0x1C480] =	vst v63  }
.LBB2_22:
0x1fd: {  	s1 =	sadd.s32 $0x4, s3  }
0x1fe: {  	p1 =	sge.s32 s1, s24  }
.Ltmp15:
0x1ff: {  	_ = 	snop;
	(pc) =	sbr.rel @p1 .LBB2_24-.Ltmp15, $1  }
0x200: {  	_ =	sdelay $0x3  }
0x201: {  	p2 =	seq.s32 s3, $0x0  }
0x202: {  	s2 =	simm.s32 @!p2 $0xB  }
0x203: {  	p1 =	slt.s32 s1, s25;
	s1 =	simm.s32 $0x4000;
	_ =	swait.ge @!p2 [sflag:s2], $0x4000  }
0x204: {  	s20 =	sshra.s32 s5, $0x2;
	s1 =	simm.s32 @!p1 $0x4200;
	[sflag:s2] =	ssyncset.done @!p2 $0x0  }
0x205: {  	s1 =	sadd.s32 s20, s1;
	[sflag:s2] =	ssyncadd.s32 @!p2 $0xFFFFC000  }
0x206: {  	v7 =	vld.msk [tilespmem:s1+$0x20], $0xff;
	_ =	sdelay $0x4  }
0x207: {  	v8 =	vshll.u32 v7, $0x4  }
0x208: {  	v7 =	vand.u32 $0x7, v7;
	v8 =	vand.u32 $0xFFFFFF80, v8  }
0x209: {  	v7 =	vor.u32 v7, v8  }
0x20a: {  	v7 =	vperm.xlane v7, v5;
	_ =	sdelay $0x1  }
0x20b: {  	v7 =	vadd.s32 v6, v7;
	_ =	sdelay $0x2  }
0x20c: {  	s1 =	rddreg [dreg:$0x1]  }
0x20d: {  	s13 =	simm.s32 $0x14480;
	s1 =	smov.u32 @p1 s26  }
0x20e: {  	[tilespmem:s13], [sflag:$0x5] =	stream.indirect_vreg.gather [hbm4b:s1+s31], $0x80, v7, vm0, $0xb8;
	[tilespmem:$0x1C480] =	vst v63  }
0x20f: {  	s2 =	rddreg [dreg:$0xd];
	s1 =	smov.u32 s6  }
0x210: {  	s13 =	simm.s32 $0x14C80;
	s1 =	smov.u32 @p1 s2  }
0x211: {  	[tilespmem:s13], [sflag:$0x5] =	stream.indirect_vreg.gather [hbm4b:s1+s31], $0x80, v7, vm0, $0xb8;
	[tilespmem:$0x1C480] =	vst v63  }
0x212: {  	s1 =	smov.u32 s7  }
0x213: {  	s13 =	simm.s32 $0x15480;
	s1 =	smov.u32 @p1 s14  }
0x214: {  	[tilespmem:s13], [sflag:$0x5] =	stream.indirect_vreg.gather [hbm4b:s1+s31], $0x80, v7, vm0, $0xb8;
	[tilespmem:$0x1C480] =	vst v63  }
0x215: {  	s1 =	smov.u32 s8  }
0x216: {  	s13 =	simm.s32 $0x15C80;
	s1 =	smov.u32 @p1 s15  }
0x217: {  	[tilespmem:s13], [sflag:$0x5] =	stream.indirect_vreg.gather [hbm4b:s1+s31], $0x80, v7, vm0, $0xb8;
	[tilespmem:$0x1C480] =	vst v63  }
0x218: {  	s1 =	smov.u32 s9  }
0x219: {  	s13 =	simm.s32 $0x16480;
	s1 =	smov.u32 @p1 s16  }
0x21a: {  	[tilespmem:s13], [sflag:$0x5] =	stream.indirect_vreg.gather [hbm4b:s1+s31], $0x80, v7, vm0, $0xb8;
	[tilespmem:$0x1C480] =	vst v63  }
0x21b: {  	s1 =	smov.u32 s10  }
0x21c: {  	s13 =	simm.s32 $0x16C80;
	s1 =	smov.u32 @p1 s17  }
0x21d: {  	[tilespmem:s13], [sflag:$0x5] =	stream.indirect_vreg.gather [hbm4b:s1+s31], $0x80, v7, vm0, $0xb8;
	[tilespmem:$0x1C480] =	vst v63  }
0x21e: {  	s1 =	smov.u32 s11  }
0x21f: {  	s13 =	simm.s32 $0x17480;
	s1 =	smov.u32 @p1 s18  }
0x220: {  	[tilespmem:s13], [sflag:$0x5] =	stream.indirect_vreg.gather [hbm4b:s1+s31], $0x80, v7, vm0, $0xb8;
	[tilespmem:$0x1C480] =	vst v63  }
0x221: {  	s1 =	smov.u32 s12  }
0x222: {  	s13 =	simm.s32 $0x17C80;
	s1 =	smov.u32 @p1 s19  }
0x223: {  	[tilespmem:s13], [sflag:$0x5] =	stream.indirect_vreg.gather [hbm4b:s1+s31], $0x80, v7, vm0, $0xb8;
	[tilespmem:$0x1C480] =	vst v63  }
0x224: {  	s13 =	simm.s32 $0x3  }
0x225: {  	_ =	swait.ge [sflag:s13], $0x4000  }
0x226: {  	[sflag:s13] =	ssyncset.done $0x0  }
0x227: {  	[sflag:s13] =	ssyncadd.s32 $0xFFFFC000  }
0x228: {  	v7 =	vld.msk [tilespmem:s20+$0x4210], $0xff;
	_ =	sdelay $0x4  }
0x229: {  	v8 =	vshll.u32 v7, $0x4  }
0x22a: {  	v7 =	vand.u32 $0x7, v7;
	v8 =	vand.u32 $0xFFFFFF80, v8  }
0x22b: {  	v7 =	vor.u32 v7, v8  }
0x22c: {  	v7 =	vperm.xlane v7, v5;
	_ =	sdelay $0x1  }
0x22d: {  	v7 =	vadd.s32 v6, v7;
	_ =	sdelay $0x3  }
0x22e: {  	s2 =	simm.s32 $0xC480  }
0x22f: {  	[hbm4b:s22+s31] =	stream.indirect_vreg.scatter [tilespmem:s2], [sflag:$0x9], $0x80, v7, vm0, $0xb8;
	[tilespmem:$0x1C480] =	vst v63  }
0x230: {  	s13 =	rddreg [dreg:$0x6];
	s20 =	simm.s32 $0xCC80  }
0x231: {  	[hbm4b:s13+s31] =	stream.indirect_vreg.scatter [tilespmem:s20], [sflag:$0x9], $0x80, v7, vm0, $0xb8;
	[tilespmem:$0x1C480] =	vst v63  }
0x232: {  	s13 =	rddreg [dreg:$0xb];
	s20 =	simm.s32 $0xD480  }
0x233: {  	[hbm4b:s13+s31] =	stream.indirect_vreg.scatter [tilespmem:s20], [sflag:$0x9], $0x80, v7, vm0, $0xb8;
	[tilespmem:$0x1C480] =	vst v63  }
0x234: {  	s13 =	rddreg [dreg:$0xc];
	s20 =	simm.s32 $0xDC80  }
0x235: {  	[hbm4b:s13+s31] =	stream.indirect_vreg.scatter [tilespmem:s20], [sflag:$0x9], $0x80, v7, vm0, $0xb8;
	[tilespmem:$0x1C480] =	vst v63  }
0x236: {  	s13 =	simm.s32 $0xE480  }
0x237: {  	[hbm4b:s30+s31] =	stream.indirect_vreg.scatter [tilespmem:s13], [sflag:$0x9], $0x80, v7, vm0, $0xb8;
	[tilespmem:$0x1C480] =	vst v63  }
0x238: {  	s20 =	simm.s32 $0xEC80  }
0x239: {  	[hbm4b:s23+s31] =	stream.indirect_vreg.scatter [tilespmem:s20], [sflag:$0x9], $0x80, v7, vm0, $0xb8;
	[tilespmem:$0x1C480] =	vst v63  }
0x23a: {  	s2 =	rddreg [dreg:$0xa];
	s13 =	simm.s32 $0xF480  }
0x23b: {  	[hbm4b:s2+s31] =	stream.indirect_vreg.scatter [tilespmem:s13], [sflag:$0x9], $0x80, v7, vm0, $0xb8;
	[tilespmem:$0x1C480] =	vst v63  }
0x23c: {  	s20 =	simm.s32 $0xFC80  }
0x23d: {  	[hbm4b:s28+s31] =	stream.indirect_vreg.scatter [tilespmem:s20], [sflag:$0x9], $0x80, v7, vm0, $0xb8;
	[tilespmem:$0x1C480] =	vst v63  }
.LBB2_24:
0x23e: {  	s1 =	sadd.s32 $0x5, s3  }
0x23f: {  	p1 =	sge.s32 s1, s24  }
.Ltmp16:
0x240: {  	_ = 	snop;
	(pc) =	sbr.rel @p1 .LBB2_26-.Ltmp16, $1  }
0x241: {  	_ =	sdelay $0x3  }
0x242: {  	p2 =	seq.s32 s3, $0x0  }
0x243: {  	s2 =	simm.s32 @!p2 $0xC  }
0x244: {  	p1 =	slt.s32 s1, s25;
	s1 =	simm.s32 $0x4000;
	_ =	swait.ge @!p2 [sflag:s2], $0x4000  }
0x245: {  	s20 =	sshra.s32 s5, $0x2;
	s1 =	simm.s32 @!p1 $0x4200;
	[sflag:s2] =	ssyncset.done @!p2 $0x0  }
0x246: {  	s1 =	sadd.s32 s20, s1;
	[sflag:s2] =	ssyncadd.s32 @!p2 $0xFFFFC000  }
0x247: {  	v7 =	vld.msk [tilespmem:s1+$0x28], $0xff;
	_ =	sdelay $0x4  }
0x248: {  	v8 =	vshll.u32 v7, $0x4  }
0x249: {  	v7 =	vand.u32 $0x7, v7;
	v8 =	vand.u32 $0xFFFFFF80, v8  }
0x24a: {  	v7 =	vor.u32 v7, v8  }
0x24b: {  	v7 =	vperm.xlane v7, v5;
	_ =	sdelay $0x1  }
0x24c: {  	v7 =	vadd.s32 v6, v7;
	_ =	sdelay $0x2  }
0x24d: {  	s1 =	rddreg [dreg:$0x1]  }
0x24e: {  	s13 =	simm.s32 $0x18480;
	s1 =	smov.u32 @p1 s26  }
0x24f: {  	[tilespmem:s13], [sflag:$0x6] =	stream.indirect_vreg.gather [hbm4b:s1+s31], $0x80, v7, vm0, $0xb8;
	[tilespmem:$0x1C480] =	vst v63  }
0x250: {  	s2 =	rddreg [dreg:$0xd];
	s1 =	smov.u32 s6  }
0x251: {  	s13 =	simm.s32 $0x18C80;
	s1 =	smov.u32 @p1 s2  }
0x252: {  	[tilespmem:s13], [sflag:$0x6] =	stream.indirect_vreg.gather [hbm4b:s1+s31], $0x80, v7, vm0, $0xb8;
	[tilespmem:$0x1C480] =	vst v63  }
0x253: {  	s1 =	smov.u32 s7  }
0x254: {  	s13 =	simm.s32 $0x19480;
	s1 =	smov.u32 @p1 s14  }
0x255: {  	[tilespmem:s13], [sflag:$0x6] =	stream.indirect_vreg.gather [hbm4b:s1+s31], $0x80, v7, vm0, $0xb8;
	[tilespmem:$0x1C480] =	vst v63  }
0x256: {  	s1 =	smov.u32 s8  }
0x257: {  	s13 =	simm.s32 $0x19C80;
	s1 =	smov.u32 @p1 s15  }
0x258: {  	[tilespmem:s13], [sflag:$0x6] =	stream.indirect_vreg.gather [hbm4b:s1+s31], $0x80, v7, vm0, $0xb8;
	[tilespmem:$0x1C480] =	vst v63  }
0x259: {  	s1 =	smov.u32 s9  }
0x25a: {  	s13 =	simm.s32 $0x1A480;
	s1 =	smov.u32 @p1 s16  }
0x25b: {  	[tilespmem:s13], [sflag:$0x6] =	stream.indirect_vreg.gather [hbm4b:s1+s31], $0x80, v7, vm0, $0xb8;
	[tilespmem:$0x1C480] =	vst v63  }
0x25c: {  	s1 =	smov.u32 s10  }
0x25d: {  	s13 =	simm.s32 $0x1AC80;
	s1 =	smov.u32 @p1 s17  }
0x25e: {  	[tilespmem:s13], [sflag:$0x6] =	stream.indirect_vreg.gather [hbm4b:s1+s31], $0x80, v7, vm0, $0xb8;
	[tilespmem:$0x1C480] =	vst v63  }
0x25f: {  	s1 =	smov.u32 s11  }
0x260: {  	s13 =	simm.s32 $0x1B480;
	s1 =	smov.u32 @p1 s18  }
0x261: {  	[tilespmem:s13], [sflag:$0x6] =	stream.indirect_vreg.gather [hbm4b:s1+s31], $0x80, v7, vm0, $0xb8;
	[tilespmem:$0x1C480] =	vst v63  }
0x262: {  	s1 =	smov.u32 s12  }
0x263: {  	s13 =	simm.s32 $0x1BC80;
	s1 =	smov.u32 @p1 s19  }
0x264: {  	[tilespmem:s13], [sflag:$0x6] =	stream.indirect_vreg.gather [hbm4b:s1+s31], $0x80, v7, vm0, $0xb8;
	[tilespmem:$0x1C480] =	vst v63  }
0x265: {  	s13 =	simm.s32 $0x4  }
0x266: {  	_ =	swait.ge [sflag:s13], $0x4000  }
0x267: {  	[sflag:s13] =	ssyncset.done $0x0  }
0x268: {  	[sflag:s13] =	ssyncadd.s32 $0xFFFFC000  }
0x269: {  	v7 =	vld.msk [tilespmem:s20+$0x4218], $0xff;
	_ =	sdelay $0x4  }
0x26a: {  	v8 =	vshll.u32 v7, $0x4  }
0x26b: {  	v7 =	vand.u32 $0x7, v7;
	v8 =	vand.u32 $0xFFFFFF80, v8  }
0x26c: {  	v7 =	vor.u32 v7, v8  }
0x26d: {  	v7 =	vperm.xlane v7, v5;
	_ =	sdelay $0x1  }
0x26e: {  	v7 =	vadd.s32 v6, v7;
	_ =	sdelay $0x3  }
0x26f: {  	s2 =	simm.s32 $0x10480  }
0x270: {  	[hbm4b:s22+s31] =	stream.indirect_vreg.scatter [tilespmem:s2], [sflag:$0xA], $0x80, v7, vm0, $0xb8;
	[tilespmem:$0x1C480] =	vst v63  }
0x271: {  	s13 =	rddreg [dreg:$0x6];
	s20 =	simm.s32 $0x10C80  }
0x272: {  	[hbm4b:s13+s31] =	stream.indirect_vreg.scatter [tilespmem:s20], [sflag:$0xA], $0x80, v7, vm0, $0xb8;
	[tilespmem:$0x1C480] =	vst v63  }
0x273: {  	s13 =	rddreg [dreg:$0xb];
	s20 =	simm.s32 $0x11480  }
0x274: {  	[hbm4b:s13+s31] =	stream.indirect_vreg.scatter [tilespmem:s20], [sflag:$0xA], $0x80, v7, vm0, $0xb8;
	[tilespmem:$0x1C480] =	vst v63  }
0x275: {  	s13 =	rddreg [dreg:$0xc];
	s20 =	simm.s32 $0x11C80  }
0x276: {  	[hbm4b:s13+s31] =	stream.indirect_vreg.scatter [tilespmem:s20], [sflag:$0xA], $0x80, v7, vm0, $0xb8;
	[tilespmem:$0x1C480] =	vst v63  }
0x277: {  	s13 =	simm.s32 $0x12480  }
0x278: {  	[hbm4b:s30+s31] =	stream.indirect_vreg.scatter [tilespmem:s13], [sflag:$0xA], $0x80, v7, vm0, $0xb8;
	[tilespmem:$0x1C480] =	vst v63  }
0x279: {  	s20 =	simm.s32 $0x12C80  }
0x27a: {  	[hbm4b:s23+s31] =	stream.indirect_vreg.scatter [tilespmem:s20], [sflag:$0xA], $0x80, v7, vm0, $0xb8;
	[tilespmem:$0x1C480] =	vst v63  }
.Ltmp17:
0x27b: {  	_ = 	snop;
	(pc) =	sbr.rel .LBB2_26-.Ltmp17, $4  }
0x27c: {  	s2 =	rddreg [dreg:$0xa];
	s13 =	simm.s32 $0x13480  }
0x27d: {  	[hbm4b:s2+s31] =	stream.indirect_vreg.scatter [tilespmem:s13], [sflag:$0xA], $0x80, v7, vm0, $0xb8;
	[tilespmem:$0x1C480] =	vst v63  }
0x27e: {  	s20 =	simm.s32 $0x13C80  }
0x27f: {  	[hbm4b:s28+s31] =	stream.indirect_vreg.scatter [tilespmem:s20], [sflag:$0xA], $0x80, v7, vm0, $0xb8;
	[tilespmem:$0x1C480] =	vst v63  }
.LBB2_54:
0x280: {  	p1 =	sgt.u32 s24, $0x1  }
.Ltmp18:
0x281: {  	_ = 	snop;
	(pc) =	sbr.rel @p1 .LBB2_17-.Ltmp18, $4  }
.Ltmp19:
0x282: {  	_ = 	snop;
	(pc) =	sbr.rel @!p1 .LBB2_18-.Ltmp19, $4  }
0x283: {  	_ = 	snop  }
0x284: {  	_ = 	snop  }
0x285: {  	s2 =	simm.s32 $0x1  }
0x286: {  	_ = 	snop  }
.LBB2_29:
0x287: {  	p2 =	sne.s32 @!p0 s1, $0x1  }
0x288: {  	p2 =	por p0, p2  }
.Ltmp20:
0x289: {  	_ = 	snop;
	(pc) =	sbr.rel @p2 .LBB2_31-.Ltmp20, $1  }
0x28a: {  	_ =	sdelay $0x3  }
0x28b: {  	s1 =	simm.s32 $0x2  }
0x28c: {  	_ =	swait.ge [sflag:s1], $0x4000  }
0x28d: {  	s0 =	sshll.u32 s0, $0x5;
	[sflag:s1] =	ssyncset.done $0x0  }
0x28e: {  	s0 =	sshra.s32 s0, $0x2;
	[sflag:s1] =	ssyncadd.s32 $0xFFFFC000  }
0x28f: {  	v7 =	vld.msk [tilespmem:s0+$0x4200], $0xff;
	_ =	sdelay $0x4  }
0x290: {  	v8 =	vshll.u32 v7, $0x4  }
0x291: {  	v7 =	vand.u32 $0x7, v7;
	v8 =	vand.u32 $0xFFFFFF80, v8  }
0x292: {  	v7 =	vor.u32 v7, v8  }
0x293: {  	v7 =	vperm.xlane v7, v5;
	_ =	sdelay $0x1  }
0x294: {  	v7 =	vadd.s32 v6, v7;
	_ =	sdelay $0x3  }
0x295: {  	s5 =	simm.s32 $0x8480  }
0x296: {  	[hbm4b:s22+s31] =	stream.indirect_vreg.scatter [tilespmem:s5], [sflag:$0x8], $0x80, v7, vm0, $0xb8;
	[tilespmem:$0x1C480] =	vst v63  }
0x297: {  	s20 =	simm.s32 $0x8C80;
	s13 =	rddreg [dreg:$0x6]  }
0x298: {  	[hbm4b:s13+s31] =	stream.indirect_vreg.scatter [tilespmem:s20], [sflag:$0x8], $0x80, v7, vm0, $0xb8;
	[tilespmem:$0x1C480] =	vst v63  }
0x299: {  	s26 =	simm.s32 $0x9480;
	s25 =	rddreg [dreg:$0xb]  }
0x29a: {  	[hbm4b:s25+s31] =	stream.indirect_vreg.scatter [tilespmem:s26], [sflag:$0x8], $0x80, v7, vm0, $0xb8;
	[tilespmem:$0x1C480] =	vst v63  }
0x29b: {  	s3 =	simm.s32 $0x9C80;
	s2 =	rddreg [dreg:$0xc]  }
0x29c: {  	[hbm4b:s2+s31] =	stream.indirect_vreg.scatter [tilespmem:s3], [sflag:$0x8], $0x80, v7, vm0, $0xb8;
	[tilespmem:$0x1C480] =	vst v63  }
0x29d: {  	s5 =	simm.s32 $0xA480  }
0x29e: {  	[hbm4b:s30+s31] =	stream.indirect_vreg.scatter [tilespmem:s5], [sflag:$0x8], $0x80, v7, vm0, $0xb8;
	[tilespmem:$0x1C480] =	vst v63  }
0x29f: {  	s13 =	simm.s32 $0xAC80  }
0x2a0: {  	[hbm4b:s23+s31] =	stream.indirect_vreg.scatter [tilespmem:s13], [sflag:$0x8], $0x80, v7, vm0, $0xb8;
	[tilespmem:$0x1C480] =	vst v63  }
.Ltmp21:
0x2a1: {  	_ = 	snop;
	(pc) =	sbr.rel .LBB2_38-.Ltmp21, $4  }
0x2a2: {  	s20 =	rddreg [dreg:$0xa];
	s25 =	simm.s32 $0xB480  }
0x2a3: {  	[hbm4b:s20+s31] =	stream.indirect_vreg.scatter [tilespmem:s25], [sflag:$0x8], $0x80, v7, vm0, $0xb8;
	[tilespmem:$0x1C480] =	vst v63  }
0x2a4: {  	s26 =	simm.s32 $0xBC80  }
0x2a5: {  	[hbm4b:s28+s31] =	stream.indirect_vreg.scatter [tilespmem:s26], [sflag:$0x8], $0x80, v7, vm0, $0xb8;
	[tilespmem:$0x1C480] =	vst v63  }
.LBB2_31:
0x2a6: {  	p2 =	sne.s32 @!p0 s1, $0x2  }
0x2a7: {  	p2 =	por p0, p2  }
.Ltmp22:
0x2a8: {  	_ = 	snop;
	(pc) =	sbr.rel @p2 .LBB2_33-.Ltmp22, $1  }
0x2a9: {  	_ =	sdelay $0x3  }
0x2aa: {  	s1 =	simm.s32 $0x3  }
0x2ab: {  	_ =	swait.ge [sflag:s1], $0x4000  }
0x2ac: {  	s0 =	sshll.u32 s0, $0x5;
	[sflag:s1] =	ssyncset.done $0x0  }
0x2ad: {  	s0 =	sshra.s32 s0, $0x2;
	[sflag:s1] =	ssyncadd.s32 $0xFFFFC000  }
0x2ae: {  	v7 =	vld.msk [tilespmem:s0+$0x4200], $0xff;
	_ =	sdelay $0x4  }
0x2af: {  	v8 =	vshll.u32 v7, $0x4  }
0x2b0: {  	v7 =	vand.u32 $0x7, v7;
	v8 =	vand.u32 $0xFFFFFF80, v8  }
0x2b1: {  	v7 =	vor.u32 v7, v8  }
0x2b2: {  	v7 =	vperm.xlane v7, v5;
	_ =	sdelay $0x1  }
0x2b3: {  	v7 =	vadd.s32 v6, v7;
	_ =	sdelay $0x3  }
0x2b4: {  	s5 =	simm.s32 $0xC480  }
0x2b5: {  	[hbm4b:s22+s31] =	stream.indirect_vreg.scatter [tilespmem:s5], [sflag:$0x9], $0x80, v7, vm0, $0xb8;
	[tilespmem:$0x1C480] =	vst v63  }
0x2b6: {  	s20 =	simm.s32 $0xCC80;
	s13 =	rddreg [dreg:$0x6]  }
0x2b7: {  	[hbm4b:s13+s31] =	stream.indirect_vreg.scatter [tilespmem:s20], [sflag:$0x9], $0x80, v7, vm0, $0xb8;
	[tilespmem:$0x1C480] =	vst v63  }
0x2b8: {  	s26 =	simm.s32 $0xD480;
	s25 =	rddreg [dreg:$0xb]  }
0x2b9: {  	[hbm4b:s25+s31] =	stream.indirect_vreg.scatter [tilespmem:s26], [sflag:$0x9], $0x80, v7, vm0, $0xb8;
	[tilespmem:$0x1C480] =	vst v63  }
0x2ba: {  	s3 =	simm.s32 $0xDC80;
	s2 =	rddreg [dreg:$0xc]  }
0x2bb: {  	[hbm4b:s2+s31] =	stream.indirect_vreg.scatter [tilespmem:s3], [sflag:$0x9], $0x80, v7, vm0, $0xb8;
	[tilespmem:$0x1C480] =	vst v63  }
0x2bc: {  	s5 =	simm.s32 $0xE480  }
0x2bd: {  	[hbm4b:s30+s31] =	stream.indirect_vreg.scatter [tilespmem:s5], [sflag:$0x9], $0x80, v7, vm0, $0xb8;
	[tilespmem:$0x1C480] =	vst v63  }
0x2be: {  	s13 =	simm.s32 $0xEC80  }
0x2bf: {  	[hbm4b:s23+s31] =	stream.indirect_vreg.scatter [tilespmem:s13], [sflag:$0x9], $0x80, v7, vm0, $0xb8;
	[tilespmem:$0x1C480] =	vst v63  }
.Ltmp23:
0x2c0: {  	_ = 	snop;
	(pc) =	sbr.rel .LBB2_38-.Ltmp23, $4  }
0x2c1: {  	s20 =	rddreg [dreg:$0xa];
	s25 =	simm.s32 $0xF480  }
0x2c2: {  	[hbm4b:s20+s31] =	stream.indirect_vreg.scatter [tilespmem:s25], [sflag:$0x9], $0x80, v7, vm0, $0xb8;
	[tilespmem:$0x1C480] =	vst v63  }
0x2c3: {  	s26 =	simm.s32 $0xFC80  }
0x2c4: {  	[hbm4b:s28+s31] =	stream.indirect_vreg.scatter [tilespmem:s26], [sflag:$0x9], $0x80, v7, vm0, $0xb8;
	[tilespmem:$0x1C480] =	vst v63  }
.LBB2_33:
0x2c5: {  	p2 =	sne.s32 @!p0 s1, $0x3  }
0x2c6: {  	p2 =	por p0, p2  }
.Ltmp24:
0x2c7: {  	_ = 	snop;
	(pc) =	sbr.rel @p2 .LBB2_35-.Ltmp24, $1  }
0x2c8: {  	_ =	sdelay $0x3  }
0x2c9: {  	s1 =	simm.s32 $0x4  }
0x2ca: {  	_ =	swait.ge [sflag:s1], $0x4000  }
0x2cb: {  	s0 =	sshll.u32 s0, $0x5;
	[sflag:s1] =	ssyncset.done $0x0  }
0x2cc: {  	s0 =	sshra.s32 s0, $0x2;
	[sflag:s1] =	ssyncadd.s32 $0xFFFFC000  }
0x2cd: {  	v7 =	vld.msk [tilespmem:s0+$0x4200], $0xff;
	_ =	sdelay $0x4  }
0x2ce: {  	v8 =	vshll.u32 v7, $0x4  }
0x2cf: {  	v7 =	vand.u32 $0x7, v7;
	v8 =	vand.u32 $0xFFFFFF80, v8  }
0x2d0: {  	v7 =	vor.u32 v7, v8  }
0x2d1: {  	v7 =	vperm.xlane v7, v5;
	_ =	sdelay $0x1  }
0x2d2: {  	v7 =	vadd.s32 v6, v7;
	_ =	sdelay $0x3  }
0x2d3: {  	s5 =	simm.s32 $0x10480  }
0x2d4: {  	[hbm4b:s22+s31] =	stream.indirect_vreg.scatter [tilespmem:s5], [sflag:$0xA], $0x80, v7, vm0, $0xb8;
	[tilespmem:$0x1C480] =	vst v63  }
0x2d5: {  	s20 =	simm.s32 $0x10C80;
	s13 =	rddreg [dreg:$0x6]  }
0x2d6: {  	[hbm4b:s13+s31] =	stream.indirect_vreg.scatter [tilespmem:s20], [sflag:$0xA], $0x80, v7, vm0, $0xb8;
	[tilespmem:$0x1C480] =	vst v63  }
0x2d7: {  	s26 =	simm.s32 $0x11480;
	s25 =	rddreg [dreg:$0xb]  }
0x2d8: {  	[hbm4b:s25+s31] =	stream.indirect_vreg.scatter [tilespmem:s26], [sflag:$0xA], $0x80, v7, vm0, $0xb8;
	[tilespmem:$0x1C480] =	vst v63  }
0x2d9: {  	s3 =	simm.s32 $0x11C80;
	s2 =	rddreg [dreg:$0xc]  }
0x2da: {  	[hbm4b:s2+s31] =	stream.indirect_vreg.scatter [tilespmem:s3], [sflag:$0xA], $0x80, v7, vm0, $0xb8;
	[tilespmem:$0x1C480] =	vst v63  }
0x2db: {  	s5 =	simm.s32 $0x12480  }
0x2dc: {  	[hbm4b:s30+s31] =	stream.indirect_vreg.scatter [tilespmem:s5], [sflag:$0xA], $0x80, v7, vm0, $0xb8;
	[tilespmem:$0x1C480] =	vst v63  }
0x2dd: {  	s13 =	simm.s32 $0x12C80  }
0x2de: {  	[hbm4b:s23+s31] =	stream.indirect_vreg.scatter [tilespmem:s13], [sflag:$0xA], $0x80, v7, vm0, $0xb8;
	[tilespmem:$0x1C480] =	vst v63  }
.Ltmp25:
0x2df: {  	_ = 	snop;
	(pc) =	sbr.rel .LBB2_38-.Ltmp25, $4  }
0x2e0: {  	s20 =	rddreg [dreg:$0xa];
	s25 =	simm.s32 $0x13480  }
0x2e1: {  	[hbm4b:s20+s31] =	stream.indirect_vreg.scatter [tilespmem:s25], [sflag:$0xA], $0x80, v7, vm0, $0xb8;
	[tilespmem:$0x1C480] =	vst v63  }
0x2e2: {  	s26 =	simm.s32 $0x13C80  }
0x2e3: {  	[hbm4b:s28+s31] =	stream.indirect_vreg.scatter [tilespmem:s26], [sflag:$0xA], $0x80, v7, vm0, $0xb8;
	[tilespmem:$0x1C480] =	vst v63  }
.LBB2_35:
0x2e4: {  	p2 =	sne.s32 @!p0 s1, $0x4  }
0x2e5: {  	p2 =	por p0, p2  }
.Ltmp26:
0x2e6: {  	_ = 	snop;
	(pc) =	sbr.rel @p2 .LBB2_37-.Ltmp26, $1  }
0x2e7: {  	_ =	sdelay $0x3  }
0x2e8: {  	s1 =	simm.s32 $0x5  }
0x2e9: {  	_ =	swait.ge [sflag:s1], $0x4000  }
0x2ea: {  	s0 =	sshll.u32 s0, $0x5;
	[sflag:s1] =	ssyncset.done $0x0  }
0x2eb: {  	s0 =	sshra.s32 s0, $0x2;
	[sflag:s1] =	ssyncadd.s32 $0xFFFFC000  }
0x2ec: {  	v7 =	vld.msk [tilespmem:s0+$0x4200], $0xff;
	_ =	sdelay $0x4  }
0x2ed: {  	v8 =	vshll.u32 v7, $0x4  }
0x2ee: {  	v7 =	vand.u32 $0x7, v7;
	v8 =	vand.u32 $0xFFFFFF80, v8  }
0x2ef: {  	v7 =	vor.u32 v7, v8  }
0x2f0: {  	v7 =	vperm.xlane v7, v5;
	_ =	sdelay $0x1  }
0x2f1: {  	v7 =	vadd.s32 v6, v7;
	_ =	sdelay $0x3  }
0x2f2: {  	s5 =	simm.s32 $0x14480  }
0x2f3: {  	[hbm4b:s22+s31] =	stream.indirect_vreg.scatter [tilespmem:s5], [sflag:$0xB], $0x80, v7, vm0, $0xb8;
	[tilespmem:$0x1C480] =	vst v63  }
0x2f4: {  	s20 =	simm.s32 $0x14C80;
	s13 =	rddreg [dreg:$0x6]  }
0x2f5: {  	[hbm4b:s13+s31] =	stream.indirect_vreg.scatter [tilespmem:s20], [sflag:$0xB], $0x80, v7, vm0, $0xb8;
	[tilespmem:$0x1C480] =	vst v63  }
0x2f6: {  	s26 =	simm.s32 $0x15480;
	s25 =	rddreg [dreg:$0xb]  }
0x2f7: {  	[hbm4b:s25+s31] =	stream.indirect_vreg.scatter [tilespmem:s26], [sflag:$0xB], $0x80, v7, vm0, $0xb8;
	[tilespmem:$0x1C480] =	vst v63  }
0x2f8: {  	s3 =	simm.s32 $0x15C80;
	s2 =	rddreg [dreg:$0xc]  }
0x2f9: {  	[hbm4b:s2+s31] =	stream.indirect_vreg.scatter [tilespmem:s3], [sflag:$0xB], $0x80, v7, vm0, $0xb8;
	[tilespmem:$0x1C480] =	vst v63  }
0x2fa: {  	s5 =	simm.s32 $0x16480  }
0x2fb: {  	[hbm4b:s30+s31] =	stream.indirect_vreg.scatter [tilespmem:s5], [sflag:$0xB], $0x80, v7, vm0, $0xb8;
	[tilespmem:$0x1C480] =	vst v63  }
0x2fc: {  	s13 =	simm.s32 $0x16C80  }
0x2fd: {  	[hbm4b:s23+s31] =	stream.indirect_vreg.scatter [tilespmem:s13], [sflag:$0xB], $0x80, v7, vm0, $0xb8;
	[tilespmem:$0x1C480] =	vst v63  }
.Ltmp27:
0x2fe: {  	_ = 	snop;
	(pc) =	sbr.rel .LBB2_38-.Ltmp27, $4  }
0x2ff: {  	s20 =	rddreg [dreg:$0xa];
	s25 =	simm.s32 $0x17480  }
0x300: {  	[hbm4b:s20+s31] =	stream.indirect_vreg.scatter [tilespmem:s25], [sflag:$0xB], $0x80, v7, vm0, $0xb8;
	[tilespmem:$0x1C480] =	vst v63  }
0x301: {  	s26 =	simm.s32 $0x17C80  }
0x302: {  	[hbm4b:s28+s31] =	stream.indirect_vreg.scatter [tilespmem:s26], [sflag:$0xB], $0x80, v7, vm0, $0xb8;
	[tilespmem:$0x1C480] =	vst v63  }
.LBB2_37:
0x303: {  	p2 =	sne.s32 @!p0 s1, $0x5  }
0x304: {  	p2 =	por p2, p0  }
0x305: {  	s1 =	simm.s32 @!p2 $0x6  }
0x306: {  	_ =	swait.ge @!p2 [sflag:s1], $0x4000  }
0x307: {  	s0 =	sshll.u32 @!p2 s0, $0x5;
	[sflag:s1] =	ssyncset.done @!p2 $0x0  }
0x308: {  	s0 =	sshra.s32 @!p2 s0, $0x2;
	[sflag:s1] =	ssyncadd.s32 @!p2 $0xFFFFC000  }
0x309: {  	v7 =	vld.msk @!p2 [tilespmem:s0+$0x4200], $0xff;
	_ =	sdelay $0x4  }
0x30a: {  	v8 =	vshll.u32 @!p2 v7, $0x4  }
0x30b: {  	v9 =	vlaneseq.u32 @!p2;
	v7 =	vand.u32 @!p2 $0x7, v7;
	v8 =	vand.u32 @!p2 $0xFFFFFF80, v8  }
0x30c: {  	v7 =	vor.u32 @!p2 v7, v8;
	v8 =	vand.u32 @!p2 $0x7, v9;
	v9 =	vshrl.u32 @!p2 v9, $0x3  }
0x30d: {  	v7 =	vperm.xlane @!p2 v7, v8;
	v8 =	vmul.u32 @!p2 $0x8, v9;
	_ =	sdelay $0x1  }
0x30e: {  	v7 =	vadd.s32 @!p2 v8, v7;
	_ =	sdelay $0x3  }
0x30f: {  	vm1 =	vmmov @!p2 $0xffff;
	s1 =	simm.s32 @!p2 $0x18480;
	s0 =	simm.s32 @!p2 $0x0  }
0x310: {  	[hbm4b:s22+s0] =	stream.indirect_vreg.scatter @!p2 [tilespmem:s1], [sflag:$0xC], $0x80, v7, vm1, $0xb8;
	[tilespmem:$0x1C480] =	vst v63  }
0x311: {  	s2 =	rddreg [dreg:$0x6];
	s1 =	simm.s32 @!p2 $0x18C80  }
0x312: {  	[hbm4b:s2+s0] =	stream.indirect_vreg.scatter @!p2 [tilespmem:s1], [sflag:$0xC], $0x80, v7, vm1, $0xb8;
	[tilespmem:$0x1C480] =	vst v63  }
0x313: {  	s1 =	simm.s32 @!p2 $0x19480;
	s2 =	rddreg [dreg:$0xb]  }
0x314: {  	[hbm4b:s2+s0] =	stream.indirect_vreg.scatter @!p2 [tilespmem:s1], [sflag:$0xC], $0x80, v7, vm1, $0xb8;
	[tilespmem:$0x1C480] =	vst v63  }
0x315: {  	s1 =	simm.s32 @!p2 $0x19C80;
	s2 =	rddreg [dreg:$0xc]  }
0x316: {  	[hbm4b:s2+s0] =	stream.indirect_vreg.scatter @!p2 [tilespmem:s1], [sflag:$0xC], $0x80, v7, vm1, $0xb8;
	[tilespmem:$0x1C480] =	vst v63  }
0x317: {  	s1 =	simm.s32 @!p2 $0x1A480  }
0x318: {  	[hbm4b:s30+s0] =	stream.indirect_vreg.scatter @!p2 [tilespmem:s1], [sflag:$0xC], $0x80, v7, vm1, $0xb8;
	[tilespmem:$0x1C480] =	vst v63  }
0x319: {  	s1 =	simm.s32 @!p2 $0x1AC80  }
0x31a: {  	[hbm4b:s23+s0] =	stream.indirect_vreg.scatter @!p2 [tilespmem:s1], [sflag:$0xC], $0x80, v7, vm1, $0xb8;
	[tilespmem:$0x1C480] =	vst v63  }
0x31b: {  	s2 =	rddreg [dreg:$0xa];
	s1 =	simm.s32 @!p2 $0x1B480  }
0x31c: {  	[hbm4b:s2+s0] =	stream.indirect_vreg.scatter @!p2 [tilespmem:s1], [sflag:$0xC], $0x80, v7, vm1, $0xb8;
	[tilespmem:$0x1C480] =	vst v63  }
0x31d: {  	s1 =	simm.s32 @!p2 $0x1BC80  }
0x31e: {  	[hbm4b:s28+s0] =	stream.indirect_vreg.scatter @!p2 [tilespmem:s1], [sflag:$0xC], $0x80, v7, vm1, $0xb8;
	[tilespmem:$0x1C480] =	vst v63  }
.LBB2_38:
0x31f: {  	s0 =	sadd.s32 $0xFFFFFFFF, s24  }
0x320: {  	s1 =	smulhi.u32 $0x2AAAAAAB, s0;
	s2 =	sshra.s32 s0, $0x1F  }
0x321: {  	s2 =	smul.u32 $0x2AAAAAAB, s2;
	_ =	sdelay $0x1  }
0x322: {  	s1 =	sadd.s32 s2, s1  }
0x323: {  	s2 =	sshrl.u32 s1, $0x1F  }
0x324: {  	s1 =	sadd.s32 s2, s1  }
0x325: {  	s1 =	smul.u32 $0x6, s1;
	_ =	sdelay $0x1  }
0x326: {  	s1 =	ssub.s32 s0, s1  }
0x327: {  	p3 =	slt.s32 s1, $0x0;
	s2 =	sadd.s32 $0x6, s1  }
0x328: {  	p2 =	slt.s32 s24, $0x1;
	s1 =	smov.u32 @p3 s2  }
0x329: {  	p3 =	sne.s32 @!p2 s1, $0x0  }
0x32a: {  	p3 =	por p2, p3  }
.Ltmp28:
0x32b: {  	_ = 	snop;
	(pc) =	sbr.rel @p3 .LBB2_40-.Ltmp28, $1  }
0x32c: {  	_ =	sdelay $0x3  }
0x32d: {  	s1 =	simm.s32 $0x1  }
0x32e: {  	_ =	swait.ge [sflag:s1], $0x4000  }
0x32f: {  	s0 =	sshll.u32 s0, $0x5;
	[sflag:s1] =	ssyncset.done $0x0  }
0x330: {  	s0 =	sshra.s32 s0, $0x2;
	[sflag:s1] =	ssyncadd.s32 $0xFFFFC000  }
0x331: {  	v7 =	vld.msk [tilespmem:s0+$0x4200], $0xff;
	_ =	sdelay $0x4  }
0x332: {  	v8 =	vshll.u32 v7, $0x4  }
0x333: {  	v7 =	vand.u32 $0x7, v7;
	v8 =	vand.u32 $0xFFFFFF80, v8  }
0x334: {  	v7 =	vor.u32 v7, v8  }
0x335: {  	v7 =	vperm.xlane v7, v5;
	_ =	sdelay $0x1  }
0x336: {  	v7 =	vadd.s32 v6, v7;
	_ =	sdelay $0x4  }
0x337: {  	[hbm4b:s22+s31] =	stream.indirect_vreg.scatter [tilespmem:s29], [sflag:$0x7], $0x80, v7, vm0, $0xb8;
	[tilespmem:$0x1C480] =	vst v63  }
0x338: {  	s26 =	simm.s32 $0x4C80;
	s25 =	rddreg [dreg:$0x6]  }
0x339: {  	[hbm4b:s25+s31] =	stream.indirect_vreg.scatter [tilespmem:s26], [sflag:$0x7], $0x80, v7, vm0, $0xb8;
	[tilespmem:$0x1C480] =	vst v63  }
0x33a: {  	s3 =	simm.s32 $0x5480;
	s2 =	rddreg [dreg:$0xb]  }
0x33b: {  	[hbm4b:s2+s31] =	stream.indirect_vreg.scatter [tilespmem:s3], [sflag:$0x7], $0x80, v7, vm0, $0xb8;
	[tilespmem:$0x1C480] =	vst v63  }
0x33c: {  	s13 =	simm.s32 $0x5C80;
	s5 =	rddreg [dreg:$0xc]  }
0x33d: {  	[hbm4b:s5+s31] =	stream.indirect_vreg.scatter [tilespmem:s13], [sflag:$0x7], $0x80, v7, vm0, $0xb8;
	[tilespmem:$0x1C480] =	vst v63  }
0x33e: {  	s20 =	simm.s32 $0x6480  }
0x33f: {  	[hbm4b:s30+s31] =	stream.indirect_vreg.scatter [tilespmem:s20], [sflag:$0x7], $0x80, v7, vm0, $0xb8;
	[tilespmem:$0x1C480] =	vst v63  }
0x340: {  	s22 =	simm.s32 $0x6C80  }
0x341: {  	[hbm4b:s23+s31] =	stream.indirect_vreg.scatter [tilespmem:s22], [sflag:$0x7], $0x80, v7, vm0, $0xb8;
	[tilespmem:$0x1C480] =	vst v63  }
.Ltmp29:
0x342: {  	_ = 	snop;
	(pc) =	sbr.rel .LBB2_51-.Ltmp29, $4  }
0x343: {  	s25 =	simm.s32 $0x7480;
	s23 =	rddreg [dreg:$0xa]  }
0x344: {  	[hbm4b:s23+s31] =	stream.indirect_vreg.scatter [tilespmem:s25], [sflag:$0x7], $0x80, v7, vm0, $0xb8;
	[tilespmem:$0x1C480] =	vst v63  }
0x345: {  	s26 =	simm.s32 $0x7C80;
	s2 =	rddreg [dreg:$0xe]  }
0x346: {  	[hbm4b:s28+s31] =	stream.indirect_vreg.scatter [tilespmem:s26], [sflag:$0x7], $0x80, v7, vm0, $0xb8;
	[tilespmem:$0x1C480] =	vst v63  }
.LBB2_40:
0x347: {  	p3 =	sne.s32 @!p2 s1, $0x1  }
0x348: {  	p3 =	por p2, p3  }
.Ltmp30:
0x349: {  	_ = 	snop;
	(pc) =	sbr.rel @p3 .LBB2_42-.Ltmp30, $2  }
0x34a: {  	_ =	sdelay $0x2  }
0x34b: {  	s2 =	rddreg [dreg:$0xe]  }
0x34c: {  	s1 =	simm.s32 $0x2  }
0x34d: {  	_ =	swait.ge [sflag:s1], $0x4000  }
0x34e: {  	s0 =	sshll.u32 s0, $0x5;
	[sflag:s1] =	ssyncset.done $0x0  }
0x34f: {  	s0 =	sshra.s32 s0, $0x2;
	[sflag:s1] =	ssyncadd.s32 $0xFFFFC000  }
0x350: {  	v7 =	vld.msk [tilespmem:s0+$0x4200], $0xff;
	_ =	sdelay $0x4  }
0x351: {  	v8 =	vshll.u32 v7, $0x4  }
0x352: {  	v7 =	vand.u32 $0x7, v7;
	v8 =	vand.u32 $0xFFFFFF80, v8  }
0x353: {  	v7 =	vor.u32 v7, v8  }
0x354: {  	v7 =	vperm.xlane v7, v5;
	_ =	sdelay $0x1  }
0x355: {  	v7 =	vadd.s32 v6, v7;
	_ =	sdelay $0x3  }
0x356: {  	s20 =	simm.s32 $0x8480  }
0x357: {  	[hbm4b:s22+s31] =	stream.indirect_vreg.scatter [tilespmem:s20], [sflag:$0x8], $0x80, v7, vm0, $0xb8;
	[tilespmem:$0x1C480] =	vst v63  }
0x358: {  	s26 =	simm.s32 $0x8C80;
	s25 =	rddreg [dreg:$0x6]  }
0x359: {  	[hbm4b:s25+s31] =	stream.indirect_vreg.scatter [tilespmem:s26], [sflag:$0x8], $0x80, v7, vm0, $0xb8;
	[tilespmem:$0x1C480] =	vst v63  }
0x35a: {  	s3 =	simm.s32 $0x9480;
	s1 =	rddreg [dreg:$0xb]  }
0x35b: {  	[hbm4b:s1+s31] =	stream.indirect_vreg.scatter [tilespmem:s3], [sflag:$0x8], $0x80, v7, vm0, $0xb8;
	[tilespmem:$0x1C480] =	vst v63  }
0x35c: {  	s13 =	simm.s32 $0x9C80;
	s5 =	rddreg [dreg:$0xc]  }
0x35d: {  	[hbm4b:s5+s31] =	stream.indirect_vreg.scatter [tilespmem:s13], [sflag:$0x8], $0x80, v7, vm0, $0xb8;
	[tilespmem:$0x1C480] =	vst v63  }
0x35e: {  	s20 =	simm.s32 $0xA480  }
0x35f: {  	[hbm4b:s30+s31] =	stream.indirect_vreg.scatter [tilespmem:s20], [sflag:$0x8], $0x80, v7, vm0, $0xb8;
	[tilespmem:$0x1C480] =	vst v63  }
0x360: {  	s22 =	simm.s32 $0xAC80  }
0x361: {  	[hbm4b:s23+s31] =	stream.indirect_vreg.scatter [tilespmem:s22], [sflag:$0x8], $0x80, v7, vm0, $0xb8;
	[tilespmem:$0x1C480] =	vst v63  }
.Ltmp31:
0x362: {  	_ = 	snop;
	(pc) =	sbr.rel .LBB2_51-.Ltmp31, $4  }
0x363: {  	s25 =	simm.s32 $0xB480;
	s23 =	rddreg [dreg:$0xa]  }
0x364: {  	[hbm4b:s23+s31] =	stream.indirect_vreg.scatter [tilespmem:s25], [sflag:$0x8], $0x80, v7, vm0, $0xb8;
	[tilespmem:$0x1C480] =	vst v63  }
0x365: {  	s26 =	simm.s32 $0xBC80  }
0x366: {  	[hbm4b:s28+s31] =	stream.indirect_vreg.scatter [tilespmem:s26], [sflag:$0x8], $0x80, v7, vm0, $0xb8;
	[tilespmem:$0x1C480] =	vst v63  }
.LBB2_42:
0x367: {  	p3 =	sne.s32 @!p2 s1, $0x2  }
0x368: {  	p3 =	por p2, p3  }
.Ltmp32:
0x369: {  	_ = 	snop;
	(pc) =	sbr.rel @p3 .LBB2_44-.Ltmp32, $1  }
0x36a: {  	_ =	sdelay $0x3  }
0x36b: {  	s1 =	simm.s32 $0x3  }
0x36c: {  	_ =	swait.ge [sflag:s1], $0x4000  }
0x36d: {  	s0 =	sshll.u32 s0, $0x5;
	[sflag:s1] =	ssyncset.done $0x0  }
0x36e: {  	s0 =	sshra.s32 s0, $0x2;
	[sflag:s1] =	ssyncadd.s32 $0xFFFFC000  }
0x36f: {  	v7 =	vld.msk [tilespmem:s0+$0x4200], $0xff;
	_ =	sdelay $0x4  }
0x370: {  	v8 =	vshll.u32 v7, $0x4  }
0x371: {  	v7 =	vand.u32 $0x7, v7;
	v8 =	vand.u32 $0xFFFFFF80, v8  }
0x372: {  	v7 =	vor.u32 v7, v8  }
0x373: {  	v7 =	vperm.xlane v7, v5;
	_ =	sdelay $0x1  }
0x374: {  	v7 =	vadd.s32 v6, v7;
	_ =	sdelay $0x3  }
0x375: {  	s20 =	simm.s32 $0xC480  }
0x376: {  	[hbm4b:s22+s31] =	stream.indirect_vreg.scatter [tilespmem:s20], [sflag:$0x9], $0x80, v7, vm0, $0xb8;
	[tilespmem:$0x1C480] =	vst v63  }
0x377: {  	s26 =	simm.s32 $0xCC80;
	s25 =	rddreg [dreg:$0x6]  }
0x378: {  	[hbm4b:s25+s31] =	stream.indirect_vreg.scatter [tilespmem:s26], [sflag:$0x9], $0x80, v7, vm0, $0xb8;
	[tilespmem:$0x1C480] =	vst v63  }
0x379: {  	s3 =	simm.s32 $0xD480;
	s1 =	rddreg [dreg:$0xb]  }
0x37a: {  	[hbm4b:s1+s31] =	stream.indirect_vreg.scatter [tilespmem:s3], [sflag:$0x9], $0x80, v7, vm0, $0xb8;
	[tilespmem:$0x1C480] =	vst v63  }
0x37b: {  	s13 =	simm.s32 $0xDC80;
	s5 =	rddreg [dreg:$0xc]  }
0x37c: {  	[hbm4b:s5+s31] =	stream.indirect_vreg.scatter [tilespmem:s13], [sflag:$0x9], $0x80, v7, vm0, $0xb8;
	[tilespmem:$0x1C480] =	vst v63  }
0x37d: {  	s20 =	simm.s32 $0xE480  }
0x37e: {  	[hbm4b:s30+s31] =	stream.indirect_vreg.scatter [tilespmem:s20], [sflag:$0x9], $0x80, v7, vm0, $0xb8;
	[tilespmem:$0x1C480] =	vst v63  }
0x37f: {  	s22 =	simm.s32 $0xEC80  }
0x380: {  	[hbm4b:s23+s31] =	stream.indirect_vreg.scatter [tilespmem:s22], [sflag:$0x9], $0x80, v7, vm0, $0xb8;
	[tilespmem:$0x1C480] =	vst v63  }
.Ltmp33:
0x381: {  	_ = 	snop;
	(pc) =	sbr.rel .LBB2_51-.Ltmp33, $4  }
0x382: {  	s25 =	simm.s32 $0xF480;
	s23 =	rddreg [dreg:$0xa]  }
0x383: {  	[hbm4b:s23+s31] =	stream.indirect_vreg.scatter [tilespmem:s25], [sflag:$0x9], $0x80, v7, vm0, $0xb8;
	[tilespmem:$0x1C480] =	vst v63  }
0x384: {  	s26 =	simm.s32 $0xFC80  }
0x385: {  	[hbm4b:s28+s31] =	stream.indirect_vreg.scatter [tilespmem:s26], [sflag:$0x9], $0x80, v7, vm0, $0xb8;
	[tilespmem:$0x1C480] =	vst v63  }
.LBB2_44:
0x386: {  	p3 =	sne.s32 @!p2 s1, $0x3  }
0x387: {  	p3 =	por p2, p3  }
.Ltmp34:
0x388: {  	_ = 	snop;
	(pc) =	sbr.rel @p3 .LBB2_46-.Ltmp34, $1  }
0x389: {  	_ =	sdelay $0x3  }
0x38a: {  	s1 =	simm.s32 $0x4  }
0x38b: {  	_ =	swait.ge [sflag:s1], $0x4000  }
0x38c: {  	s0 =	sshll.u32 s0, $0x5;
	[sflag:s1] =	ssyncset.done $0x0  }
0x38d: {  	s0 =	sshra.s32 s0, $0x2;
	[sflag:s1] =	ssyncadd.s32 $0xFFFFC000  }
0x38e: {  	v7 =	vld.msk [tilespmem:s0+$0x4200], $0xff;
	_ =	sdelay $0x4  }
0x38f: {  	v8 =	vshll.u32 v7, $0x4  }
0x390: {  	v7 =	vand.u32 $0x7, v7;
	v8 =	vand.u32 $0xFFFFFF80, v8  }
0x391: {  	v7 =	vor.u32 v7, v8  }
0x392: {  	v7 =	vperm.xlane v7, v5;
	_ =	sdelay $0x1  }
0x393: {  	v7 =	vadd.s32 v6, v7;
	_ =	sdelay $0x3  }
0x394: {  	s20 =	simm.s32 $0x10480  }
0x395: {  	[hbm4b:s22+s31] =	stream.indirect_vreg.scatter [tilespmem:s20], [sflag:$0xA], $0x80, v7, vm0, $0xb8;
	[tilespmem:$0x1C480] =	vst v63  }
0x396: {  	s26 =	simm.s32 $0x10C80;
	s25 =	rddreg [dreg:$0x6]  }
0x397: {  	[hbm4b:s25+s31] =	stream.indirect_vreg.scatter [tilespmem:s26], [sflag:$0xA], $0x80, v7, vm0, $0xb8;
	[tilespmem:$0x1C480] =	vst v63  }
0x398: {  	s3 =	simm.s32 $0x11480;
	s1 =	rddreg [dreg:$0xb]  }
0x399: {  	[hbm4b:s1+s31] =	stream.indirect_vreg.scatter [tilespmem:s3], [sflag:$0xA], $0x80, v7, vm0, $0xb8;
	[tilespmem:$0x1C480] =	vst v63  }
0x39a: {  	s13 =	simm.s32 $0x11C80;
	s5 =	rddreg [dreg:$0xc]  }
0x39b: {  	[hbm4b:s5+s31] =	stream.indirect_vreg.scatter [tilespmem:s13], [sflag:$0xA], $0x80, v7, vm0, $0xb8;
	[tilespmem:$0x1C480] =	vst v63  }
0x39c: {  	s20 =	simm.s32 $0x12480  }
0x39d: {  	[hbm4b:s30+s31] =	stream.indirect_vreg.scatter [tilespmem:s20], [sflag:$0xA], $0x80, v7, vm0, $0xb8;
	[tilespmem:$0x1C480] =	vst v63  }
0x39e: {  	s22 =	simm.s32 $0x12C80  }
0x39f: {  	[hbm4b:s23+s31] =	stream.indirect_vreg.scatter [tilespmem:s22], [sflag:$0xA], $0x80, v7, vm0, $0xb8;
	[tilespmem:$0x1C480] =	vst v63  }
.Ltmp35:
0x3a0: {  	_ = 	snop;
	(pc) =	sbr.rel .LBB2_51-.Ltmp35, $4  }
0x3a1: {  	s25 =	simm.s32 $0x13480;
	s23 =	rddreg [dreg:$0xa]  }
0x3a2: {  	[hbm4b:s23+s31] =	stream.indirect_vreg.scatter [tilespmem:s25], [sflag:$0xA], $0x80, v7, vm0, $0xb8;
	[tilespmem:$0x1C480] =	vst v63  }
0x3a3: {  	s26 =	simm.s32 $0x13C80  }
0x3a4: {  	[hbm4b:s28+s31] =	stream.indirect_vreg.scatter [tilespmem:s26], [sflag:$0xA], $0x80, v7, vm0, $0xb8;
	[tilespmem:$0x1C480] =	vst v63  }
.LBB2_46:
0x3a5: {  	p3 =	sne.s32 @!p2 s1, $0x4  }
0x3a6: {  	p3 =	por p2, p3  }
.Ltmp36:
0x3a7: {  	_ = 	snop;
	(pc) =	sbr.rel @p3 .LBB2_48-.Ltmp36, $1  }
0x3a8: {  	_ =	sdelay $0x3  }
0x3a9: {  	s1 =	simm.s32 $0x5  }
0x3aa: {  	_ =	swait.ge [sflag:s1], $0x4000  }
0x3ab: {  	s0 =	sshll.u32 s0, $0x5;
	[sflag:s1] =	ssyncset.done $0x0  }
0x3ac: {  	s0 =	sshra.s32 s0, $0x2;
	[sflag:s1] =	ssyncadd.s32 $0xFFFFC000  }
0x3ad: {  	v7 =	vld.msk [tilespmem:s0+$0x4200], $0xff;
	_ =	sdelay $0x4  }
0x3ae: {  	v8 =	vshll.u32 v7, $0x4  }
0x3af: {  	v7 =	vand.u32 $0x7, v7;
	v8 =	vand.u32 $0xFFFFFF80, v8  }
0x3b0: {  	v7 =	vor.u32 v7, v8  }
0x3b1: {  	v7 =	vperm.xlane v7, v5;
	_ =	sdelay $0x1  }
0x3b2: {  	v7 =	vadd.s32 v6, v7;
	_ =	sdelay $0x3  }
0x3b3: {  	s20 =	simm.s32 $0x14480  }
0x3b4: {  	[hbm4b:s22+s31] =	stream.indirect_vreg.scatter [tilespmem:s20], [sflag:$0xB], $0x80, v7, vm0, $0xb8;
	[tilespmem:$0x1C480] =	vst v63  }
0x3b5: {  	s26 =	simm.s32 $0x14C80;
	s25 =	rddreg [dreg:$0x6]  }
0x3b6: {  	[hbm4b:s25+s31] =	stream.indirect_vreg.scatter [tilespmem:s26], [sflag:$0xB], $0x80, v7, vm0, $0xb8;
	[tilespmem:$0x1C480] =	vst v63  }
0x3b7: {  	s3 =	simm.s32 $0x15480;
	s1 =	rddreg [dreg:$0xb]  }
0x3b8: {  	[hbm4b:s1+s31] =	stream.indirect_vreg.scatter [tilespmem:s3], [sflag:$0xB], $0x80, v7, vm0, $0xb8;
	[tilespmem:$0x1C480] =	vst v63  }
0x3b9: {  	s13 =	simm.s32 $0x15C80;
	s5 =	rddreg [dreg:$0xc]  }
0x3ba: {  	[hbm4b:s5+s31] =	stream.indirect_vreg.scatter [tilespmem:s13], [sflag:$0xB], $0x80, v7, vm0, $0xb8;
	[tilespmem:$0x1C480] =	vst v63  }
0x3bb: {  	s20 =	simm.s32 $0x16480  }
0x3bc: {  	[hbm4b:s30+s31] =	stream.indirect_vreg.scatter [tilespmem:s20], [sflag:$0xB], $0x80, v7, vm0, $0xb8;
	[tilespmem:$0x1C480] =	vst v63  }
0x3bd: {  	s22 =	simm.s32 $0x16C80  }
0x3be: {  	[hbm4b:s23+s31] =	stream.indirect_vreg.scatter [tilespmem:s22], [sflag:$0xB], $0x80, v7, vm0, $0xb8;
	[tilespmem:$0x1C480] =	vst v63  }
.Ltmp37:
0x3bf: {  	_ = 	snop;
	(pc) =	sbr.rel .LBB2_51-.Ltmp37, $4  }
0x3c0: {  	s25 =	simm.s32 $0x17480;
	s23 =	rddreg [dreg:$0xa]  }
0x3c1: {  	[hbm4b:s23+s31] =	stream.indirect_vreg.scatter [tilespmem:s25], [sflag:$0xB], $0x80, v7, vm0, $0xb8;
	[tilespmem:$0x1C480] =	vst v63  }
0x3c2: {  	s26 =	simm.s32 $0x17C80  }
0x3c3: {  	[hbm4b:s28+s31] =	stream.indirect_vreg.scatter [tilespmem:s26], [sflag:$0xB], $0x80, v7, vm0, $0xb8;
	[tilespmem:$0x1C480] =	vst v63  }
.LBB2_48:
0x3c4: {  	p3 =	sne.s32 @!p2 s1, $0x5  }
0x3c5: {  	p3 =	por p2, p3  }
.Ltmp38:
0x3c6: {  	_ = 	snop;
	(pc) =	sbr.rel @p3 .LBB2_50-.Ltmp38, $1  }
0x3c7: {  	_ =	sdelay $0x3  }
0x3c8: {  	s1 =	simm.s32 $0x6  }
0x3c9: {  	_ =	swait.ge [sflag:s1], $0x4000  }
0x3ca: {  	s0 =	sshll.u32 s0, $0x5;
	[sflag:s1] =	ssyncset.done $0x0  }
0x3cb: {  	s0 =	sshra.s32 s0, $0x2;
	[sflag:s1] =	ssyncadd.s32 $0xFFFFC000  }
0x3cc: {  	v7 =	vld.msk [tilespmem:s0+$0x4200], $0xff;
	_ =	sdelay $0x4  }
0x3cd: {  	v8 =	vshll.u32 v7, $0x4  }
0x3ce: {  	v7 =	vand.u32 $0x7, v7;
	v8 =	vand.u32 $0xFFFFFF80, v8  }
0x3cf: {  	v7 =	vor.u32 v7, v8  }
0x3d0: {  	v7 =	vperm.xlane v7, v5;
	_ =	sdelay $0x1  }
0x3d1: {  	v7 =	vadd.s32 v6, v7;
	_ =	sdelay $0x3  }
0x3d2: {  	s20 =	simm.s32 $0x18480  }
0x3d3: {  	[hbm4b:s22+s31] =	stream.indirect_vreg.scatter [tilespmem:s20], [sflag:$0xC], $0x80, v7, vm0, $0xb8;
	[tilespmem:$0x1C480] =	vst v63  }
0x3d4: {  	s26 =	simm.s32 $0x18C80;
	s25 =	rddreg [dreg:$0x6]  }
0x3d5: {  	[hbm4b:s25+s31] =	stream.indirect_vreg.scatter [tilespmem:s26], [sflag:$0xC], $0x80, v7, vm0, $0xb8;
	[tilespmem:$0x1C480] =	vst v63  }
0x3d6: {  	s3 =	simm.s32 $0x19480;
	s1 =	rddreg [dreg:$0xb]  }
0x3d7: {  	[hbm4b:s1+s31] =	stream.indirect_vreg.scatter [tilespmem:s3], [sflag:$0xC], $0x80, v7, vm0, $0xb8;
	[tilespmem:$0x1C480] =	vst v63  }
0x3d8: {  	s13 =	simm.s32 $0x19C80;
	s5 =	rddreg [dreg:$0xc]  }
0x3d9: {  	[hbm4b:s5+s31] =	stream.indirect_vreg.scatter [tilespmem:s13], [sflag:$0xC], $0x80, v7, vm0, $0xb8;
	[tilespmem:$0x1C480] =	vst v63  }
0x3da: {  	s20 =	simm.s32 $0x1A480  }
0x3db: {  	[hbm4b:s30+s31] =	stream.indirect_vreg.scatter [tilespmem:s20], [sflag:$0xC], $0x80, v7, vm0, $0xb8;
	[tilespmem:$0x1C480] =	vst v63  }
0x3dc: {  	s22 =	simm.s32 $0x1AC80  }
0x3dd: {  	[hbm4b:s23+s31] =	stream.indirect_vreg.scatter [tilespmem:s22], [sflag:$0xC], $0x80, v7, vm0, $0xb8;
	[tilespmem:$0x1C480] =	vst v63  }
.Ltmp39:
0x3de: {  	_ = 	snop;
	(pc) =	sbr.rel .LBB2_51-.Ltmp39, $4  }
0x3df: {  	s25 =	simm.s32 $0x1B480;
	s23 =	rddreg [dreg:$0xa]  }
0x3e0: {  	[hbm4b:s23+s31] =	stream.indirect_vreg.scatter [tilespmem:s25], [sflag:$0xC], $0x80, v7, vm0, $0xb8;
	[tilespmem:$0x1C480] =	vst v63  }
0x3e1: {  	s26 =	simm.s32 $0x1BC80  }
0x3e2: {  	[hbm4b:s28+s31] =	stream.indirect_vreg.scatter [tilespmem:s26], [sflag:$0xC], $0x80, v7, vm0, $0xb8;
	[tilespmem:$0x1C480] =	vst v63  }
.LBB2_50:
.Ltmp40:
0x3e3: {  	(pc) =	sbr.rel @p2 .LBB2_52-.Ltmp40, $1  }
0x3e4: {  	_ =	sdelay $0x3  }
.LBB2_51:
0x3e5: {  	p4 =	seq.s32 @!p0 s24, $0x2  }
0x3e6: {  	s0 =	simm.s32 $0x7;
	p3 =	por p4, p0  }
0x3e7: {  	_ =	swait.ge [sflag:s0], $0x4000;
	p6 =	slt.u32 @!p3 s24, $0x4  }
0x3e8: {  	[sflag:s0] =	ssyncset.done $0x0;
	s1 =	simm.s32 @!p6 $0x0;
	p5 =	por @!p0 p6, p4  }
0x3e9: {  	[sflag:s0] =	ssyncadd.s32 $0xFFFFC000;
	s1 =	simm.s32 @p6 $0x1;
	p5 =	por p5, p0  }
0x3ea: {  	s0 =	simm.s32 @!p0 $0x8;
	[smem:$0x7FC] =	sst s1;
	p1 =	seq.s32 @!p5 s24, $0x4  }
0x3eb: {  	_ =	swait.ge @!p0 [sflag:s0], $0x4000;
	s1 =	simm.s32 @!p1 $0x0  }
0x3ec: {  	[sflag:s0] =	ssyncset.done @!p0 $0x0;
	s1 =	simm.s32 @p1 $0x1  }
0x3ed: {  	[sflag:s0] =	ssyncadd.s32 @!p0 $0xFFFFC000;
	s0 =	simm.s32 @!p3 $0x9;
	[smem:$0x7FB] =	sst s1  }
0x3ee: {  	_ =	swait.ge @!p3 [sflag:s0], $0x4000  }
0x3ef: {  	[sflag:s0] =	ssyncset.done @!p3 $0x0  }
0x3f0: {  	[sflag:s0] =	ssyncadd.s32 @!p3 $0xFFFFC000;
	s0 =	simm.s32 @!p5 $0xA  }
0x3f1: {  	_ =	swait.ge @!p5 [sflag:s0], $0x4000  }
0x3f2: {  	p2 =	por p0, p0;
	p0 =	por @!p3 p1, p6;
	s25 =	sld [smem:$0x7FB]  }
0x3f3: {  	p0 =	por @!p2 p0, p4;
	s26 =	sld [smem:$0x7FC]  }
0x3f4: {  	p0 =	por p0, p2  }
0x3f5: {  	p1 =	slt.u32 @!p0 s24, $0x6;
	[sflag:s0] =	ssyncset.done @!p5 $0x0;
	p6 =	seq.s32 s25, $0x1  }
0x3f6: {  	[sflag:s0] =	ssyncadd.s32 @!p5 $0xFFFFC000;
	p1 =	por @!p5 p1, p6;
	p5 =	seq.s32 s26, $0x1  }
0x3f7: {  	s0 =	simm.s32 @!p0 $0xB;
	p1 =	por @!p3 p1, p5  }
0x3f8: {  	_ =	swait.ge @!p0 [sflag:s0], $0x4000;
	p1 =	por @!p2 p1, p4  }
0x3f9: {  	[sflag:s0] =	ssyncset.done @!p0 $0x0;
	p1 =	por p1, p2  }
0x3fa: {  	[sflag:s0] =	ssyncadd.s32 @!p0 $0xFFFFC000;
	s0 =	simm.s32 @!p1 $0xC  }
0x3fb: {  	_ =	swait.ge @!p1 [sflag:s0], $0x4000  }
0x3fc: {  	[sflag:s0] =	ssyncset.done @!p1 $0x0  }
0x3fd: {  	[sflag:s0] =	ssyncadd.s32 @!p1 $0xFFFFC000  }
.LBB2_52:
0x3fe: {  	s2 =	sadd.s32 $0x1, s2;
	s0 =	rddreg [dreg:$0x7]  }
0x3ff: {  	p0 =	sne.s32 s2, s0  }
.Ltmp41:
0x400: {  	_ = 	snop;
	(pc) =	sbr.rel @p0 .LBB2_1-.Ltmp41, $1  }
0x401: {  	_ =	sdelay $0x3  }
0x402: {  	_ =	sfence.sel $0x180000  }
0x403: {  	[bflag:$0x0] =	sbarrier.arrive $0xFFFF  }
0x404: {  	_ =	strace $0x90000047  }
0x405: {  	s0 =	stileid.u32;
	[bflag:$0x2] =	sbarrier.arrive $0xFFFF  }
0x406: {  	p0 =	sne.s32 s0, $0x0;
	s0 =	rddreg [dreg:$0x4]  }
0x407: {  	s0 =	sadd.s32 @!p0 $0x100000, s0  }
0x408: {  	[sflag:s0] =	ssyncadd.tile.s32 @!p0 $0x1;
	_ =	shalt  }
.Lfunc_end2:
_tile_overlayer_lowered:
.L_overlay_start_2:
0x409: {  	(tag) =	ssettag $0x2  }
0x40a: {  	s0 =	rddreg [dreg:$0x0];
	s2 =	stileid.u32  }
0x40b: {  	s1 =	rddreg [dreg:$0x1];
	p0 =	sne.s32 s2, $0x0  }
0x40c: {  	s3 =	rddreg [dreg:$0x2];
	[bflag:$0x3] =	sbarrier.arrive $0xFFFF;
	s2 =	simm.s32 @!p0 $0x1C0D  }
0x40d: {  	[timem:s3], [sflag:s2] =	dma.local @!p0 [hbm:s0], s1  }
0x40e: {  	s0 =	simm.s32 @!p0 $0xD  }
0x40f: {  	_ =	swait.ge @!p0 [sflag:s0], s1  }
0x410: {  	s1 =	ssub.s32 @!p0 $0x0, s1;
	[sflag:s0] =	ssyncset.done @!p0 $0x0  }
0x411: {  	[sflag:s0] =	ssyncadd.s32 @!p0 s1  }
0x412: {  	[bflag:$0x3] =	sbarrier.arrive $0xFFFF  }
0x413: {  	_ =	shalt  }

</sc_bundles>
